<compile_context>
chip_gen: v7x
topology: tpu7x:2x2x1
jax: 0.10.2.dev20260603
libtpu: 0.0.44.dev20260713+nightly
codegen_flags: <defaults>
</compile_context>

<pallas_src>
import functools

import jax
import jax.numpy as jnp
from jax import lax
from jax.experimental import pallas as pl
from jax.experimental.pallas import tpu as pltpu
from jax.experimental.pallas import tpu_sc as plsc

NP = 10240
D = 128
NC = 2
NS = 16
NW = NC * NS
CHUNK = 128
NBUF = 2
SPLIT0 = 1
SPLIT1 = 1
ROWS_PER_TILE = NP // NS
ZCOPIES = ROWS_PER_TILE // CHUNK

BR = 2048
NG = NP // 128
BG = BR // 128


def _sc_mesh():
    return plsc.VectorSubcoreMesh(
        core_axis_name="c", subcore_axis_name="s", num_cores=NC, num_subcores=NS
    )


def _make_deg_kernel(cpt):
    @functools.partial(
        pl.kernel,
        out_type=jax.ShapeDtypeStruct((NC, NP), jnp.float32),
        mesh=_sc_mesh(),
        scratch_types=[
            pltpu.VMEM((cpt, CHUNK), jnp.int32),
            pltpu.VMEM((CHUNK,), jnp.float32),
            pltpu.VMEM((ROWS_PER_TILE,), jnp.float32),
            pltpu.VMEM_SHARED((NP,), jnp.float32),
            pltpu.SemaphoreType.DMA,
        ],
    )
    def deg_kernel(dst_hbm, out_hbm, idx_v, ones_v, zeros_v, hist_sh, sem):
        cid = lax.axis_index("c")
        sid = lax.axis_index("s")
        wid = cid * NS + sid
        for i in range(CHUNK // 16):
            ones_v[pl.ds(i * 16, 16)] = jnp.ones((16,), jnp.float32)
        for i in range(ROWS_PER_TILE // 16):
            zeros_v[pl.ds(i * 16, 16)] = jnp.zeros((16,), jnp.float32)
        pltpu.sync_copy(zeros_v, hist_sh.at[pl.ds(sid * ROWS_PER_TILE, ROWS_PER_TILE)])
        pltpu.sync_copy(dst_hbm.at[wid], idx_v)
        plsc.subcore_barrier()

        def body(j, carry):
            pltpu.async_copy(ones_v, hist_sh.at[idx_v.at[j]], sem, add=True).wait()
            return carry

        lax.fori_loop(0, cpt, body, 0)
        plsc.subcore_barrier()
        pltpu.sync_copy(
            hist_sh.at[pl.ds(sid * ROWS_PER_TILE, ROWS_PER_TILE)],
            out_hbm.at[cid, pl.ds(sid * ROWS_PER_TILE, ROWS_PER_TILE)],
        )

    return deg_kernel


SEG = 8


def _make_spmm_kernel(cpt0, cpt1):
    nch0 = NS * cpt0

    @functools.partial(
        pl.kernel,
        out_type=jax.ShapeDtypeStruct((NC, NP, D), jnp.float32),
        mesh=_sc_mesh(),
        scratch_types=[
            pltpu.VMEM((2, SEG, CHUNK), jnp.int32),
            pltpu.VMEM((2, SEG, CHUNK), jnp.int32),
            [pltpu.VMEM((CHUNK, D), jnp.float32) for _ in range(NBUF)],
            pltpu.VMEM_SHARED((NP, D), jnp.float32),
            [pltpu.SemaphoreType.DMA for _ in range(NBUF)],
            pltpu.SemaphoreType.DMA,
        ],
    )
    def spmm_kernel(y_hbm, src_hbm, dst_hbm, out_hbm,
                    srcv, dstv, bufs, acc_sh, gsems, isem):
        cid = lax.axis_index("c")
        sid = lax.axis_index("s")
        mycpt = cpt0 - cid * (cpt0 - cpt1)
        nseg = mycpt // SEG
        base = cid * nch0 + sid * mycpt
        pltpu.sync_copy(src_hbm.at[pl.ds(base, SEG)], srcv.at[0])
        pltpu.sync_copy(dst_hbm.at[pl.ds(base, SEG)], dstv.at[0])

        def zbody(r, carry):
            for i in range(D // 16):
                bufs[0][r, pl.ds(i * 16, 16)] = jnp.zeros((16,), jnp.float32)
            return carry

        lax.fori_loop(0, CHUNK, zbody, 0)
        for k in range(ZCOPIES):
            pltpu.sync_copy(
                bufs[0], acc_sh.at[pl.ds(sid * ROWS_PER_TILE + k * CHUNK, CHUNK)]
            )
        plsc.subcore_barrier()

        def seg_body(s, carry):
            p = lax.rem(s, 2)
            q = lax.rem(s + 1, 2)
            nbase = base + (s + 1) * SEG

            @pl.when(s < nseg - 1)
            def _prefetch():
                pltpu.async_copy(src_hbm.at[pl.ds(nbase, SEG)], srcv.at[q], isem)
                pltpu.async_copy(dst_hbm.at[pl.ds(nbase, SEG)], dstv.at[q], isem)

            for b in range(NBUF):
                pltpu.async_copy(acc_sh.at[srcv.at[p, b]], bufs[b], gsems[b])

            def group(i, c):
                for b in range(NBUF):
                    j = NBUF * i + b
                    pltpu.make_async_copy(
                        acc_sh.at[srcv.at[p, j]], bufs[b], gsems[b]
                    ).wait()
                    pltpu.sync_copy(bufs[b], acc_sh.at[dstv.at[p, j]], add=True)

                    @pl.when(j + NBUF < SEG)
                    def _next():
                        pltpu.async_copy(
                            acc_sh.at[srcv.at[p, j + NBUF]], bufs[b], gsems[b]
                        )
                return c

            lax.fori_loop(0, SEG // NBUF, group, 0)

            @pl.when(s < nseg - 1)
            def _drain_idx():
                pltpu.make_async_copy(
                    src_hbm.at[pl.ds(nbase, SEG)], srcv.at[q], isem
                ).wait()
                pltpu.make_async_copy(
                    dst_hbm.at[pl.ds(nbase, SEG)], dstv.at[q], isem
                ).wait()

            return carry

        lax.fori_loop(0, nseg, seg_body, 0)
        plsc.subcore_barrier()
        for k in range(ZCOPIES):
            pltpu.sync_copy(
                acc_sh.at[pl.ds(sid * ROWS_PER_TILE + k * CHUNK, CHUNK)],
                out_hbm.at[cid, pl.ds(sid * ROWS_PER_TILE + k * CHUNK, CHUNK)],
            )

    return spmm_kernel


def _scale_body(x_ref, w_ref, dp_ref, y_ref):
    dis = lax.rsqrt(1.0 + dp_ref[0] + dp_ref[1])
    xw = jnp.dot(x_ref[...], w_ref[...], preferred_element_type=jnp.float32)
    y_ref[...] = (xw.reshape(BG, 128, D) * dis[:, :, None]).reshape(BR, D)


def _mid_body(ap_ref, y_ref, dp_ref, b_ref, w_ref, o_ref):
    dis = lax.rsqrt(1.0 + dp_ref[0] + dp_ref[1])
    acc = ap_ref[0] + ap_ref[1] + y_ref[...]
    pre = (acc.reshape(BG, 128, D) * dis[:, :, None]).reshape(BR, D) + b_ref[...]
    h = jnp.maximum(pre, 0.0)
    xw = jnp.dot(h, w_ref[...], preferred_element_type=jnp.float32)
    o_ref[...] = (xw.reshape(BG, 128, D) * dis[:, :, None]).reshape(BR, D)


def _out_body(ap_ref, y_ref, dp_ref, b_ref, wc_ref, bc_ref, o_ref):
    dis = lax.rsqrt(1.0 + dp_ref[0] + dp_ref[1])
    acc = ap_ref[0] + ap_ref[1] + y_ref[...]
    pre = (acc.reshape(BG, 128, D) * dis[:, :, None]).reshape(BR, D) + b_ref[...]
    h = jnp.maximum(pre, 0.0)
    o_ref[...] = (
        jnp.dot(h, wc_ref[...], preferred_element_type=jnp.float32) + bc_ref[...]
    )


def _row_spec(width):
    return pl.BlockSpec((BR, width), lambda g: (g, 0))


_DP_SPEC = pl.BlockSpec((2, BG, 128), lambda g: (0, g, 0))
_AP_SPEC = pl.BlockSpec((2, BR, D), lambda g: (0, g, 0))


def _const_spec(shape):
    nd = len(shape)
    return pl.BlockSpec(shape, lambda g: (0,) * nd)


def _tc_scale(xp, W, dp3):
    return pl.pallas_call(
        _scale_body,
        grid=(NP // BR,),
        in_specs=[_row_spec(D), _const_spec((D, D)), _DP_SPEC],
        out_specs=_row_spec(D),
        out_shape=jax.ShapeDtypeStruct((NP, D), jnp.float32),
    )(xp, W, dp3)


def _tc_mid(ap, y, dp3, b, W):
    return pl.pallas_call(
        _mid_body,
        grid=(NP // BR,),
        in_specs=[_AP_SPEC, _row_spec(D), _DP_SPEC, _const_spec((1, D)),
                  _const_spec((D, D))],
        out_specs=_row_spec(D),
        out_shape=jax.ShapeDtypeStruct((NP, D), jnp.float32),
    )(ap, y, dp3, b, W)


def _tc_out(ap, y, dp3, b, Wc, bc):
    ne = Wc.shape[1]
    return pl.pallas_call(
        _out_body,
        grid=(NP // BR,),
        in_specs=[_AP_SPEC, _row_spec(D), _DP_SPEC, _const_spec((1, D)),
                  _const_spec((D, ne)), _const_spec((1, ne))],
        out_specs=_row_spec(ne),
        out_shape=jax.ShapeDtypeStruct((NP, ne), jnp.float32),
    )(ap, y, dp3, b, Wc, bc)


def kernel(x, edge_index, W1, b1, W2, b2, Wc, bc):
    n, _ = x.shape
    e = edge_index.shape[1]
    unit = NS * SEG * (SPLIT0 + SPLIT1)
    ct = -(-(-(-e // CHUNK)) // unit) * unit
    cpt1 = (ct // unit) * SEG * SPLIT1
    cpt0 = (ct // unit) * SEG * SPLIT0
    ep = ct * CHUNK

    src = edge_index[0].astype(jnp.int32)
    dst = edge_index[1].astype(jnp.int32)
    src2 = jnp.concatenate([src, jnp.zeros((ep - e,), jnp.int32)]).reshape(
        ct, CHUNK
    )
    dst2 = jnp.concatenate([dst, jnp.full((ep - e,), n, jnp.int32)]).reshape(
        ct, CHUNK
    )
    dst3 = dst2.reshape(NW, ct // NW, CHUNK)
    xp = jnp.pad(x, ((0, NP - n), (0, 0)))
    b1r = b1.reshape(1, D)
    b2r = b2.reshape(1, D)
    bcr = bc.reshape(1, -1)

    degparts = _make_deg_kernel(ct // NW)(dst3)
    dp3 = degparts.reshape(NC, NG, 128)

    spmm = _make_spmm_kernel(cpt0, cpt1)
    y1 = _tc_scale(xp, W1, dp3)
    ap1 = spmm(y1, src2, dst2)
    y2 = _tc_mid(ap1, y1, dp3, b1r, W2)
    ap2 = spmm(y2, src2, dst2)
    out = _tc_out(ap2, y2, dp3, b2r, Wc, bcr)
    return out[:n]

# --- scband reference (transcript-rebuilt; emitter-appended) ---
"""Pipeline reference for scband-euclidean-gating-66314295050615 (READ-ONLY COPY).

The authoritative reference and input builder live on the scoring server;
editing this copy changes nothing except your own understanding.
"""

import jax, jax.numpy as jnp
import numpy as np

N_NODES = 10000
N_EDGES = 320000
IN_DIM = 128
HID_DIM = 128
NUM_EXPERTS = 8


def _gcn_conv(x, edge_index, W, b, num_nodes):
    # x' = D^{-1/2} (A + I) D^{-1/2} X W + b  (PyG GCNConv semantics)
    x = x @ W
    src = edge_index[0]
    dst = edge_index[1]
    loop = jnp.arange(num_nodes, dtype=src.dtype)
    src = jnp.concatenate([src, loop])
    dst = jnp.concatenate([dst, loop])
    ones = jnp.ones(src.shape[0], dtype=x.dtype)
    deg = jax.ops.segment_sum(ones, dst, num_segments=num_nodes)
    deg_inv_sqrt = jnp.where(deg > 0, jax.lax.rsqrt(deg), 0.0)
    norm = deg_inv_sqrt[src] * deg_inv_sqrt[dst]
    msgs = x[src] * norm[:, None]
    out = jax.ops.segment_sum(msgs, dst, num_segments=num_nodes)
    return out + b


def setup_inputs(seed: int = 0) -> dict:
    key = jax.random.key(seed)
    k_x, k_e, k_w1, k_b1, k_w2, k_b2, k_wc, k_bc = jax.random.split(key, 8)
    x = jax.random.normal(k_x, (N_NODES, IN_DIM), dtype=jnp.float32)
    edge_index = jax.random.randint(k_e, (2, N_EDGES), 0, N_NODES, dtype=jnp.int64 if jax.config.jax_enable_x64 else jnp.int32)
    s1 = 1.0 / np.sqrt(IN_DIM)
    s2 = 1.0 / np.sqrt(HID_DIM)
    W1 = jax.random.uniform(k_w1, (IN_DIM, HID_DIM), dtype=jnp.float32, minval=-s1, maxval=s1)
    b1 = jax.random.uniform(k_b1, (HID_DIM,), dtype=jnp.float32, minval=-s1, maxval=s1)
    W2 = jax.random.uniform(k_w2, (HID_DIM, HID_DIM), dtype=jnp.float32, minval=-s2, maxval=s2)
    b2 = jax.random.uniform(k_b2, (HID_DIM,), dtype=jnp.float32, minval=-s2, maxval=s2)
    Wc = jax.random.uniform(k_wc, (HID_DIM, NUM_EXPERTS), dtype=jnp.float32, minval=-s2, maxval=s2)
    bc = jax.random.uniform(k_bc, (NUM_EXPERTS,), dtype=jnp.float32, minval=-s2, maxval=s2)
    return {"x": x, "edge_index": edge_index, "W1": W1, "b1": b1, "W2": W2, "b2": b2, "Wc": Wc, "bc": bc}


def reference(x, edge_index, W1, b1, W2, b2, Wc, bc):
    # EuclideanGating.forward in eval mode (dropout is identity)
    h = _gcn_conv(x, edge_index, W1, b1, N_NODES)
    h = jax.nn.relu(h)
    h = _gcn_conv(h, edge_index, W2, b2, N_NODES)
    h = jax.nn.relu(h)
    out = h @ Wc + bc
    return out

if __name__ == "__main__":
    import jax
    _d = setup_inputs()
    print(jax.jit(kernel)(*tuple(_d.values())))

</pallas_src>

<mosaic_0001>
#map = affine_map<(d0, d1) -> (0, 0)>
#map1 = affine_map<(d0, d1) -> (0, 0, 0)>
module attributes {stable_mosaic.version = 14 : i64} {
  func.func @spmm_kernel(%arg0: i32, %arg1: i32, %arg2: memref<10240x128xf32, #tpu.memory_space<hbm>>, %arg3: memref<2560x128xi32, #tpu.memory_space<hbm>>, %arg4: memref<2560x128xi32, #tpu.memory_space<hbm>>, %arg5: memref<2x10240x128xf32, #tpu.memory_space<hbm>>, %arg6: memref<2x8x128xi32, #tpu.memory_space<vmem>>, %arg7: memref<2x8x128xi32, #tpu.memory_space<vmem>>, %arg8: memref<128x128xf32, #tpu.memory_space<vmem>>, %arg9: memref<128x128xf32, #tpu.memory_space<vmem>>, %arg10: memref<10240x128xf32, #tpu.memory_space<vmem_shared>>, %arg11: memref<!tpu.dma_semaphore, #tpu.memory_space<semaphore_mem>>, %arg12: memref<!tpu.dma_semaphore, #tpu.memory_space<semaphore_mem>>, %arg13: memref<!tpu.dma_semaphore, #tpu.memory_space<semaphore_mem>>) attributes {dimension_semantics = [#tpu.dimension_semantics<core_parallel>, #tpu.dimension_semantics<subcore_parallel>], iteration_bounds = array<i64: 2, 16>, scalar_prefetch = 0 : i64, scratch_operands = 8 : i64, tpu.core_type = #tpu.core_type<sc_vector_subcore>, window_params = [{transform_indices = #map}, {transform_indices = #map}, {transform_indices = #map}, {transform_indices = #map1}]} {
    %mul3A = arith.constant 0 : i32
    %mul3A_0 = arith.muli %arg0, %mul3A : i32
    %sub3A = arith.constant 80 : i32
    %sub3A_1 = arith.subi %sub3A, %mul3A_0 : i32
    %jit3A = arith.constant 8 : i32
    %div3A = arith.divsi %sub3A_1, %jit3A : i32
    %sign3A = arith.constant 0 : i32
    %sign3A_2 = arith.cmpi sgt, %sub3A_1, %sign3A : i32
    %sign3A_3 = arith.extui %sign3A_2 : i1 to i32
    %sign3A_4 = arith.constant 0 : i32
    %sign3A_5 = arith.cmpi slt, %sub3A_1, %sign3A_4 : i32
    %sign3A_6 = arith.extui %sign3A_5 : i1 to i32
    %sign3A_7 = arith.subi %sign3A_3, %sign3A_6 : i32
    %sign3A_8 = arith.constant 0 : i32
    %sign3A_9 = arith.cmpi sgt, %jit3A, %sign3A_8 : i32
    %sign3A_10 = arith.extui %sign3A_9 : i1 to i32
    %sign3A_11 = arith.constant 0 : i32
    %sign3A_12 = arith.cmpi slt, %jit3A, %sign3A_11 : i32
    %sign3A_13 = arith.extui %sign3A_12 : i1 to i32
    %sign3A_14 = arith.subi %sign3A_10, %sign3A_13 : i32
    %ne3A = arith.cmpi ne, %sign3A_7, %sign3A_14 : i32
    %rem3A = arith.remsi %sub3A_1, %jit3A : i32
    %ne3A_15 = arith.constant 0 : i32
    %ne3A_16 = arith.cmpi ne, %rem3A, %ne3A_15 : i32
    %and3A = arith.andi %ne3A, %ne3A_16 : i1
    %sub3A_17 = arith.constant 1 : i32
    %sub3A_18 = arith.subi %div3A, %sub3A_17 : i32
    %select_n3A = arith.select %and3A, %sub3A_18, %div3A : i32
    %mul3A_19 = arith.constant 1280 : i32
    %mul3A_20 = arith.muli %arg0, %mul3A_19 : i32
    %mul3A_21 = arith.muli %arg1, %sub3A_1 : i32
    %add3A = arith.addi %mul3A_20, %mul3A_21 : i32
    %run_scoped3A = arith.constant 0 : i32
    "tpu.region"() ({
      %run_scoped3A_98 = tpu.sem_alloc : memref<!tpu.dma_semaphore, #tpu.memory_space<semaphore_mem>>
      %dma_start3A = arith.constant 0 : i32
      %dma_start3A_99 = arith.constant 0 : i32
      %dma_start3A_100 = tpu.memref_slice %arg6[%run_scoped3A, %dma_start3A, %dma_start3A_99] : memref<2x8x128xi32, #tpu.memory_space<vmem>> -> memref<1x8x128xi32, #tpu.memory_space<vmem>>
      %dma_start3A_101 = tpu.memref_squeeze %dma_start3A_100 : memref<1x8x128xi32, #tpu.memory_space<vmem>> -> memref<8x128xi32, #tpu.memory_space<vmem>>
      %dma_start3A_102 = arith.constant 0 : i32
      %dma_start3A_103 = tpu.memref_slice %arg3[%add3A, %dma_start3A_102] : memref<2560x128xi32, #tpu.memory_space<hbm>> -> memref<8x128xi32, #tpu.memory_space<hbm>>
      %dma_start3A_104 = arith.constant 0 : i32
      %dma_start3A_105 = arith.constant 0 : i32
      %dma_start3A_106 = tpu.memref_slice %arg6[%run_scoped3A, %dma_start3A_104, %dma_start3A_105] : memref<2x8x128xi32, #tpu.memory_space<vmem>> -> memref<1x8x128xi32, #tpu.memory_space<vmem>>
      %dma_start3A_107 = tpu.memref_squeeze %dma_start3A_106 : memref<1x8x128xi32, #tpu.memory_space<vmem>> -> memref<8x128xi32, #tpu.memory_space<vmem>>
      %dma_start3A_108 = arith.constant 0 : i32
      %dma_start3A_109 = tpu.memref_slice %arg3[%add3A, %dma_start3A_108] : memref<2560x128xi32, #tpu.memory_space<hbm>> -> memref<8x128xi32, #tpu.memory_space<hbm>>
      tpu.enqueue_dma source(%dma_start3A_109 : memref<8x128xi32, #tpu.memory_space<hbm>>) target(%dma_start3A_107 : memref<8x128xi32, #tpu.memory_space<vmem>>) target_semaphore(%run_scoped3A_98 : memref<!tpu.dma_semaphore, #tpu.memory_space<semaphore_mem>>)
      %dma_wait3A = arith.constant 0 : i32
      %dma_wait3A_110 = arith.constant 0 : i32
      %dma_wait3A_111 = tpu.memref_slice %arg6[%run_scoped3A, %dma_wait3A, %dma_wait3A_110] : memref<2x8x128xi32, #tpu.memory_space<vmem>> -> memref<1x8x128xi32, #tpu.memory_space<vmem>>
      %dma_wait3A_112 = tpu.memref_squeeze %dma_wait3A_111 : memref<1x8x128xi32, #tpu.memory_space<vmem>> -> memref<8x128xi32, #tpu.memory_space<vmem>>
      %dma_wait3A_113 = arith.constant 0 : i32
      %dma_wait3A_114 = tpu.memref_slice %arg3[%add3A, %dma_wait3A_113] : memref<2560x128xi32, #tpu.memory_space<hbm>> -> memref<8x128xi32, #tpu.memory_space<hbm>>
      %dma_wait3A_115 = arith.constant 0 : i32
      %dma_wait3A_116 = arith.constant 0 : i32
      %dma_wait3A_117 = tpu.memref_slice %arg6[%run_scoped3A, %dma_wait3A_115, %dma_wait3A_116] : memref<2x8x128xi32, #tpu.memory_space<vmem>> -> memref<1x8x128xi32, #tpu.memory_space<vmem>>
      %dma_wait3A_118 = tpu.memref_squeeze %dma_wait3A_117 : memref<1x8x128xi32, #tpu.memory_space<vmem>> -> memref<8x128xi32, #tpu.memory_space<vmem>>
      %dma_wait3A_119 = arith.constant 0 : i32
      %dma_wait3A_120 = tpu.memref_slice %arg3[%add3A, %dma_wait3A_119] : memref<2560x128xi32, #tpu.memory_space<hbm>> -> memref<8x128xi32, #tpu.memory_space<hbm>>
      tpu.wait_dma2 semaphore(%run_scoped3A_98 : memref<!tpu.dma_semaphore, #tpu.memory_space<semaphore_mem>>) src(%dma_wait3A_120 : memref<8x128xi32, #tpu.memory_space<hbm>>) dst(%dma_wait3A_118 : memref<8x128xi32, #tpu.memory_space<vmem>>)
      tpu.yield
    }) : () -> ()
    %run_scoped3A_22 = arith.constant 0 : i32
    "tpu.region"() ({
      %run_scoped3A_98 = tpu.sem_alloc : memref<!tpu.dma_semaphore, #tpu.memory_space<semaphore_mem>>
      %dma_start3A = arith.constant 0 : i32
      %dma_start3A_99 = arith.constant 0 : i32
      %dma_start3A_100 = tpu.memref_slice %arg7[%run_scoped3A_22, %dma_start3A, %dma_start3A_99] : memref<2x8x128xi32, #tpu.memory_space<vmem>> -> memref<1x8x128xi32, #tpu.memory_space<vmem>>
      %dma_start3A_101 = tpu.memref_squeeze %dma_start3A_100 : memref<1x8x128xi32, #tpu.memory_space<vmem>> -> memref<8x128xi32, #tpu.memory_space<vmem>>
      %dma_start3A_102 = arith.constant 0 : i32
      %dma_start3A_103 = tpu.memref_slice %arg4[%add3A, %dma_start3A_102] : memref<2560x128xi32, #tpu.memory_space<hbm>> -> memref<8x128xi32, #tpu.memory_space<hbm>>
      %dma_start3A_104 = arith.constant 0 : i32
      %dma_start3A_105 = arith.constant 0 : i32
      %dma_start3A_106 = tpu.memref_slice %arg7[%run_scoped3A_22, %dma_start3A_104, %dma_start3A_105] : memref<2x8x128xi32, #tpu.memory_space<vmem>> -> memref<1x8x128xi32, #tpu.memory_space<vmem>>
      %dma_start3A_107 = tpu.memref_squeeze %dma_start3A_106 : memref<1x8x128xi32, #tpu.memory_space<vmem>> -> memref<8x128xi32, #tpu.memory_space<vmem>>
      %dma_start3A_108 = arith.constant 0 : i32
      %dma_start3A_109 = tpu.memref_slice %arg4[%add3A, %dma_start3A_108] : memref<2560x128xi32, #tpu.memory_space<hbm>> -> memref<8x128xi32, #tpu.memory_space<hbm>>
      tpu.enqueue_dma source(%dma_start3A_109 : memref<8x128xi32, #tpu.memory_space<hbm>>) target(%dma_start3A_107 : memref<8x128xi32, #tpu.memory_space<vmem>>) target_semaphore(%run_scoped3A_98 : memref<!tpu.dma_semaphore, #tpu.memory_space<semaphore_mem>>)
      %dma_wait3A = arith.constant 0 : i32
      %dma_wait3A_110 = arith.constant 0 : i32
      %dma_wait3A_111 = tpu.memref_slice %arg7[%run_scoped3A_22, %dma_wait3A, %dma_wait3A_110] : memref<2x8x128xi32, #tpu.memory_space<vmem>> -> memref<1x8x128xi32, #tpu.memory_space<vmem>>
      %dma_wait3A_112 = tpu.memref_squeeze %dma_wait3A_111 : memref<1x8x128xi32, #tpu.memory_space<vmem>> -> memref<8x128xi32, #tpu.memory_space<vmem>>
      %dma_wait3A_113 = arith.constant 0 : i32
      %dma_wait3A_114 = tpu.memref_slice %arg4[%add3A, %dma_wait3A_113] : memref<2560x128xi32, #tpu.memory_space<hbm>> -> memref<8x128xi32, #tpu.memory_space<hbm>>
      %dma_wait3A_115 = arith.constant 0 : i32
      %dma_wait3A_116 = arith.constant 0 : i32
      %dma_wait3A_117 = tpu.memref_slice %arg7[%run_scoped3A_22, %dma_wait3A_115, %dma_wait3A_116] : memref<2x8x128xi32, #tpu.memory_space<vmem>> -> memref<1x8x128xi32, #tpu.memory_space<vmem>>
      %dma_wait3A_118 = tpu.memref_squeeze %dma_wait3A_117 : memref<1x8x128xi32, #tpu.memory_space<vmem>> -> memref<8x128xi32, #tpu.memory_space<vmem>>
      %dma_wait3A_119 = arith.constant 0 : i32
      %dma_wait3A_120 = tpu.memref_slice %arg4[%add3A, %dma_wait3A_119] : memref<2560x128xi32, #tpu.memory_space<hbm>> -> memref<8x128xi32, #tpu.memory_space<hbm>>
      tpu.wait_dma2 semaphore(%run_scoped3A_98 : memref<!tpu.dma_semaphore, #tpu.memory_space<semaphore_mem>>) src(%dma_wait3A_120 : memref<8x128xi32, #tpu.memory_space<hbm>>) dst(%dma_wait3A_118 : memref<8x128xi32, #tpu.memory_space<vmem>>)
      tpu.yield
    }) : () -> ()
    %scan3A = arith.constant 0 : i32
    %scan3A_23 = arith.constant 0 : i32
    %scan3A_24 = arith.constant 128 : i32
    %scan3A_25 = arith.addi %scan3A_23, %scan3A_24 : i32
    %scan3A_26 = arith.constant 1 : i32
    scf.for %scan3A_98 = %scan3A_23 to %scan3A_25 step %scan3A_26  : i32 {
      %broadcast_in_dim3A = arith.constant 0.000000e+00 : f32
      %broadcast_in_dim3A_99 = vector.broadcast %broadcast_in_dim3A : f32 to vector<16xf32>
      %swap3A = arith.index_cast %scan3A_98 : i32 to index
      %swap3A_100 = arith.constant 0 : index
      %swap3A_101 = tpu.vector_load %arg8[%swap3A, %swap3A_100] {strides = array<i32>} : memref<128x128xf32, #tpu.memory_space<vmem>>, vector<1x16xf32>,
      %swap3A_102 = vector.shape_cast %swap3A_101 : vector<1x16xf32> to vector<16xf32>
      %swap3A_103 = vector.shape_cast %broadcast_in_dim3A_99 : vector<16xf32> to vector<1x16xf32>
      tpu.vector_store %arg8[%swap3A, %swap3A_100], %swap3A_103 {strides = array<i32>} : memref<128x128xf32, #tpu.memory_space<vmem>>, vector<1x16xf32>,
      %broadcast_in_dim3A_104 = arith.constant 0.000000e+00 : f32
      %broadcast_in_dim3A_105 = vector.broadcast %broadcast_in_dim3A_104 : f32 to vector<16xf32>
      %swap3A_106 = arith.index_cast %scan3A_98 : i32 to index
      %swap3A_107 = arith.constant 16 : index
      %swap3A_108 = tpu.vector_load %arg8[%swap3A_106, %swap3A_107] {strides = array<i32>} : memref<128x128xf32, #tpu.memory_space<vmem>>, vector<1x16xf32>,
      %swap3A_109 = vector.shape_cast %swap3A_108 : vector<1x16xf32> to vector<16xf32>
      %swap3A_110 = vector.shape_cast %broadcast_in_dim3A_105 : vector<16xf32> to vector<1x16xf32>
      tpu.vector_store %arg8[%swap3A_106, %swap3A_107], %swap3A_110 {strides = array<i32>} : memref<128x128xf32, #tpu.memory_space<vmem>>, vector<1x16xf32>,
      %broadcast_in_dim3A_111 = arith.constant 0.000000e+00 : f32
      %broadcast_in_dim3A_112 = vector.broadcast %broadcast_in_dim3A_111 : f32 to vector<16xf32>
      %swap3A_113 = arith.index_cast %scan3A_98 : i32 to index
      %swap3A_114 = arith.constant 32 : index
      %swap3A_115 = tpu.vector_load %arg8[%swap3A_113, %swap3A_114] {strides = array<i32>} : memref<128x128xf32, #tpu.memory_space<vmem>>, vector<1x16xf32>,
      %swap3A_116 = vector.shape_cast %swap3A_115 : vector<1x16xf32> to vector<16xf32>
      %swap3A_117 = vector.shape_cast %broadcast_in_dim3A_112 : vector<16xf32> to vector<1x16xf32>
      tpu.vector_store %arg8[%swap3A_113, %swap3A_114], %swap3A_117 {strides = array<i32>} : memref<128x128xf32, #tpu.memory_space<vmem>>, vector<1x16xf32>,
      %broadcast_in_dim3A_118 = arith.constant 0.000000e+00 : f32
      %broadcast_in_dim3A_119 = vector.broadcast %broadcast_in_dim3A_118 : f32 to vector<16xf32>
      %swap3A_120 = arith.index_cast %scan3A_98 : i32 to index
      %swap3A_121 = arith.constant 48 : index
      %swap3A_122 = tpu.vector_load %arg8[%swap3A_120, %swap3A_121] {strides = array<i32>} : memref<128x128xf32, #tpu.memory_space<vmem>>, vector<1x16xf32>,
      %swap3A_123 = vector.shape_cast %swap3A_122 : vector<1x16xf32> to vector<16xf32>
      %swap3A_124 = vector.shape_cast %broadcast_in_dim3A_119 : vector<16xf32> to vector<1x16xf32>
      tpu.vector_store %arg8[%swap3A_120, %swap3A_121], %swap3A_124 {strides = array<i32>} : memref<128x128xf32, #tpu.memory_space<vmem>>, vector<1x16xf32>,
      %broadcast_in_dim3A_125 = arith.constant 0.000000e+00 : f32
      %broadcast_in_dim3A_126 = vector.broadcast %broadcast_in_dim3A_125 : f32 to vector<16xf32>
      %swap3A_127 = arith.index_cast %scan3A_98 : i32 to index
      %swap3A_128 = arith.constant 64 : index
      %swap3A_129 = tpu.vector_load %arg8[%swap3A_127, %swap3A_128] {strides = array<i32>} : memref<128x128xf32, #tpu.memory_space<vmem>>, vector<1x16xf32>,
      %swap3A_130 = vector.shape_cast %swap3A_129 : vector<1x16xf32> to vector<16xf32>
      %swap3A_131 = vector.shape_cast %broadcast_in_dim3A_126 : vector<16xf32> to vector<1x16xf32>
      tpu.vector_store %arg8[%swap3A_127, %swap3A_128], %swap3A_131 {strides = array<i32>} : memref<128x128xf32, #tpu.memory_space<vmem>>, vector<1x16xf32>,
      %broadcast_in_dim3A_132 = arith.constant 0.000000e+00 : f32
      %broadcast_in_dim3A_133 = vector.broadcast %broadcast_in_dim3A_132 : f32 to vector<16xf32>
      %swap3A_134 = arith.index_cast %scan3A_98 : i32 to index
      %swap3A_135 = arith.constant 80 : index
      %swap3A_136 = tpu.vector_load %arg8[%swap3A_134, %swap3A_135] {strides = array<i32>} : memref<128x128xf32, #tpu.memory_space<vmem>>, vector<1x16xf32>,
      %swap3A_137 = vector.shape_cast %swap3A_136 : vector<1x16xf32> to vector<16xf32>
      %swap3A_138 = vector.shape_cast %broadcast_in_dim3A_133 : vector<16xf32> to vector<1x16xf32>
      tpu.vector_store %arg8[%swap3A_134, %swap3A_135], %swap3A_138 {strides = array<i32>} : memref<128x128xf32, #tpu.memory_space<vmem>>, vector<1x16xf32>,
      %broadcast_in_dim3A_139 = arith.constant 0.000000e+00 : f32
      %broadcast_in_dim3A_140 = vector.broadcast %broadcast_in_dim3A_139 : f32 to vector<16xf32>
      %swap3A_141 = arith.index_cast %scan3A_98 : i32 to index
      %swap3A_142 = arith.constant 96 : index
      %swap3A_143 = tpu.vector_load %arg8[%swap3A_141, %swap3A_142] {strides = array<i32>} : memref<128x128xf32, #tpu.memory_space<vmem>>, vector<1x16xf32>,
      %swap3A_144 = vector.shape_cast %swap3A_143 : vector<1x16xf32> to vector<16xf32>
      %swap3A_145 = vector.shape_cast %broadcast_in_dim3A_140 : vector<16xf32> to vector<1x16xf32>
      tpu.vector_store %arg8[%swap3A_141, %swap3A_142], %swap3A_145 {strides = array<i32>} : memref<128x128xf32, #tpu.memory_space<vmem>>, vector<1x16xf32>,
      %broadcast_in_dim3A_146 = arith.constant 0.000000e+00 : f32
      %broadcast_in_dim3A_147 = vector.broadcast %broadcast_in_dim3A_146 : f32 to vector<16xf32>
      %swap3A_148 = arith.index_cast %scan3A_98 : i32 to index
      %swap3A_149 = arith.constant 112 : index
      %swap3A_150 = tpu.vector_load %arg8[%swap3A_148, %swap3A_149] {strides = array<i32>} : memref<128x128xf32, #tpu.memory_space<vmem>>, vector<1x16xf32>,
      %swap3A_151 = vector.shape_cast %swap3A_150 : vector<1x16xf32> to vector<16xf32>
      %swap3A_152 = vector.shape_cast %broadcast_in_dim3A_147 : vector<16xf32> to vector<1x16xf32>
      tpu.vector_store %arg8[%swap3A_148, %swap3A_149], %swap3A_152 {strides = array<i32>} : memref<128x128xf32, #tpu.memory_space<vmem>>, vector<1x16xf32>,
    }
    %scan3A_27 = arith.constant 128 : i32
    %mul3A_28 = arith.constant 640 : i32
    %mul3A_29 = arith.muli %arg1, %mul3A_28 : i32
    %add3A_30 = arith.constant 0 : i32
    %add3A_31 = arith.addi %mul3A_29, %add3A_30 : i32
    "tpu.region"() ({
      %run_scoped3A_98 = tpu.sem_alloc : memref<!tpu.dma_semaphore, #tpu.memory_space<semaphore_mem>>
      %dma_start3A = arith.constant 0 : i32
      %dma_start3A_99 = tpu.memref_slice %arg10[%add3A_31, %dma_start3A] : memref<10240x128xf32, #tpu.memory_space<vmem_shared>> -> memref<128x128xf32, #tpu.memory_space<vmem_shared>>
      %dma_start3A_100 = arith.constant 0 : i32
      %dma_start3A_101 = tpu.memref_slice %arg10[%add3A_31, %dma_start3A_100] : memref<10240x128xf32, #tpu.memory_space<vmem_shared>> -> memref<128x128xf32, #tpu.memory_space<vmem_shared>>
      tpu.enqueue_dma source(%arg8 : memref<128x128xf32, #tpu.memory_space<vmem>>) target(%dma_start3A_101 : memref<128x128xf32, #tpu.memory_space<vmem_shared>>) target_semaphore(%run_scoped3A_98 : memref<!tpu.dma_semaphore, #tpu.memory_space<semaphore_mem>>)
      %dma_wait3A = arith.constant 0 : i32
      %dma_wait3A_102 = tpu.memref_slice %arg10[%add3A_31, %dma_wait3A] : memref<10240x128xf32, #tpu.memory_space<vmem_shared>> -> memref<128x128xf32, #tpu.memory_space<vmem_shared>>
      %dma_wait3A_103 = arith.constant 0 : i32
      %dma_wait3A_104 = tpu.memref_slice %arg10[%add3A_31, %dma_wait3A_103] : memref<10240x128xf32, #tpu.memory_space<vmem_shared>> -> memref<128x128xf32, #tpu.memory_space<vmem_shared>>
      tpu.wait_dma2 semaphore(%run_scoped3A_98 : memref<!tpu.dma_semaphore, #tpu.memory_space<semaphore_mem>>) src(%arg8 : memref<128x128xf32, #tpu.memory_space<vmem>>) dst(%dma_wait3A_104 : memref<128x128xf32, #tpu.memory_space<vmem_shared>>)
      tpu.yield
    }) : () -> ()
    %mul3A_32 = arith.constant 640 : i32
    %mul3A_33 = arith.muli %arg1, %mul3A_32 : i32
    %add3A_34 = arith.constant 128 : i32
    %add3A_35 = arith.addi %mul3A_33, %add3A_34 : i32
    "tpu.region"() ({
      %run_scoped3A_98 = tpu.sem_alloc : memref<!tpu.dma_semaphore, #tpu.memory_space<semaphore_mem>>
      %dma_start3A = arith.constant 0 : i32
      %dma_start3A_99 = tpu.memref_slice %arg10[%add3A_35, %dma_start3A] : memref<10240x128xf32, #tpu.memory_space<vmem_shared>> -> memref<128x128xf32, #tpu.memory_space<vmem_shared>>
      %dma_start3A_100 = arith.constant 0 : i32
      %dma_start3A_101 = tpu.memref_slice %arg10[%add3A_35, %dma_start3A_100] : memref<10240x128xf32, #tpu.memory_space<vmem_shared>> -> memref<128x128xf32, #tpu.memory_space<vmem_shared>>
      tpu.enqueue_dma source(%arg8 : memref<128x128xf32, #tpu.memory_space<vmem>>) target(%dma_start3A_101 : memref<128x128xf32, #tpu.memory_space<vmem_shared>>) target_semaphore(%run_scoped3A_98 : memref<!tpu.dma_semaphore, #tpu.memory_space<semaphore_mem>>)
      %dma_wait3A = arith.constant 0 : i32
      %dma_wait3A_102 = tpu.memref_slice %arg10[%add3A_35, %dma_wait3A] : memref<10240x128xf32, #tpu.memory_space<vmem_shared>> -> memref<128x128xf32, #tpu.memory_space<vmem_shared>>
      %dma_wait3A_103 = arith.constant 0 : i32
      %dma_wait3A_104 = tpu.memref_slice %arg10[%add3A_35, %dma_wait3A_103] : memref<10240x128xf32, #tpu.memory_space<vmem_shared>> -> memref<128x128xf32, #tpu.memory_space<vmem_shared>>
      tpu.wait_dma2 semaphore(%run_scoped3A_98 : memref<!tpu.dma_semaphore, #tpu.memory_space<semaphore_mem>>) src(%arg8 : memref<128x128xf32, #tpu.memory_space<vmem>>) dst(%dma_wait3A_104 : memref<128x128xf32, #tpu.memory_space<vmem_shared>>)
      tpu.yield
    }) : () -> ()
    %mul3A_36 = arith.constant 640 : i32
    %mul3A_37 = arith.muli %arg1, %mul3A_36 : i32
    %add3A_38 = arith.constant 256 : i32
    %add3A_39 = arith.addi %mul3A_37, %add3A_38 : i32
    "tpu.region"() ({
      %run_scoped3A_98 = tpu.sem_alloc : memref<!tpu.dma_semaphore, #tpu.memory_space<semaphore_mem>>
      %dma_start3A = arith.constant 0 : i32
      %dma_start3A_99 = tpu.memref_slice %arg10[%add3A_39, %dma_start3A] : memref<10240x128xf32, #tpu.memory_space<vmem_shared>> -> memref<128x128xf32, #tpu.memory_space<vmem_shared>>
      %dma_start3A_100 = arith.constant 0 : i32
      %dma_start3A_101 = tpu.memref_slice %arg10[%add3A_39, %dma_start3A_100] : memref<10240x128xf32, #tpu.memory_space<vmem_shared>> -> memref<128x128xf32, #tpu.memory_space<vmem_shared>>
      tpu.enqueue_dma source(%arg8 : memref<128x128xf32, #tpu.memory_space<vmem>>) target(%dma_start3A_101 : memref<128x128xf32, #tpu.memory_space<vmem_shared>>) target_semaphore(%run_scoped3A_98 : memref<!tpu.dma_semaphore, #tpu.memory_space<semaphore_mem>>)
      %dma_wait3A = arith.constant 0 : i32
      %dma_wait3A_102 = tpu.memref_slice %arg10[%add3A_39, %dma_wait3A] : memref<10240x128xf32, #tpu.memory_space<vmem_shared>> -> memref<128x128xf32, #tpu.memory_space<vmem_shared>>
      %dma_wait3A_103 = arith.constant 0 : i32
      %dma_wait3A_104 = tpu.memref_slice %arg10[%add3A_39, %dma_wait3A_103] : memref<10240x128xf32, #tpu.memory_space<vmem_shared>> -> memref<128x128xf32, #tpu.memory_space<vmem_shared>>
      tpu.wait_dma2 semaphore(%run_scoped3A_98 : memref<!tpu.dma_semaphore, #tpu.memory_space<semaphore_mem>>) src(%arg8 : memref<128x128xf32, #tpu.memory_space<vmem>>) dst(%dma_wait3A_104 : memref<128x128xf32, #tpu.memory_space<vmem_shared>>)
      tpu.yield
    }) : () -> ()
    %mul3A_40 = arith.constant 640 : i32
    %mul3A_41 = arith.muli %arg1, %mul3A_40 : i32
    %add3A_42 = arith.constant 384 : i32
    %add3A_43 = arith.addi %mul3A_41, %add3A_42 : i32
    "tpu.region"() ({
      %run_scoped3A_98 = tpu.sem_alloc : memref<!tpu.dma_semaphore, #tpu.memory_space<semaphore_mem>>
      %dma_start3A = arith.constant 0 : i32
      %dma_start3A_99 = tpu.memref_slice %arg10[%add3A_43, %dma_start3A] : memref<10240x128xf32, #tpu.memory_space<vmem_shared>> -> memref<128x128xf32, #tpu.memory_space<vmem_shared>>
      %dma_start3A_100 = arith.constant 0 : i32
      %dma_start3A_101 = tpu.memref_slice %arg10[%add3A_43, %dma_start3A_100] : memref<10240x128xf32, #tpu.memory_space<vmem_shared>> -> memref<128x128xf32, #tpu.memory_space<vmem_shared>>
      tpu.enqueue_dma source(%arg8 : memref<128x128xf32, #tpu.memory_space<vmem>>) target(%dma_start3A_101 : memref<128x128xf32, #tpu.memory_space<vmem_shared>>) target_semaphore(%run_scoped3A_98 : memref<!tpu.dma_semaphore, #tpu.memory_space<semaphore_mem>>)
      %dma_wait3A = arith.constant 0 : i32
      %dma_wait3A_102 = tpu.memref_slice %arg10[%add3A_43, %dma_wait3A] : memref<10240x128xf32, #tpu.memory_space<vmem_shared>> -> memref<128x128xf32, #tpu.memory_space<vmem_shared>>
      %dma_wait3A_103 = arith.constant 0 : i32
      %dma_wait3A_104 = tpu.memref_slice %arg10[%add3A_43, %dma_wait3A_103] : memref<10240x128xf32, #tpu.memory_space<vmem_shared>> -> memref<128x128xf32, #tpu.memory_space<vmem_shared>>
      tpu.wait_dma2 semaphore(%run_scoped3A_98 : memref<!tpu.dma_semaphore, #tpu.memory_space<semaphore_mem>>) src(%arg8 : memref<128x128xf32, #tpu.memory_space<vmem>>) dst(%dma_wait3A_104 : memref<128x128xf32, #tpu.memory_space<vmem_shared>>)
      tpu.yield
    }) : () -> ()
    %mul3A_44 = arith.constant 640 : i32
    %mul3A_45 = arith.muli %arg1, %mul3A_44 : i32
    %add3A_46 = arith.constant 512 : i32
    %add3A_47 = arith.addi %mul3A_45, %add3A_46 : i32
    "tpu.region"() ({
      %run_scoped3A_98 = tpu.sem_alloc : memref<!tpu.dma_semaphore, #tpu.memory_space<semaphore_mem>>
      %dma_start3A = arith.constant 0 : i32
      %dma_start3A_99 = tpu.memref_slice %arg10[%add3A_47, %dma_start3A] : memref<10240x128xf32, #tpu.memory_space<vmem_shared>> -> memref<128x128xf32, #tpu.memory_space<vmem_shared>>
      %dma_start3A_100 = arith.constant 0 : i32
      %dma_start3A_101 = tpu.memref_slice %arg10[%add3A_47, %dma_start3A_100] : memref<10240x128xf32, #tpu.memory_space<vmem_shared>> -> memref<128x128xf32, #tpu.memory_space<vmem_shared>>
      tpu.enqueue_dma source(%arg8 : memref<128x128xf32, #tpu.memory_space<vmem>>) target(%dma_start3A_101 : memref<128x128xf32, #tpu.memory_space<vmem_shared>>) target_semaphore(%run_scoped3A_98 : memref<!tpu.dma_semaphore, #tpu.memory_space<semaphore_mem>>)
      %dma_wait3A = arith.constant 0 : i32
      %dma_wait3A_102 = tpu.memref_slice %arg10[%add3A_47, %dma_wait3A] : memref<10240x128xf32, #tpu.memory_space<vmem_shared>> -> memref<128x128xf32, #tpu.memory_space<vmem_shared>>
      %dma_wait3A_103 = arith.constant 0 : i32
      %dma_wait3A_104 = tpu.memref_slice %arg10[%add3A_47, %dma_wait3A_103] : memref<10240x128xf32, #tpu.memory_space<vmem_shared>> -> memref<128x128xf32, #tpu.memory_space<vmem_shared>>
      tpu.wait_dma2 semaphore(%run_scoped3A_98 : memref<!tpu.dma_semaphore, #tpu.memory_space<semaphore_mem>>) src(%arg8 : memref<128x128xf32, #tpu.memory_space<vmem>>) dst(%dma_wait3A_104 : memref<128x128xf32, #tpu.memory_space<vmem_shared>>)
      tpu.yield
    }) : () -> ()
    %barrier3A = arith.constant 0 : index
    tpu.barrier barrier_id(%barrier3A)
    %while3A = arith.constant 0 : i32
    %while3A_48 = arith.constant 0 : i32
    %while3A_49 = arith.subi %select_n3A, %while3A_48 : i32
    %while3A_50 = arith.addi %while3A_48, %while3A_49 : i32
    %while3A_51 = arith.constant 1 : i32
    %while3A_52 = arith.divsi %while3A_49, %while3A_51 : i32
    %while3A_53 = arith.muli %while3A_52, %while3A_51 : i32
    %while3A_54 = arith.addi %while3A_48, %while3A_53 : i32
    %while3A_55 = arith.constant 1 : i32
    scf.for %while3A_98 = %while3A_48 to %while3A_54 step %while3A_55  : i32 {
      %rem3A_99 = arith.constant 2 : i32
      %rem3A_100 = arith.remsi %while3A_98, %rem3A_99 : i32
      %add3A_101 = arith.constant 1 : i32
      %add3A_102 = arith.addi %while3A_98, %add3A_101 : i32
      %rem3A_103 = arith.constant 2 : i32
      %rem3A_104 = arith.remsi %add3A_102, %rem3A_103 : i32
      %add3A_105 = arith.constant 1 : i32
      %add3A_106 = arith.addi %while3A_98, %add3A_105 : i32
      %mul3A_107 = arith.constant 8 : i32
      %mul3A_108 = arith.muli %add3A_106, %mul3A_107 : i32
      %add3A_109 = arith.addi %add3A, %mul3A_108 : i32
      %sub3A_110 = arith.constant 1 : i32
      %sub3A_111 = arith.subi %select_n3A, %sub3A_110 : i32
      %lt3A = arith.cmpi slt, %while3A_98, %sub3A_111 : i32
      %convert_element_type3A = arith.extui %lt3A : i1 to i32
      %cond3A = arith.constant 0 : i32
      %cond3A_112 = arith.cmpi ne, %convert_element_type3A, %cond3A : i32
      scf.if %cond3A_112 {
        %dma_start3A_138 = arith.constant 0 : i32
        %dma_start3A_139 = arith.constant 0 : i32
        %dma_start3A_140 = tpu.memref_slice %arg6[%rem3A_104, %dma_start3A_138, %dma_start3A_139] : memref<2x8x128xi32, #tpu.memory_space<vmem>> -> memref<1x8x128xi32, #tpu.memory_space<vmem>>
        %dma_start3A_141 = tpu.memref_squeeze %dma_start3A_140 : memref<1x8x128xi32, #tpu.memory_space<vmem>> -> memref<8x128xi32, #tpu.memory_space<vmem>>
        %dma_start3A_142 = arith.constant 0 : i32
        %dma_start3A_143 = tpu.memref_slice %arg3[%add3A_109, %dma_start3A_142] : memref<2560x128xi32, #tpu.memory_space<hbm>> -> memref<8x128xi32, #tpu.memory_space<hbm>>
        %dma_start3A_144 = arith.constant 0 : i32
        %dma_start3A_145 = arith.constant 0 : i32
        %dma_start3A_146 = tpu.memref_slice %arg6[%rem3A_104, %dma_start3A_144, %dma_start3A_145] : memref<2x8x128xi32, #tpu.memory_space<vmem>> -> memref<1x8x128xi32, #tpu.memory_space<vmem>>
        %dma_start3A_147 = tpu.memref_squeeze %dma_start3A_146 : memref<1x8x128xi32, #tpu.memory_space<vmem>> -> memref<8x128xi32, #tpu.memory_space<vmem>>
        %dma_start3A_148 = arith.constant 0 : i32
        %dma_start3A_149 = tpu.memref_slice %arg3[%add3A_109, %dma_start3A_148] : memref<2560x128xi32, #tpu.memory_space<hbm>> -> memref<8x128xi32, #tpu.memory_space<hbm>>
        tpu.enqueue_dma source(%dma_start3A_149 : memref<8x128xi32, #tpu.memory_space<hbm>>) target(%dma_start3A_147 : memref<8x128xi32, #tpu.memory_space<vmem>>) target_semaphore(%arg13 : memref<!tpu.dma_semaphore, #tpu.memory_space<semaphore_mem>>)
        %dma_start3A_150 = arith.constant 0 : i32
        %dma_start3A_151 = arith.constant 0 : i32
        %dma_start3A_152 = tpu.memref_slice %arg7[%rem3A_104, %dma_start3A_150, %dma_start3A_151] : memref<2x8x128xi32, #tpu.memory_space<vmem>> -> memref<1x8x128xi32, #tpu.memory_space<vmem>>
        %dma_start3A_153 = tpu.memref_squeeze %dma_start3A_152 : memref<1x8x128xi32, #tpu.memory_space<vmem>> -> memref<8x128xi32, #tpu.memory_space<vmem>>
        %dma_start3A_154 = arith.constant 0 : i32
        %dma_start3A_155 = tpu.memref_slice %arg4[%add3A_109, %dma_start3A_154] : memref<2560x128xi32, #tpu.memory_space<hbm>> -> memref<8x128xi32, #tpu.memory_space<hbm>>
        %dma_start3A_156 = arith.constant 0 : i32
        %dma_start3A_157 = arith.constant 0 : i32
        %dma_start3A_158 = tpu.memref_slice %arg7[%rem3A_104, %dma_start3A_156, %dma_start3A_157] : memref<2x8x128xi32, #tpu.memory_space<vmem>> -> memref<1x8x128xi32, #tpu.memory_space<vmem>>
        %dma_start3A_159 = tpu.memref_squeeze %dma_start3A_158 : memref<1x8x128xi32, #tpu.memory_space<vmem>> -> memref<8x128xi32, #tpu.memory_space<vmem>>
        %dma_start3A_160 = arith.constant 0 : i32
        %dma_start3A_161 = tpu.memref_slice %arg4[%add3A_109, %dma_start3A_160] : memref<2560x128xi32, #tpu.memory_space<hbm>> -> memref<8x128xi32, #tpu.memory_space<hbm>>
        tpu.enqueue_dma source(%dma_start3A_161 : memref<8x128xi32, #tpu.memory_space<hbm>>) target(%dma_start3A_159 : memref<8x128xi32, #tpu.memory_space<vmem>>) target_semaphore(%arg13 : memref<!tpu.dma_semaphore, #tpu.memory_space<semaphore_mem>>)
      } else {
      }
      %dma_start3A = arith.constant 0 : i32
      %dma_start3A_113 = arith.constant 0 : i32
      %dma_start3A_114 = tpu.memref_slice %arg6[%rem3A_100, %dma_start3A, %dma_start3A_113] : memref<2x8x128xi32, #tpu.memory_space<vmem>> -> memref<1x1x128xi32, #tpu.memory_space<vmem>>
      %dma_start3A_115 = tpu.memref_squeeze %dma_start3A_114 : memref<1x1x128xi32, #tpu.memory_space<vmem>> -> memref<128xi32, #tpu.memory_space<vmem>>
      %dma_start3A_116 = arith.constant 0 : i32
      %dma_start3A_117 = arith.constant 0 : i32
      %dma_start3A_118 = tpu.memref_slice %arg10[%dma_start3A_116, %dma_start3A_117] : memref<10240x128xf32, #tpu.memory_space<vmem_shared>> -> memref<10240x128xf32, #tpu.memory_space<vmem_shared>>
      tpu.enqueue_indirect_dma source(%dma_start3A_118 : memref<10240x128xf32, #tpu.memory_space<vmem_shared>>) target(%arg8 : memref<128x128xf32, #tpu.memory_space<vmem>>) offsets(%dma_start3A_115 : memref<128xi32, #tpu.memory_space<vmem>>) semaphore(%arg11 : memref<!tpu.dma_semaphore, #tpu.memory_space<semaphore_mem>>)
      %dma_start3A_119 = arith.constant 1 : i32
      %dma_start3A_120 = arith.constant 0 : i32
      %dma_start3A_121 = tpu.memref_slice %arg6[%rem3A_100, %dma_start3A_119, %dma_start3A_120] : memref<2x8x128xi32, #tpu.memory_space<vmem>> -> memref<1x1x128xi32, #tpu.memory_space<vmem>>
      %dma_start3A_122 = tpu.memref_squeeze %dma_start3A_121 : memref<1x1x128xi32, #tpu.memory_space<vmem>> -> memref<128xi32, #tpu.memory_space<vmem>>
      %dma_start3A_123 = arith.constant 0 : i32
      %dma_start3A_124 = arith.constant 0 : i32
      %dma_start3A_125 = tpu.memref_slice %arg10[%dma_start3A_123, %dma_start3A_124] : memref<10240x128xf32, #tpu.memory_space<vmem_shared>> -> memref<10240x128xf32, #tpu.memory_space<vmem_shared>>
      tpu.enqueue_indirect_dma source(%dma_start3A_125 : memref<10240x128xf32, #tpu.memory_space<vmem_shared>>) target(%arg9 : memref<128x128xf32, #tpu.memory_space<vmem>>) offsets(%dma_start3A_122 : memref<128xi32, #tpu.memory_space<vmem>>) semaphore(%arg12 : memref<!tpu.dma_semaphore, #tpu.memory_space<semaphore_mem>>)
      %scan3A_126 = arith.constant 0 : i32
      %scan3A_127 = arith.constant 0 : i32
      %scan3A_128 = arith.constant 4 : i32
      %scan3A_129 = arith.addi %scan3A_127, %scan3A_128 : i32
      %scan3A_130 = arith.constant 1 : i32
      scf.for %scan3A_138 = %scan3A_127 to %scan3A_129 step %scan3A_130  : i32 {
        %mul3A_139 = arith.constant 2 : i32
        %mul3A_140 = arith.muli %mul3A_139, %scan3A_138 : i32
        %add3A_141 = arith.constant 0 : i32
        %add3A_142 = arith.addi %mul3A_140, %add3A_141 : i32
        %dma_wait3A = arith.constant 0 : i32
        %dma_wait3A_143 = tpu.memref_slice %arg6[%rem3A_100, %add3A_142, %dma_wait3A] : memref<2x8x128xi32, #tpu.memory_space<vmem>> -> memref<1x1x128xi32, #tpu.memory_space<vmem>>
        %dma_wait3A_144 = tpu.memref_squeeze %dma_wait3A_143 : memref<1x1x128xi32, #tpu.memory_space<vmem>> -> memref<128xi32, #tpu.memory_space<vmem>>
        %dma_wait3A_145 = arith.constant 0 : i32
        %dma_wait3A_146 = arith.constant 0 : i32
        %dma_wait3A_147 = tpu.memref_slice %arg10[%dma_wait3A_145, %dma_wait3A_146] : memref<10240x128xf32, #tpu.memory_space<vmem_shared>> -> memref<10240x128xf32, #tpu.memory_space<vmem_shared>>
        tpu.wait_indirect_dma semaphore(%arg11 : memref<!tpu.dma_semaphore, #tpu.memory_space<semaphore_mem>>) src(%dma_wait3A_147 : memref<10240x128xf32, #tpu.memory_space<vmem_shared>>) dst(%arg8 : memref<128x128xf32, #tpu.memory_space<vmem>>)
        "tpu.region"() ({
          %run_scoped3A_172 = tpu.sem_alloc : memref<!tpu.dma_semaphore, #tpu.memory_space<semaphore_mem>>
          %dma_start3A_173 = arith.constant 0 : i32
          %dma_start3A_174 = tpu.memref_slice %arg7[%rem3A_100, %add3A_142, %dma_start3A_173] : memref<2x8x128xi32, #tpu.memory_space<vmem>> -> memref<1x1x128xi32, #tpu.memory_space<vmem>>
          %dma_start3A_175 = tpu.memref_squeeze %dma_start3A_174 : memref<1x1x128xi32, #tpu.memory_space<vmem>> -> memref<128xi32, #tpu.memory_space<vmem>>
          %dma_start3A_176 = arith.constant 0 : i32
          %dma_start3A_177 = arith.constant 0 : i32
          %dma_start3A_178 = tpu.memref_slice %arg10[%dma_start3A_176, %dma_start3A_177] : memref<10240x128xf32, #tpu.memory_space<vmem_shared>> -> memref<10240x128xf32, #tpu.memory_space<vmem_shared>>
          tpu.enqueue_indirect_dma source(%arg8 : memref<128x128xf32, #tpu.memory_space<vmem>>) target(%dma_start3A_178 : memref<10240x128xf32, #tpu.memory_space<vmem_shared>>) offsets(%dma_start3A_175 : memref<128xi32, #tpu.memory_space<vmem>>) semaphore(%run_scoped3A_172 : memref<!tpu.dma_semaphore, #tpu.memory_space<semaphore_mem>>) {add = true}
          %dma_wait3A_179 = arith.constant 0 : i32
          %dma_wait3A_180 = tpu.memref_slice %arg7[%rem3A_100, %add3A_142, %dma_wait3A_179] : memref<2x8x128xi32, #tpu.memory_space<vmem>> -> memref<1x1x128xi32, #tpu.memory_space<vmem>>
          %dma_wait3A_181 = tpu.memref_squeeze %dma_wait3A_180 : memref<1x1x128xi32, #tpu.memory_space<vmem>> -> memref<128xi32, #tpu.memory_space<vmem>>
          %dma_wait3A_182 = arith.constant 0 : i32
          %dma_wait3A_183 = arith.constant 0 : i32
          %dma_wait3A_184 = tpu.memref_slice %arg10[%dma_wait3A_182, %dma_wait3A_183] : memref<10240x128xf32, #tpu.memory_space<vmem_shared>> -> memref<10240x128xf32, #tpu.memory_space<vmem_shared>>
          tpu.wait_indirect_dma semaphore(%run_scoped3A_172 : memref<!tpu.dma_semaphore, #tpu.memory_space<semaphore_mem>>) src(%arg8 : memref<128x128xf32, #tpu.memory_space<vmem>>) dst(%dma_wait3A_184 : memref<10240x128xf32, #tpu.memory_space<vmem_shared>>)
          tpu.yield
        }) : () -> ()
        %add3A_148 = arith.constant 2 : i32
        %add3A_149 = arith.addi %add3A_142, %add3A_148 : i32
        %lt3A_150 = arith.constant 8 : i32
        %lt3A_151 = arith.cmpi slt, %add3A_149, %lt3A_150 : i32
        %convert_element_type3A_152 = arith.extui %lt3A_151 : i1 to i32
        %cond3A_153 = arith.constant 0 : i32
        %cond3A_154 = arith.cmpi ne, %convert_element_type3A_152, %cond3A_153 : i32
        scf.if %cond3A_154 {
          %add3A_172 = arith.constant 2 : i32
          %add3A_173 = arith.addi %add3A_142, %add3A_172 : i32
          %dma_start3A_174 = arith.constant 0 : i32
          %dma_start3A_175 = tpu.memref_slice %arg6[%rem3A_100, %add3A_173, %dma_start3A_174] : memref<2x8x128xi32, #tpu.memory_space<vmem>> -> memref<1x1x128xi32, #tpu.memory_space<vmem>>
          %dma_start3A_176 = tpu.memref_squeeze %dma_start3A_175 : memref<1x1x128xi32, #tpu.memory_space<vmem>> -> memref<128xi32, #tpu.memory_space<vmem>>
          %dma_start3A_177 = arith.constant 0 : i32
          %dma_start3A_178 = arith.constant 0 : i32
          %dma_start3A_179 = tpu.memref_slice %arg10[%dma_start3A_177, %dma_start3A_178] : memref<10240x128xf32, #tpu.memory_space<vmem_shared>> -> memref<10240x128xf32, #tpu.memory_space<vmem_shared>>
          tpu.enqueue_indirect_dma source(%dma_start3A_179 : memref<10240x128xf32, #tpu.memory_space<vmem_shared>>) target(%arg8 : memref<128x128xf32, #tpu.memory_space<vmem>>) offsets(%dma_start3A_176 : memref<128xi32, #tpu.memory_space<vmem>>) semaphore(%arg11 : memref<!tpu.dma_semaphore, #tpu.memory_space<semaphore_mem>>)
        } else {
        }
        %mul3A_155 = arith.constant 2 : i32
        %mul3A_156 = arith.muli %mul3A_155, %scan3A_138 : i32
        %add3A_157 = arith.constant 1 : i32
        %add3A_158 = arith.addi %mul3A_156, %add3A_157 : i32
        %dma_wait3A_159 = arith.constant 0 : i32
        %dma_wait3A_160 = tpu.memref_slice %arg6[%rem3A_100, %add3A_158, %dma_wait3A_159] : memref<2x8x128xi32, #tpu.memory_space<vmem>> -> memref<1x1x128xi32, #tpu.memory_space<vmem>>
        %dma_wait3A_161 = tpu.memref_squeeze %dma_wait3A_160 : memref<1x1x128xi32, #tpu.memory_space<vmem>> -> memref<128xi32, #tpu.memory_space<vmem>>
        %dma_wait3A_162 = arith.constant 0 : i32
        %dma_wait3A_163 = arith.constant 0 : i32
        %dma_wait3A_164 = tpu.memref_slice %arg10[%dma_wait3A_162, %dma_wait3A_163] : memref<10240x128xf32, #tpu.memory_space<vmem_shared>> -> memref<10240x128xf32, #tpu.memory_space<vmem_shared>>
        tpu.wait_indirect_dma semaphore(%arg12 : memref<!tpu.dma_semaphore, #tpu.memory_space<semaphore_mem>>) src(%dma_wait3A_164 : memref<10240x128xf32, #tpu.memory_space<vmem_shared>>) dst(%arg9 : memref<128x128xf32, #tpu.memory_space<vmem>>)
        "tpu.region"() ({
          %run_scoped3A_172 = tpu.sem_alloc : memref<!tpu.dma_semaphore, #tpu.memory_space<semaphore_mem>>
          %dma_start3A_173 = arith.constant 0 : i32
          %dma_start3A_174 = tpu.memref_slice %arg7[%rem3A_100, %add3A_158, %dma_start3A_173] : memref<2x8x128xi32, #tpu.memory_space<vmem>> -> memref<1x1x128xi32, #tpu.memory_space<vmem>>
          %dma_start3A_175 = tpu.memref_squeeze %dma_start3A_174 : memref<1x1x128xi32, #tpu.memory_space<vmem>> -> memref<128xi32, #tpu.memory_space<vmem>>
          %dma_start3A_176 = arith.constant 0 : i32
          %dma_start3A_177 = arith.constant 0 : i32
          %dma_start3A_178 = tpu.memref_slice %arg10[%dma_start3A_176, %dma_start3A_177] : memref<10240x128xf32, #tpu.memory_space<vmem_shared>> -> memref<10240x128xf32, #tpu.memory_space<vmem_shared>>
          tpu.enqueue_indirect_dma source(%arg9 : memref<128x128xf32, #tpu.memory_space<vmem>>) target(%dma_start3A_178 : memref<10240x128xf32, #tpu.memory_space<vmem_shared>>) offsets(%dma_start3A_175 : memref<128xi32, #tpu.memory_space<vmem>>) semaphore(%run_scoped3A_172 : memref<!tpu.dma_semaphore, #tpu.memory_space<semaphore_mem>>) {add = true}
          %dma_wait3A_179 = arith.constant 0 : i32
          %dma_wait3A_180 = tpu.memref_slice %arg7[%rem3A_100, %add3A_158, %dma_wait3A_179] : memref<2x8x128xi32, #tpu.memory_space<vmem>> -> memref<1x1x128xi32, #tpu.memory_space<vmem>>
          %dma_wait3A_181 = tpu.memref_squeeze %dma_wait3A_180 : memref<1x1x128xi32, #tpu.memory_space<vmem>> -> memref<128xi32, #tpu.memory_space<vmem>>
          %dma_wait3A_182 = arith.constant 0 : i32
          %dma_wait3A_183 = arith.constant 0 : i32
          %dma_wait3A_184 = tpu.memref_slice %arg10[%dma_wait3A_182, %dma_wait3A_183] : memref<10240x128xf32, #tpu.memory_space<vmem_shared>> -> memref<10240x128xf32, #tpu.memory_space<vmem_shared>>
          tpu.wait_indirect_dma semaphore(%run_scoped3A_172 : memref<!tpu.dma_semaphore, #tpu.memory_space<semaphore_mem>>) src(%arg9 : memref<128x128xf32, #tpu.memory_space<vmem>>) dst(%dma_wait3A_184 : memref<10240x128xf32, #tpu.memory_space<vmem_shared>>)
          tpu.yield
        }) : () -> ()
        %add3A_165 = arith.constant 2 : i32
        %add3A_166 = arith.addi %add3A_158, %add3A_165 : i32
        %lt3A_167 = arith.constant 8 : i32
        %lt3A_168 = arith.cmpi slt, %add3A_166, %lt3A_167 : i32
        %convert_element_type3A_169 = arith.extui %lt3A_168 : i1 to i32
        %cond3A_170 = arith.constant 0 : i32
        %cond3A_171 = arith.cmpi ne, %convert_element_type3A_169, %cond3A_170 : i32
        scf.if %cond3A_171 {
          %add3A_172 = arith.constant 2 : i32
          %add3A_173 = arith.addi %add3A_158, %add3A_172 : i32
          %dma_start3A_174 = arith.constant 0 : i32
          %dma_start3A_175 = tpu.memref_slice %arg6[%rem3A_100, %add3A_173, %dma_start3A_174] : memref<2x8x128xi32, #tpu.memory_space<vmem>> -> memref<1x1x128xi32, #tpu.memory_space<vmem>>
          %dma_start3A_176 = tpu.memref_squeeze %dma_start3A_175 : memref<1x1x128xi32, #tpu.memory_space<vmem>> -> memref<128xi32, #tpu.memory_space<vmem>>
          %dma_start3A_177 = arith.constant 0 : i32
          %dma_start3A_178 = arith.constant 0 : i32
          %dma_start3A_179 = tpu.memref_slice %arg10[%dma_start3A_177, %dma_start3A_178] : memref<10240x128xf32, #tpu.memory_space<vmem_shared>> -> memref<10240x128xf32, #tpu.memory_space<vmem_shared>>
          tpu.enqueue_indirect_dma source(%dma_start3A_179 : memref<10240x128xf32, #tpu.memory_space<vmem_shared>>) target(%arg9 : memref<128x128xf32, #tpu.memory_space<vmem>>) offsets(%dma_start3A_176 : memref<128xi32, #tpu.memory_space<vmem>>) semaphore(%arg12 : memref<!tpu.dma_semaphore, #tpu.memory_space<semaphore_mem>>)
        } else {
        }
      }
      %scan3A_131 = arith.constant 4 : i32
      %sub3A_132 = arith.constant 1 : i32
      %sub3A_133 = arith.subi %select_n3A, %sub3A_132 : i32
      %lt3A_134 = arith.cmpi slt, %while3A_98, %sub3A_133 : i32
      %convert_element_type3A_135 = arith.extui %lt3A_134 : i1 to i32
      %cond3A_136 = arith.constant 0 : i32
      %cond3A_137 = arith.cmpi ne, %convert_element_type3A_135, %cond3A_136 : i32
      scf.if %cond3A_137 {
        %dma_wait3A = arith.constant 0 : i32
        %dma_wait3A_138 = arith.constant 0 : i32
        %dma_wait3A_139 = tpu.memref_slice %arg6[%rem3A_104, %dma_wait3A, %dma_wait3A_138] : memref<2x8x128xi32, #tpu.memory_space<vmem>> -> memref<1x8x128xi32, #tpu.memory_space<vmem>>
        %dma_wait3A_140 = tpu.memref_squeeze %dma_wait3A_139 : memref<1x8x128xi32, #tpu.memory_space<vmem>> -> memref<8x128xi32, #tpu.memory_space<vmem>>
        %dma_wait3A_141 = arith.constant 0 : i32
        %dma_wait3A_142 = tpu.memref_slice %arg3[%add3A_109, %dma_wait3A_141] : memref<2560x128xi32, #tpu.memory_space<hbm>> -> memref<8x128xi32, #tpu.memory_space<hbm>>
        %dma_wait3A_143 = arith.constant 0 : i32
        %dma_wait3A_144 = arith.constant 0 : i32
        %dma_wait3A_145 = tpu.memref_slice %arg6[%rem3A_104, %dma_wait3A_143, %dma_wait3A_144] : memref<2x8x128xi32, #tpu.memory_space<vmem>> -> memref<1x8x128xi32, #tpu.memory_space<vmem>>
        %dma_wait3A_146 = tpu.memref_squeeze %dma_wait3A_145 : memref<1x8x128xi32, #tpu.memory_space<vmem>> -> memref<8x128xi32, #tpu.memory_space<vmem>>
        %dma_wait3A_147 = arith.constant 0 : i32
        %dma_wait3A_148 = tpu.memref_slice %arg3[%add3A_109, %dma_wait3A_147] : memref<2560x128xi32, #tpu.memory_space<hbm>> -> memref<8x128xi32, #tpu.memory_space<hbm>>
        tpu.wait_dma2 semaphore(%arg13 : memref<!tpu.dma_semaphore, #tpu.memory_space<semaphore_mem>>) src(%dma_wait3A_148 : memref<8x128xi32, #tpu.memory_space<hbm>>) dst(%dma_wait3A_146 : memref<8x128xi32, #tpu.memory_space<vmem>>)
        %dma_wait3A_149 = arith.constant 0 : i32
        %dma_wait3A_150 = arith.constant 0 : i32
        %dma_wait3A_151 = tpu.memref_slice %arg7[%rem3A_104, %dma_wait3A_149, %dma_wait3A_150] : memref<2x8x128xi32, #tpu.memory_space<vmem>> -> memref<1x8x128xi32, #tpu.memory_space<vmem>>
        %dma_wait3A_152 = tpu.memref_squeeze %dma_wait3A_151 : memref<1x8x128xi32, #tpu.memory_space<vmem>> -> memref<8x128xi32, #tpu.memory_space<vmem>>
        %dma_wait3A_153 = arith.constant 0 : i32
        %dma_wait3A_154 = tpu.memref_slice %arg4[%add3A_109, %dma_wait3A_153] : memref<2560x128xi32, #tpu.memory_space<hbm>> -> memref<8x128xi32, #tpu.memory_space<hbm>>
        %dma_wait3A_155 = arith.constant 0 : i32
        %dma_wait3A_156 = arith.constant 0 : i32
        %dma_wait3A_157 = tpu.memref_slice %arg7[%rem3A_104, %dma_wait3A_155, %dma_wait3A_156] : memref<2x8x128xi32, #tpu.memory_space<vmem>> -> memref<1x8x128xi32, #tpu.memory_space<vmem>>
        %dma_wait3A_158 = tpu.memref_squeeze %dma_wait3A_157 : memref<1x8x128xi32, #tpu.memory_space<vmem>> -> memref<8x128xi32, #tpu.memory_space<vmem>>
        %dma_wait3A_159 = arith.constant 0 : i32
        %dma_wait3A_160 = tpu.memref_slice %arg4[%add3A_109, %dma_wait3A_159] : memref<2560x128xi32, #tpu.memory_space<hbm>> -> memref<8x128xi32, #tpu.memory_space<hbm>>
        tpu.wait_dma2 semaphore(%arg13 : memref<!tpu.dma_semaphore, #tpu.memory_space<semaphore_mem>>) src(%dma_wait3A_160 : memref<8x128xi32, #tpu.memory_space<hbm>>) dst(%dma_wait3A_158 : memref<8x128xi32, #tpu.memory_space<vmem>>)
      } else {
      }
    }
    %while3A_56 = arith.constant 1 : i32
    scf.for %while3A_98 = %while3A_54 to %while3A_50 step %while3A_56  : i32 {
      %rem3A_99 = arith.constant 2 : i32
      %rem3A_100 = arith.remsi %while3A_98, %rem3A_99 : i32
      %add3A_101 = arith.constant 1 : i32
      %add3A_102 = arith.addi %while3A_98, %add3A_101 : i32
      %rem3A_103 = arith.constant 2 : i32
      %rem3A_104 = arith.remsi %add3A_102, %rem3A_103 : i32
      %add3A_105 = arith.constant 1 : i32
      %add3A_106 = arith.addi %while3A_98, %add3A_105 : i32
      %mul3A_107 = arith.constant 8 : i32
      %mul3A_108 = arith.muli %add3A_106, %mul3A_107 : i32
      %add3A_109 = arith.addi %add3A, %mul3A_108 : i32
      %sub3A_110 = arith.constant 1 : i32
      %sub3A_111 = arith.subi %select_n3A, %sub3A_110 : i32
      %lt3A = arith.cmpi slt, %while3A_98, %sub3A_111 : i32
      %convert_element_type3A = arith.extui %lt3A : i1 to i32
      %cond3A = arith.constant 0 : i32
      %cond3A_112 = arith.cmpi ne, %convert_element_type3A, %cond3A : i32
      scf.if %cond3A_112 {
        %dma_start3A_138 = arith.constant 0 : i32
        %dma_start3A_139 = arith.constant 0 : i32
        %dma_start3A_140 = tpu.memref_slice %arg6[%rem3A_104, %dma_start3A_138, %dma_start3A_139] : memref<2x8x128xi32, #tpu.memory_space<vmem>> -> memref<1x8x128xi32, #tpu.memory_space<vmem>>
        %dma_start3A_141 = tpu.memref_squeeze %dma_start3A_140 : memref<1x8x128xi32, #tpu.memory_space<vmem>> -> memref<8x128xi32, #tpu.memory_space<vmem>>
        %dma_start3A_142 = arith.constant 0 : i32
        %dma_start3A_143 = tpu.memref_slice %arg3[%add3A_109, %dma_start3A_142] : memref<2560x128xi32, #tpu.memory_space<hbm>> -> memref<8x128xi32, #tpu.memory_space<hbm>>
        %dma_start3A_144 = arith.constant 0 : i32
        %dma_start3A_145 = arith.constant 0 : i32
        %dma_start3A_146 = tpu.memref_slice %arg6[%rem3A_104, %dma_start3A_144, %dma_start3A_145] : memref<2x8x128xi32, #tpu.memory_space<vmem>> -> memref<1x8x128xi32, #tpu.memory_space<vmem>>
        %dma_start3A_147 = tpu.memref_squeeze %dma_start3A_146 : memref<1x8x128xi32, #tpu.memory_space<vmem>> -> memref<8x128xi32, #tpu.memory_space<vmem>>
        %dma_start3A_148 = arith.constant 0 : i32
        %dma_start3A_149 = tpu.memref_slice %arg3[%add3A_109, %dma_start3A_148] : memref<2560x128xi32, #tpu.memory_space<hbm>> -> memref<8x128xi32, #tpu.memory_space<hbm>>
        tpu.enqueue_dma source(%dma_start3A_149 : memref<8x128xi32, #tpu.memory_space<hbm>>) target(%dma_start3A_147 : memref<8x128xi32, #tpu.memory_space<vmem>>) target_semaphore(%arg13 : memref<!tpu.dma_semaphore, #tpu.memory_space<semaphore_mem>>)
        %dma_start3A_150 = arith.constant 0 : i32
        %dma_start3A_151 = arith.constant 0 : i32
        %dma_start3A_152 = tpu.memref_slice %arg7[%rem3A_104, %dma_start3A_150, %dma_start3A_151] : memref<2x8x128xi32, #tpu.memory_space<vmem>> -> memref<1x8x128xi32, #tpu.memory_space<vmem>>
        %dma_start3A_153 = tpu.memref_squeeze %dma_start3A_152 : memref<1x8x128xi32, #tpu.memory_space<vmem>> -> memref<8x128xi32, #tpu.memory_space<vmem>>
        %dma_start3A_154 = arith.constant 0 : i32
        %dma_start3A_155 = tpu.memref_slice %arg4[%add3A_109, %dma_start3A_154] : memref<2560x128xi32, #tpu.memory_space<hbm>> -> memref<8x128xi32, #tpu.memory_space<hbm>>
        %dma_start3A_156 = arith.constant 0 : i32
        %dma_start3A_157 = arith.constant 0 : i32
        %dma_start3A_158 = tpu.memref_slice %arg7[%rem3A_104, %dma_start3A_156, %dma_start3A_157] : memref<2x8x128xi32, #tpu.memory_space<vmem>> -> memref<1x8x128xi32, #tpu.memory_space<vmem>>
        %dma_start3A_159 = tpu.memref_squeeze %dma_start3A_158 : memref<1x8x128xi32, #tpu.memory_space<vmem>> -> memref<8x128xi32, #tpu.memory_space<vmem>>
        %dma_start3A_160 = arith.constant 0 : i32
        %dma_start3A_161 = tpu.memref_slice %arg4[%add3A_109, %dma_start3A_160] : memref<2560x128xi32, #tpu.memory_space<hbm>> -> memref<8x128xi32, #tpu.memory_space<hbm>>
        tpu.enqueue_dma source(%dma_start3A_161 : memref<8x128xi32, #tpu.memory_space<hbm>>) target(%dma_start3A_159 : memref<8x128xi32, #tpu.memory_space<vmem>>) target_semaphore(%arg13 : memref<!tpu.dma_semaphore, #tpu.memory_space<semaphore_mem>>)
      } else {
      }
      %dma_start3A = arith.constant 0 : i32
      %dma_start3A_113 = arith.constant 0 : i32
      %dma_start3A_114 = tpu.memref_slice %arg6[%rem3A_100, %dma_start3A, %dma_start3A_113] : memref<2x8x128xi32, #tpu.memory_space<vmem>> -> memref<1x1x128xi32, #tpu.memory_space<vmem>>
      %dma_start3A_115 = tpu.memref_squeeze %dma_start3A_114 : memref<1x1x128xi32, #tpu.memory_space<vmem>> -> memref<128xi32, #tpu.memory_space<vmem>>
      %dma_start3A_116 = arith.constant 0 : i32
      %dma_start3A_117 = arith.constant 0 : i32
      %dma_start3A_118 = tpu.memref_slice %arg10[%dma_start3A_116, %dma_start3A_117] : memref<10240x128xf32, #tpu.memory_space<vmem_shared>> -> memref<10240x128xf32, #tpu.memory_space<vmem_shared>>
      tpu.enqueue_indirect_dma source(%dma_start3A_118 : memref<10240x128xf32, #tpu.memory_space<vmem_shared>>) target(%arg8 : memref<128x128xf32, #tpu.memory_space<vmem>>) offsets(%dma_start3A_115 : memref<128xi32, #tpu.memory_space<vmem>>) semaphore(%arg11 : memref<!tpu.dma_semaphore, #tpu.memory_space<semaphore_mem>>)
      %dma_start3A_119 = arith.constant 1 : i32
      %dma_start3A_120 = arith.constant 0 : i32
      %dma_start3A_121 = tpu.memref_slice %arg6[%rem3A_100, %dma_start3A_119, %dma_start3A_120] : memref<2x8x128xi32, #tpu.memory_space<vmem>> -> memref<1x1x128xi32, #tpu.memory_space<vmem>>
      %dma_start3A_122 = tpu.memref_squeeze %dma_start3A_121 : memref<1x1x128xi32, #tpu.memory_space<vmem>> -> memref<128xi32, #tpu.memory_space<vmem>>
      %dma_start3A_123 = arith.constant 0 : i32
      %dma_start3A_124 = arith.constant 0 : i32
      %dma_start3A_125 = tpu.memref_slice %arg10[%dma_start3A_123, %dma_start3A_124] : memref<10240x128xf32, #tpu.memory_space<vmem_shared>> -> memref<10240x128xf32, #tpu.memory_space<vmem_shared>>
      tpu.enqueue_indirect_dma source(%dma_start3A_125 : memref<10240x128xf32, #tpu.memory_space<vmem_shared>>) target(%arg9 : memref<128x128xf32, #tpu.memory_space<vmem>>) offsets(%dma_start3A_122 : memref<128xi32, #tpu.memory_space<vmem>>) semaphore(%arg12 : memref<!tpu.dma_semaphore, #tpu.memory_space<semaphore_mem>>)
      %scan3A_126 = arith.constant 0 : i32
      %scan3A_127 = arith.constant 0 : i32
      %scan3A_128 = arith.constant 4 : i32
      %scan3A_129 = arith.addi %scan3A_127, %scan3A_128 : i32
      %scan3A_130 = arith.constant 1 : i32
      scf.for %scan3A_138 = %scan3A_127 to %scan3A_129 step %scan3A_130  : i32 {
        %mul3A_139 = arith.constant 2 : i32
        %mul3A_140 = arith.muli %mul3A_139, %scan3A_138 : i32
        %add3A_141 = arith.constant 0 : i32
        %add3A_142 = arith.addi %mul3A_140, %add3A_141 : i32
        %dma_wait3A = arith.constant 0 : i32
        %dma_wait3A_143 = tpu.memref_slice %arg6[%rem3A_100, %add3A_142, %dma_wait3A] : memref<2x8x128xi32, #tpu.memory_space<vmem>> -> memref<1x1x128xi32, #tpu.memory_space<vmem>>
        %dma_wait3A_144 = tpu.memref_squeeze %dma_wait3A_143 : memref<1x1x128xi32, #tpu.memory_space<vmem>> -> memref<128xi32, #tpu.memory_space<vmem>>
        %dma_wait3A_145 = arith.constant 0 : i32
        %dma_wait3A_146 = arith.constant 0 : i32
        %dma_wait3A_147 = tpu.memref_slice %arg10[%dma_wait3A_145, %dma_wait3A_146] : memref<10240x128xf32, #tpu.memory_space<vmem_shared>> -> memref<10240x128xf32, #tpu.memory_space<vmem_shared>>
        tpu.wait_indirect_dma semaphore(%arg11 : memref<!tpu.dma_semaphore, #tpu.memory_space<semaphore_mem>>) src(%dma_wait3A_147 : memref<10240x128xf32, #tpu.memory_space<vmem_shared>>) dst(%arg8 : memref<128x128xf32, #tpu.memory_space<vmem>>)
        "tpu.region"() ({
          %run_scoped3A_172 = tpu.sem_alloc : memref<!tpu.dma_semaphore, #tpu.memory_space<semaphore_mem>>
          %dma_start3A_173 = arith.constant 0 : i32
          %dma_start3A_174 = tpu.memref_slice %arg7[%rem3A_100, %add3A_142, %dma_start3A_173] : memref<2x8x128xi32, #tpu.memory_space<vmem>> -> memref<1x1x128xi32, #tpu.memory_space<vmem>>
          %dma_start3A_175 = tpu.memref_squeeze %dma_start3A_174 : memref<1x1x128xi32, #tpu.memory_space<vmem>> -> memref<128xi32, #tpu.memory_space<vmem>>
          %dma_start3A_176 = arith.constant 0 : i32
          %dma_start3A_177 = arith.constant 0 : i32
          %dma_start3A_178 = tpu.memref_slice %arg10[%dma_start3A_176, %dma_start3A_177] : memref<10240x128xf32, #tpu.memory_space<vmem_shared>> -> memref<10240x128xf32, #tpu.memory_space<vmem_shared>>
          tpu.enqueue_indirect_dma source(%arg8 : memref<128x128xf32, #tpu.memory_space<vmem>>) target(%dma_start3A_178 : memref<10240x128xf32, #tpu.memory_space<vmem_shared>>) offsets(%dma_start3A_175 : memref<128xi32, #tpu.memory_space<vmem>>) semaphore(%run_scoped3A_172 : memref<!tpu.dma_semaphore, #tpu.memory_space<semaphore_mem>>) {add = true}
          %dma_wait3A_179 = arith.constant 0 : i32
          %dma_wait3A_180 = tpu.memref_slice %arg7[%rem3A_100, %add3A_142, %dma_wait3A_179] : memref<2x8x128xi32, #tpu.memory_space<vmem>> -> memref<1x1x128xi32, #tpu.memory_space<vmem>>
          %dma_wait3A_181 = tpu.memref_squeeze %dma_wait3A_180 : memref<1x1x128xi32, #tpu.memory_space<vmem>> -> memref<128xi32, #tpu.memory_space<vmem>>
          %dma_wait3A_182 = arith.constant 0 : i32
          %dma_wait3A_183 = arith.constant 0 : i32
          %dma_wait3A_184 = tpu.memref_slice %arg10[%dma_wait3A_182, %dma_wait3A_183] : memref<10240x128xf32, #tpu.memory_space<vmem_shared>> -> memref<10240x128xf32, #tpu.memory_space<vmem_shared>>
          tpu.wait_indirect_dma semaphore(%run_scoped3A_172 : memref<!tpu.dma_semaphore, #tpu.memory_space<semaphore_mem>>) src(%arg8 : memref<128x128xf32, #tpu.memory_space<vmem>>) dst(%dma_wait3A_184 : memref<10240x128xf32, #tpu.memory_space<vmem_shared>>)
          tpu.yield
        }) : () -> ()
        %add3A_148 = arith.constant 2 : i32
        %add3A_149 = arith.addi %add3A_142, %add3A_148 : i32
        %lt3A_150 = arith.constant 8 : i32
        %lt3A_151 = arith.cmpi slt, %add3A_149, %lt3A_150 : i32
        %convert_element_type3A_152 = arith.extui %lt3A_151 : i1 to i32
        %cond3A_153 = arith.constant 0 : i32
        %cond3A_154 = arith.cmpi ne, %convert_element_type3A_152, %cond3A_153 : i32
        scf.if %cond3A_154 {
          %add3A_172 = arith.constant 2 : i32
          %add3A_173 = arith.addi %add3A_142, %add3A_172 : i32
          %dma_start3A_174 = arith.constant 0 : i32
          %dma_start3A_175 = tpu.memref_slice %arg6[%rem3A_100, %add3A_173, %dma_start3A_174] : memref<2x8x128xi32, #tpu.memory_space<vmem>> -> memref<1x1x128xi32, #tpu.memory_space<vmem>>
          %dma_start3A_176 = tpu.memref_squeeze %dma_start3A_175 : memref<1x1x128xi32, #tpu.memory_space<vmem>> -> memref<128xi32, #tpu.memory_space<vmem>>
          %dma_start3A_177 = arith.constant 0 : i32
          %dma_start3A_178 = arith.constant 0 : i32
          %dma_start3A_179 = tpu.memref_slice %arg10[%dma_start3A_177, %dma_start3A_178] : memref<10240x128xf32, #tpu.memory_space<vmem_shared>> -> memref<10240x128xf32, #tpu.memory_space<vmem_shared>>
          tpu.enqueue_indirect_dma source(%dma_start3A_179 : memref<10240x128xf32, #tpu.memory_space<vmem_shared>>) target(%arg8 : memref<128x128xf32, #tpu.memory_space<vmem>>) offsets(%dma_start3A_176 : memref<128xi32, #tpu.memory_space<vmem>>) semaphore(%arg11 : memref<!tpu.dma_semaphore, #tpu.memory_space<semaphore_mem>>)
        } else {
        }
        %mul3A_155 = arith.constant 2 : i32
        %mul3A_156 = arith.muli %mul3A_155, %scan3A_138 : i32
        %add3A_157 = arith.constant 1 : i32
        %add3A_158 = arith.addi %mul3A_156, %add3A_157 : i32
        %dma_wait3A_159 = arith.constant 0 : i32
        %dma_wait3A_160 = tpu.memref_slice %arg6[%rem3A_100, %add3A_158, %dma_wait3A_159] : memref<2x8x128xi32, #tpu.memory_space<vmem>> -> memref<1x1x128xi32, #tpu.memory_space<vmem>>
        %dma_wait3A_161 = tpu.memref_squeeze %dma_wait3A_160 : memref<1x1x128xi32, #tpu.memory_space<vmem>> -> memref<128xi32, #tpu.memory_space<vmem>>
        %dma_wait3A_162 = arith.constant 0 : i32
        %dma_wait3A_163 = arith.constant 0 : i32
        %dma_wait3A_164 = tpu.memref_slice %arg10[%dma_wait3A_162, %dma_wait3A_163] : memref<10240x128xf32, #tpu.memory_space<vmem_shared>> -> memref<10240x128xf32, #tpu.memory_space<vmem_shared>>
        tpu.wait_indirect_dma semaphore(%arg12 : memref<!tpu.dma_semaphore, #tpu.memory_space<semaphore_mem>>) src(%dma_wait3A_164 : memref<10240x128xf32, #tpu.memory_space<vmem_shared>>) dst(%arg9 : memref<128x128xf32, #tpu.memory_space<vmem>>)
        "tpu.region"() ({
          %run_scoped3A_172 = tpu.sem_alloc : memref<!tpu.dma_semaphore, #tpu.memory_space<semaphore_mem>>
          %dma_start3A_173 = arith.constant 0 : i32
          %dma_start3A_174 = tpu.memref_slice %arg7[%rem3A_100, %add3A_158, %dma_start3A_173] : memref<2x8x128xi32, #tpu.memory_space<vmem>> -> memref<1x1x128xi32, #tpu.memory_space<vmem>>
          %dma_start3A_175 = tpu.memref_squeeze %dma_start3A_174 : memref<1x1x128xi32, #tpu.memory_space<vmem>> -> memref<128xi32, #tpu.memory_space<vmem>>
          %dma_start3A_176 = arith.constant 0 : i32
          %dma_start3A_177 = arith.constant 0 : i32
          %dma_start3A_178 = tpu.memref_slice %arg10[%dma_start3A_176, %dma_start3A_177] : memref<10240x128xf32, #tpu.memory_space<vmem_shared>> -> memref<10240x128xf32, #tpu.memory_space<vmem_shared>>
          tpu.enqueue_indirect_dma source(%arg9 : memref<128x128xf32, #tpu.memory_space<vmem>>) target(%dma_start3A_178 : memref<10240x128xf32, #tpu.memory_space<vmem_shared>>) offsets(%dma_start3A_175 : memref<128xi32, #tpu.memory_space<vmem>>) semaphore(%run_scoped3A_172 : memref<!tpu.dma_semaphore, #tpu.memory_space<semaphore_mem>>) {add = true}
          %dma_wait3A_179 = arith.constant 0 : i32
          %dma_wait3A_180 = tpu.memref_slice %arg7[%rem3A_100, %add3A_158, %dma_wait3A_179] : memref<2x8x128xi32, #tpu.memory_space<vmem>> -> memref<1x1x128xi32, #tpu.memory_space<vmem>>
          %dma_wait3A_181 = tpu.memref_squeeze %dma_wait3A_180 : memref<1x1x128xi32, #tpu.memory_space<vmem>> -> memref<128xi32, #tpu.memory_space<vmem>>
          %dma_wait3A_182 = arith.constant 0 : i32
          %dma_wait3A_183 = arith.constant 0 : i32
          %dma_wait3A_184 = tpu.memref_slice %arg10[%dma_wait3A_182, %dma_wait3A_183] : memref<10240x128xf32, #tpu.memory_space<vmem_shared>> -> memref<10240x128xf32, #tpu.memory_space<vmem_shared>>
          tpu.wait_indirect_dma semaphore(%run_scoped3A_172 : memref<!tpu.dma_semaphore, #tpu.memory_space<semaphore_mem>>) src(%arg9 : memref<128x128xf32, #tpu.memory_space<vmem>>) dst(%dma_wait3A_184 : memref<10240x128xf32, #tpu.memory_space<vmem_shared>>)
          tpu.yield
        }) : () -> ()
        %add3A_165 = arith.constant 2 : i32
        %add3A_166 = arith.addi %add3A_158, %add3A_165 : i32
        %lt3A_167 = arith.constant 8 : i32
        %lt3A_168 = arith.cmpi slt, %add3A_166, %lt3A_167 : i32
        %convert_element_type3A_169 = arith.extui %lt3A_168 : i1 to i32
        %cond3A_170 = arith.constant 0 : i32
        %cond3A_171 = arith.cmpi ne, %convert_element_type3A_169, %cond3A_170 : i32
        scf.if %cond3A_171 {
          %add3A_172 = arith.constant 2 : i32
          %add3A_173 = arith.addi %add3A_158, %add3A_172 : i32
          %dma_start3A_174 = arith.constant 0 : i32
          %dma_start3A_175 = tpu.memref_slice %arg6[%rem3A_100, %add3A_173, %dma_start3A_174] : memref<2x8x128xi32, #tpu.memory_space<vmem>> -> memref<1x1x128xi32, #tpu.memory_space<vmem>>
          %dma_start3A_176 = tpu.memref_squeeze %dma_start3A_175 : memref<1x1x128xi32, #tpu.memory_space<vmem>> -> memref<128xi32, #tpu.memory_space<vmem>>
          %dma_start3A_177 = arith.constant 0 : i32
          %dma_start3A_178 = arith.constant 0 : i32
          %dma_start3A_179 = tpu.memref_slice %arg10[%dma_start3A_177, %dma_start3A_178] : memref<10240x128xf32, #tpu.memory_space<vmem_shared>> -> memref<10240x128xf32, #tpu.memory_space<vmem_shared>>
          tpu.enqueue_indirect_dma source(%dma_start3A_179 : memref<10240x128xf32, #tpu.memory_space<vmem_shared>>) target(%arg9 : memref<128x128xf32, #tpu.memory_space<vmem>>) offsets(%dma_start3A_176 : memref<128xi32, #tpu.memory_space<vmem>>) semaphore(%arg12 : memref<!tpu.dma_semaphore, #tpu.memory_space<semaphore_mem>>)
        } else {
        }
      }
      %scan3A_131 = arith.constant 4 : i32
      %sub3A_132 = arith.constant 1 : i32
      %sub3A_133 = arith.subi %select_n3A, %sub3A_132 : i32
      %lt3A_134 = arith.cmpi slt, %while3A_98, %sub3A_133 : i32
      %convert_element_type3A_135 = arith.extui %lt3A_134 : i1 to i32
      %cond3A_136 = arith.constant 0 : i32
      %cond3A_137 = arith.cmpi ne, %convert_element_type3A_135, %cond3A_136 : i32
      scf.if %cond3A_137 {
        %dma_wait3A = arith.constant 0 : i32
        %dma_wait3A_138 = arith.constant 0 : i32
        %dma_wait3A_139 = tpu.memref_slice %arg6[%rem3A_104, %dma_wait3A, %dma_wait3A_138] : memref<2x8x128xi32, #tpu.memory_space<vmem>> -> memref<1x8x128xi32, #tpu.memory_space<vmem>>
        %dma_wait3A_140 = tpu.memref_squeeze %dma_wait3A_139 : memref<1x8x128xi32, #tpu.memory_space<vmem>> -> memref<8x128xi32, #tpu.memory_space<vmem>>
        %dma_wait3A_141 = arith.constant 0 : i32
        %dma_wait3A_142 = tpu.memref_slice %arg3[%add3A_109, %dma_wait3A_141] : memref<2560x128xi32, #tpu.memory_space<hbm>> -> memref<8x128xi32, #tpu.memory_space<hbm>>
        %dma_wait3A_143 = arith.constant 0 : i32
        %dma_wait3A_144 = arith.constant 0 : i32
        %dma_wait3A_145 = tpu.memref_slice %arg6[%rem3A_104, %dma_wait3A_143, %dma_wait3A_144] : memref<2x8x128xi32, #tpu.memory_space<vmem>> -> memref<1x8x128xi32, #tpu.memory_space<vmem>>
        %dma_wait3A_146 = tpu.memref_squeeze %dma_wait3A_145 : memref<1x8x128xi32, #tpu.memory_space<vmem>> -> memref<8x128xi32, #tpu.memory_space<vmem>>
        %dma_wait3A_147 = arith.constant 0 : i32
        %dma_wait3A_148 = tpu.memref_slice %arg3[%add3A_109, %dma_wait3A_147] : memref<2560x128xi32, #tpu.memory_space<hbm>> -> memref<8x128xi32, #tpu.memory_space<hbm>>
        tpu.wait_dma2 semaphore(%arg13 : memref<!tpu.dma_semaphore, #tpu.memory_space<semaphore_mem>>) src(%dma_wait3A_148 : memref<8x128xi32, #tpu.memory_space<hbm>>) dst(%dma_wait3A_146 : memref<8x128xi32, #tpu.memory_space<vmem>>)
        %dma_wait3A_149 = arith.constant 0 : i32
        %dma_wait3A_150 = arith.constant 0 : i32
        %dma_wait3A_151 = tpu.memref_slice %arg7[%rem3A_104, %dma_wait3A_149, %dma_wait3A_150] : memref<2x8x128xi32, #tpu.memory_space<vmem>> -> memref<1x8x128xi32, #tpu.memory_space<vmem>>
        %dma_wait3A_152 = tpu.memref_squeeze %dma_wait3A_151 : memref<1x8x128xi32, #tpu.memory_space<vmem>> -> memref<8x128xi32, #tpu.memory_space<vmem>>
        %dma_wait3A_153 = arith.constant 0 : i32
        %dma_wait3A_154 = tpu.memref_slice %arg4[%add3A_109, %dma_wait3A_153] : memref<2560x128xi32, #tpu.memory_space<hbm>> -> memref<8x128xi32, #tpu.memory_space<hbm>>
        %dma_wait3A_155 = arith.constant 0 : i32
        %dma_wait3A_156 = arith.constant 0 : i32
        %dma_wait3A_157 = tpu.memref_slice %arg7[%rem3A_104, %dma_wait3A_155, %dma_wait3A_156] : memref<2x8x128xi32, #tpu.memory_space<vmem>> -> memref<1x8x128xi32, #tpu.memory_space<vmem>>
        %dma_wait3A_158 = tpu.memref_squeeze %dma_wait3A_157 : memref<1x8x128xi32, #tpu.memory_space<vmem>> -> memref<8x128xi32, #tpu.memory_space<vmem>>
        %dma_wait3A_159 = arith.constant 0 : i32
        %dma_wait3A_160 = tpu.memref_slice %arg4[%add3A_109, %dma_wait3A_159] : memref<2560x128xi32, #tpu.memory_space<hbm>> -> memref<8x128xi32, #tpu.memory_space<hbm>>
        tpu.wait_dma2 semaphore(%arg13 : memref<!tpu.dma_semaphore, #tpu.memory_space<semaphore_mem>>) src(%dma_wait3A_160 : memref<8x128xi32, #tpu.memory_space<hbm>>) dst(%dma_wait3A_158 : memref<8x128xi32, #tpu.memory_space<vmem>>)
      } else {
      }
    }
    %barrier3A_57 = arith.constant 0 : index
    tpu.barrier barrier_id(%barrier3A_57)
    %mul3A_58 = arith.constant 640 : i32
    %mul3A_59 = arith.muli %arg1, %mul3A_58 : i32
    %add3A_60 = arith.constant 0 : i32
    %add3A_61 = arith.addi %mul3A_59, %add3A_60 : i32
    %mul3A_62 = arith.constant 640 : i32
    %mul3A_63 = arith.muli %arg1, %mul3A_62 : i32
    %add3A_64 = arith.constant 0 : i32
    %add3A_65 = arith.addi %mul3A_63, %add3A_64 : i32
    "tpu.region"() ({
      %run_scoped3A_98 = tpu.sem_alloc : memref<!tpu.dma_semaphore, #tpu.memory_space<semaphore_mem>>
      %dma_start3A = arith.constant 0 : i32
      %dma_start3A_99 = tpu.memref_slice %arg5[%arg0, %add3A_65, %dma_start3A] : memref<2x10240x128xf32, #tpu.memory_space<hbm>> -> memref<1x128x128xf32, #tpu.memory_space<hbm>>
      %dma_start3A_100 = tpu.memref_squeeze %dma_start3A_99 : memref<1x128x128xf32, #tpu.memory_space<hbm>> -> memref<128x128xf32, #tpu.memory_space<hbm>>
      %dma_start3A_101 = arith.constant 0 : i32
      %dma_start3A_102 = tpu.memref_slice %arg10[%add3A_61, %dma_start3A_101] : memref<10240x128xf32, #tpu.memory_space<vmem_shared>> -> memref<128x128xf32, #tpu.memory_space<vmem_shared>>
      tpu.enqueue_dma source(%dma_start3A_102 : memref<128x128xf32, #tpu.memory_space<vmem_shared>>) target(%dma_start3A_100 : memref<128x128xf32, #tpu.memory_space<hbm>>) target_semaphore(%run_scoped3A_98 : memref<!tpu.dma_semaphore, #tpu.memory_space<semaphore_mem>>)
      %dma_wait3A = arith.constant 0 : i32
      %dma_wait3A_103 = tpu.memref_slice %arg5[%arg0, %add3A_65, %dma_wait3A] : memref<2x10240x128xf32, #tpu.memory_space<hbm>> -> memref<1x128x128xf32, #tpu.memory_space<hbm>>
      %dma_wait3A_104 = tpu.memref_squeeze %dma_wait3A_103 : memref<1x128x128xf32, #tpu.memory_space<hbm>> -> memref<128x128xf32, #tpu.memory_space<hbm>>
      %dma_wait3A_105 = arith.constant 0 : i32
      %dma_wait3A_106 = tpu.memref_slice %arg10[%add3A_61, %dma_wait3A_105] : memref<10240x128xf32, #tpu.memory_space<vmem_shared>> -> memref<128x128xf32, #tpu.memory_space<vmem_shared>>
      tpu.wait_dma2 semaphore(%run_scoped3A_98 : memref<!tpu.dma_semaphore, #tpu.memory_space<semaphore_mem>>) src(%dma_wait3A_106 : memref<128x128xf32, #tpu.memory_space<vmem_shared>>) dst(%dma_wait3A_104 : memref<128x128xf32, #tpu.memory_space<hbm>>)
      tpu.yield
    }) : () -> ()
    %mul3A_66 = arith.constant 640 : i32
    %mul3A_67 = arith.muli %arg1, %mul3A_66 : i32
    %add3A_68 = arith.constant 128 : i32
    %add3A_69 = arith.addi %mul3A_67, %add3A_68 : i32
    %mul3A_70 = arith.constant 640 : i32
    %mul3A_71 = arith.muli %arg1, %mul3A_70 : i32
    %add3A_72 = arith.constant 128 : i32
    %add3A_73 = arith.addi %mul3A_71, %add3A_72 : i32
    "tpu.region"() ({
      %run_scoped3A_98 = tpu.sem_alloc : memref<!tpu.dma_semaphore, #tpu.memory_space<semaphore_mem>>
      %dma_start3A = arith.constant 0 : i32
      %dma_start3A_99 = tpu.memref_slice %arg5[%arg0, %add3A_73, %dma_start3A] : memref<2x10240x128xf32, #tpu.memory_space<hbm>> -> memref<1x128x128xf32, #tpu.memory_space<hbm>>
      %dma_start3A_100 = tpu.memref_squeeze %dma_start3A_99 : memref<1x128x128xf32, #tpu.memory_space<hbm>> -> memref<128x128xf32, #tpu.memory_space<hbm>>
      %dma_start3A_101 = arith.constant 0 : i32
      %dma_start3A_102 = tpu.memref_slice %arg10[%add3A_69, %dma_start3A_101] : memref<10240x128xf32, #tpu.memory_space<vmem_shared>> -> memref<128x128xf32, #tpu.memory_space<vmem_shared>>
      tpu.enqueue_dma source(%dma_start3A_102 : memref<128x128xf32, #tpu.memory_space<vmem_shared>>) target(%dma_start3A_100 : memref<128x128xf32, #tpu.memory_space<hbm>>) target_semaphore(%run_scoped3A_98 : memref<!tpu.dma_semaphore, #tpu.memory_space<semaphore_mem>>)
      %dma_wait3A = arith.constant 0 : i32
      %dma_wait3A_103 = tpu.memref_slice %arg5[%arg0, %add3A_73, %dma_wait3A] : memref<2x10240x128xf32, #tpu.memory_space<hbm>> -> memref<1x128x128xf32, #tpu.memory_space<hbm>>
      %dma_wait3A_104 = tpu.memref_squeeze %dma_wait3A_103 : memref<1x128x128xf32, #tpu.memory_space<hbm>> -> memref<128x128xf32, #tpu.memory_space<hbm>>
      %dma_wait3A_105 = arith.constant 0 : i32
      %dma_wait3A_106 = tpu.memref_slice %arg10[%add3A_69, %dma_wait3A_105] : memref<10240x128xf32, #tpu.memory_space<vmem_shared>> -> memref<128x128xf32, #tpu.memory_space<vmem_shared>>
      tpu.wait_dma2 semaphore(%run_scoped3A_98 : memref<!tpu.dma_semaphore, #tpu.memory_space<semaphore_mem>>) src(%dma_wait3A_106 : memref<128x128xf32, #tpu.memory_space<vmem_shared>>) dst(%dma_wait3A_104 : memref<128x128xf32, #tpu.memory_space<hbm>>)
      tpu.yield
    }) : () -> ()
    %mul3A_74 = arith.constant 640 : i32
    %mul3A_75 = arith.muli %arg1, %mul3A_74 : i32
    %add3A_76 = arith.constant 256 : i32
    %add3A_77 = arith.addi %mul3A_75, %add3A_76 : i32
    %mul3A_78 = arith.constant 640 : i32
    %mul3A_79 = arith.muli %arg1, %mul3A_78 : i32
    %add3A_80 = arith.constant 256 : i32
    %add3A_81 = arith.addi %mul3A_79, %add3A_80 : i32
    "tpu.region"() ({
      %run_scoped3A_98 = tpu.sem_alloc : memref<!tpu.dma_semaphore, #tpu.memory_space<semaphore_mem>>
      %dma_start3A = arith.constant 0 : i32
      %dma_start3A_99 = tpu.memref_slice %arg5[%arg0, %add3A_81, %dma_start3A] : memref<2x10240x128xf32, #tpu.memory_space<hbm>> -> memref<1x128x128xf32, #tpu.memory_space<hbm>>
      %dma_start3A_100 = tpu.memref_squeeze %dma_start3A_99 : memref<1x128x128xf32, #tpu.memory_space<hbm>> -> memref<128x128xf32, #tpu.memory_space<hbm>>
      %dma_start3A_101 = arith.constant 0 : i32
      %dma_start3A_102 = tpu.memref_slice %arg10[%add3A_77, %dma_start3A_101] : memref<10240x128xf32, #tpu.memory_space<vmem_shared>> -> memref<128x128xf32, #tpu.memory_space<vmem_shared>>
      tpu.enqueue_dma source(%dma_start3A_102 : memref<128x128xf32, #tpu.memory_space<vmem_shared>>) target(%dma_start3A_100 : memref<128x128xf32, #tpu.memory_space<hbm>>) target_semaphore(%run_scoped3A_98 : memref<!tpu.dma_semaphore, #tpu.memory_space<semaphore_mem>>)
      %dma_wait3A = arith.constant 0 : i32
      %dma_wait3A_103 = tpu.memref_slice %arg5[%arg0, %add3A_81, %dma_wait3A] : memref<2x10240x128xf32, #tpu.memory_space<hbm>> -> memref<1x128x128xf32, #tpu.memory_space<hbm>>
      %dma_wait3A_104 = tpu.memref_squeeze %dma_wait3A_103 : memref<1x128x128xf32, #tpu.memory_space<hbm>> -> memref<128x128xf32, #tpu.memory_space<hbm>>
      %dma_wait3A_105 = arith.constant 0 : i32
      %dma_wait3A_106 = tpu.memref_slice %arg10[%add3A_77, %dma_wait3A_105] : memref<10240x128xf32, #tpu.memory_space<vmem_shared>> -> memref<128x128xf32, #tpu.memory_space<vmem_shared>>
      tpu.wait_dma2 semaphore(%run_scoped3A_98 : memref<!tpu.dma_semaphore, #tpu.memory_space<semaphore_mem>>) src(%dma_wait3A_106 : memref<128x128xf32, #tpu.memory_space<vmem_shared>>) dst(%dma_wait3A_104 : memref<128x128xf32, #tpu.memory_space<hbm>>)
      tpu.yield
    }) : () -> ()
    %mul3A_82 = arith.constant 640 : i32
    %mul3A_83 = arith.muli %arg1, %mul3A_82 : i32
    %add3A_84 = arith.constant 384 : i32
    %add3A_85 = arith.addi %mul3A_83, %add3A_84 : i32
    %mul3A_86 = arith.constant 640 : i32
    %mul3A_87 = arith.muli %arg1, %mul3A_86 : i32
    %add3A_88 = arith.constant 384 : i32
    %add3A_89 = arith.addi %mul3A_87, %add3A_88 : i32
    "tpu.region"() ({
      %run_scoped3A_98 = tpu.sem_alloc : memref<!tpu.dma_semaphore, #tpu.memory_space<semaphore_mem>>
      %dma_start3A = arith.constant 0 : i32
      %dma_start3A_99 = tpu.memref_slice %arg5[%arg0, %add3A_89, %dma_start3A] : memref<2x10240x128xf32, #tpu.memory_space<hbm>> -> memref<1x128x128xf32, #tpu.memory_space<hbm>>
      %dma_start3A_100 = tpu.memref_squeeze %dma_start3A_99 : memref<1x128x128xf32, #tpu.memory_space<hbm>> -> memref<128x128xf32, #tpu.memory_space<hbm>>
      %dma_start3A_101 = arith.constant 0 : i32
      %dma_start3A_102 = tpu.memref_slice %arg10[%add3A_85, %dma_start3A_101] : memref<10240x128xf32, #tpu.memory_space<vmem_shared>> -> memref<128x128xf32, #tpu.memory_space<vmem_shared>>
      tpu.enqueue_dma source(%dma_start3A_102 : memref<128x128xf32, #tpu.memory_space<vmem_shared>>) target(%dma_start3A_100 : memref<128x128xf32, #tpu.memory_space<hbm>>) target_semaphore(%run_scoped3A_98 : memref<!tpu.dma_semaphore, #tpu.memory_space<semaphore_mem>>)
      %dma_wait3A = arith.constant 0 : i32
      %dma_wait3A_103 = tpu.memref_slice %arg5[%arg0, %add3A_89, %dma_wait3A] : memref<2x10240x128xf32, #tpu.memory_space<hbm>> -> memref<1x128x128xf32, #tpu.memory_space<hbm>>
      %dma_wait3A_104 = tpu.memref_squeeze %dma_wait3A_103 : memref<1x128x128xf32, #tpu.memory_space<hbm>> -> memref<128x128xf32, #tpu.memory_space<hbm>>
      %dma_wait3A_105 = arith.constant 0 : i32
      %dma_wait3A_106 = tpu.memref_slice %arg10[%add3A_85, %dma_wait3A_105] : memref<10240x128xf32, #tpu.memory_space<vmem_shared>> -> memref<128x128xf32, #tpu.memory_space<vmem_shared>>
      tpu.wait_dma2 semaphore(%run_scoped3A_98 : memref<!tpu.dma_semaphore, #tpu.memory_space<semaphore_mem>>) src(%dma_wait3A_106 : memref<128x128xf32, #tpu.memory_space<vmem_shared>>) dst(%dma_wait3A_104 : memref<128x128xf32, #tpu.memory_space<hbm>>)
      tpu.yield
    }) : () -> ()
    %mul3A_90 = arith.constant 640 : i32
    %mul3A_91 = arith.muli %arg1, %mul3A_90 : i32
    %add3A_92 = arith.constant 512 : i32
    %add3A_93 = arith.addi %mul3A_91, %add3A_92 : i32
    %mul3A_94 = arith.constant 640 : i32
    %mul3A_95 = arith.muli %arg1, %mul3A_94 : i32
    %add3A_96 = arith.constant 512 : i32
    %add3A_97 = arith.addi %mul3A_95, %add3A_96 : i32
    "tpu.region"() ({
      %run_scoped3A_98 = tpu.sem_alloc : memref<!tpu.dma_semaphore, #tpu.memory_space<semaphore_mem>>
      %dma_start3A = arith.constant 0 : i32
      %dma_start3A_99 = tpu.memref_slice %arg5[%arg0, %add3A_97, %dma_start3A] : memref<2x10240x128xf32, #tpu.memory_space<hbm>> -> memref<1x128x128xf32, #tpu.memory_space<hbm>>
      %dma_start3A_100 = tpu.memref_squeeze %dma_start3A_99 : memref<1x128x128xf32, #tpu.memory_space<hbm>> -> memref<128x128xf32, #tpu.memory_space<hbm>>
      %dma_start3A_101 = arith.constant 0 : i32
      %dma_start3A_102 = tpu.memref_slice %arg10[%add3A_93, %dma_start3A_101] : memref<10240x128xf32, #tpu.memory_space<vmem_shared>> -> memref<128x128xf32, #tpu.memory_space<vmem_shared>>
      tpu.enqueue_dma source(%dma_start3A_102 : memref<128x128xf32, #tpu.memory_space<vmem_shared>>) target(%dma_start3A_100 : memref<128x128xf32, #tpu.memory_space<hbm>>) target_semaphore(%run_scoped3A_98 : memref<!tpu.dma_semaphore, #tpu.memory_space<semaphore_mem>>)
      %dma_wait3A = arith.constant 0 : i32
      %dma_wait3A_103 = tpu.memref_slice %arg5[%arg0, %add3A_97, %dma_wait3A] : memref<2x10240x128xf32, #tpu.memory_space<hbm>> -> memref<1x128x128xf32, #tpu.memory_space<hbm>>
      %dma_wait3A_104 = tpu.memref_squeeze %dma_wait3A_103 : memref<1x128x128xf32, #tpu.memory_space<hbm>> -> memref<128x128xf32, #tpu.memory_space<hbm>>
      %dma_wait3A_105 = arith.constant 0 : i32
      %dma_wait3A_106 = tpu.memref_slice %arg10[%add3A_93, %dma_wait3A_105] : memref<10240x128xf32, #tpu.memory_space<vmem_shared>> -> memref<128x128xf32, #tpu.memory_space<vmem_shared>>
      tpu.wait_dma2 semaphore(%run_scoped3A_98 : memref<!tpu.dma_semaphore, #tpu.memory_space<semaphore_mem>>) src(%dma_wait3A_106 : memref<128x128xf32, #tpu.memory_space<vmem_shared>>) dst(%dma_wait3A_104 : memref<128x128xf32, #tpu.memory_space<hbm>>)
      tpu.yield
    }) : () -> ()
    return
  }
}

#map = affine_map<(d0, d1) -> (0, 0, 0)>
#map1 = affine_map<(d0, d1) -> (0, 0)>
module attributes {stable_mosaic.version = 14 : i64} {
  func.func @deg_kernel(%arg0: i32, %arg1: i32, %arg2: memref<32x80x128xi32, #tpu.memory_space<hbm>>, %arg3: memref<2x10240xf32, #tpu.memory_space<hbm>>, %arg4: memref<80x128xi32, #tpu.memory_space<vmem>>, %arg5: memref<128xf32, #tpu.memory_space<vmem>>, %arg6: memref<640xf32, #tpu.memory_space<vmem>>, %arg7: memref<10240xf32, #tpu.memory_space<vmem_shared>>, %arg8: memref<!tpu.dma_semaphore, #tpu.memory_space<semaphore_mem>>) attributes {dimension_semantics = [#tpu.dimension_semantics<core_parallel>, #tpu.dimension_semantics<subcore_parallel>], iteration_bounds = array<i64: 2, 16>, scalar_prefetch = 0 : i64, scratch_operands = 5 : i64, tpu.core_type = #tpu.core_type<sc_vector_subcore>, window_params = [{transform_indices = #map}, {transform_indices = #map1}]} {
    %mul3A = arith.constant 16 : i32
    %mul3A_0 = arith.muli %arg0, %mul3A : i32
    %add3A = arith.addi %mul3A_0, %arg1 : i32
    %broadcast_in_dim3A = arith.constant 1.000000e+00 : f32
    %broadcast_in_dim3A_1 = vector.broadcast %broadcast_in_dim3A : f32 to vector<16xf32>
    %swap3A = arith.constant 0 : index
    %swap3A_2 = tpu.vector_load %arg5[%swap3A] {strides = array<i32>} : memref<128xf32, #tpu.memory_space<vmem>>, vector<16xf32>,
    %swap3A_3 = vector.shape_cast %swap3A_2 : vector<16xf32> to vector<16xf32>
    %swap3A_4 = vector.shape_cast %broadcast_in_dim3A_1 : vector<16xf32> to vector<16xf32>
    tpu.vector_store %arg5[%swap3A], %swap3A_4 {strides = array<i32>} : memref<128xf32, #tpu.memory_space<vmem>>, vector<16xf32>,
    %broadcast_in_dim3A_5 = arith.constant 1.000000e+00 : f32
    %broadcast_in_dim3A_6 = vector.broadcast %broadcast_in_dim3A_5 : f32 to vector<16xf32>
    %swap3A_7 = arith.constant 16 : index
    %swap3A_8 = tpu.vector_load %arg5[%swap3A_7] {strides = array<i32>} : memref<128xf32, #tpu.memory_space<vmem>>, vector<16xf32>,
    %swap3A_9 = vector.shape_cast %swap3A_8 : vector<16xf32> to vector<16xf32>
    %swap3A_10 = vector.shape_cast %broadcast_in_dim3A_6 : vector<16xf32> to vector<16xf32>
    tpu.vector_store %arg5[%swap3A_7], %swap3A_10 {strides = array<i32>} : memref<128xf32, #tpu.memory_space<vmem>>, vector<16xf32>,
    %broadcast_in_dim3A_11 = arith.constant 1.000000e+00 : f32
    %broadcast_in_dim3A_12 = vector.broadcast %broadcast_in_dim3A_11 : f32 to vector<16xf32>
    %swap3A_13 = arith.constant 32 : index
    %swap3A_14 = tpu.vector_load %arg5[%swap3A_13] {strides = array<i32>} : memref<128xf32, #tpu.memory_space<vmem>>, vector<16xf32>,
    %swap3A_15 = vector.shape_cast %swap3A_14 : vector<16xf32> to vector<16xf32>
    %swap3A_16 = vector.shape_cast %broadcast_in_dim3A_12 : vector<16xf32> to vector<16xf32>
    tpu.vector_store %arg5[%swap3A_13], %swap3A_16 {strides = array<i32>} : memref<128xf32, #tpu.memory_space<vmem>>, vector<16xf32>,
    %broadcast_in_dim3A_17 = arith.constant 1.000000e+00 : f32
    %broadcast_in_dim3A_18 = vector.broadcast %broadcast_in_dim3A_17 : f32 to vector<16xf32>
    %swap3A_19 = arith.constant 48 : index
    %swap3A_20 = tpu.vector_load %arg5[%swap3A_19] {strides = array<i32>} : memref<128xf32, #tpu.memory_space<vmem>>, vector<16xf32>,
    %swap3A_21 = vector.shape_cast %swap3A_20 : vector<16xf32> to vector<16xf32>
    %swap3A_22 = vector.shape_cast %broadcast_in_dim3A_18 : vector<16xf32> to vector<16xf32>
    tpu.vector_store %arg5[%swap3A_19], %swap3A_22 {strides = array<i32>} : memref<128xf32, #tpu.memory_space<vmem>>, vector<16xf32>,
    %broadcast_in_dim3A_23 = arith.constant 1.000000e+00 : f32
    %broadcast_in_dim3A_24 = vector.broadcast %broadcast_in_dim3A_23 : f32 to vector<16xf32>
    %swap3A_25 = arith.constant 64 : index
    %swap3A_26 = tpu.vector_load %arg5[%swap3A_25] {strides = array<i32>} : memref<128xf32, #tpu.memory_space<vmem>>, vector<16xf32>,
    %swap3A_27 = vector.shape_cast %swap3A_26 : vector<16xf32> to vector<16xf32>
    %swap3A_28 = vector.shape_cast %broadcast_in_dim3A_24 : vector<16xf32> to vector<16xf32>
    tpu.vector_store %arg5[%swap3A_25], %swap3A_28 {strides = array<i32>} : memref<128xf32, #tpu.memory_space<vmem>>, vector<16xf32>,
    %broadcast_in_dim3A_29 = arith.constant 1.000000e+00 : f32
    %broadcast_in_dim3A_30 = vector.broadcast %broadcast_in_dim3A_29 : f32 to vector<16xf32>
    %swap3A_31 = arith.constant 80 : index
    %swap3A_32 = tpu.vector_load %arg5[%swap3A_31] {strides = array<i32>} : memref<128xf32, #tpu.memory_space<vmem>>, vector<16xf32>,
    %swap3A_33 = vector.shape_cast %swap3A_32 : vector<16xf32> to vector<16xf32>
    %swap3A_34 = vector.shape_cast %broadcast_in_dim3A_30 : vector<16xf32> to vector<16xf32>
    tpu.vector_store %arg5[%swap3A_31], %swap3A_34 {strides = array<i32>} : memref<128xf32, #tpu.memory_space<vmem>>, vector<16xf32>,
    %broadcast_in_dim3A_35 = arith.constant 1.000000e+00 : f32
    %broadcast_in_dim3A_36 = vector.broadcast %broadcast_in_dim3A_35 : f32 to vector<16xf32>
    %swap3A_37 = arith.constant 96 : index
    %swap3A_38 = tpu.vector_load %arg5[%swap3A_37] {strides = array<i32>} : memref<128xf32, #tpu.memory_space<vmem>>, vector<16xf32>,
    %swap3A_39 = vector.shape_cast %swap3A_38 : vector<16xf32> to vector<16xf32>
    %swap3A_40 = vector.shape_cast %broadcast_in_dim3A_36 : vector<16xf32> to vector<16xf32>
    tpu.vector_store %arg5[%swap3A_37], %swap3A_40 {strides = array<i32>} : memref<128xf32, #tpu.memory_space<vmem>>, vector<16xf32>,
    %broadcast_in_dim3A_41 = arith.constant 1.000000e+00 : f32
    %broadcast_in_dim3A_42 = vector.broadcast %broadcast_in_dim3A_41 : f32 to vector<16xf32>
    %swap3A_43 = arith.constant 112 : index
    %swap3A_44 = tpu.vector_load %arg5[%swap3A_43] {strides = array<i32>} : memref<128xf32, #tpu.memory_space<vmem>>, vector<16xf32>,
    %swap3A_45 = vector.shape_cast %swap3A_44 : vector<16xf32> to vector<16xf32>
    %swap3A_46 = vector.shape_cast %broadcast_in_dim3A_42 : vector<16xf32> to vector<16xf32>
    tpu.vector_store %arg5[%swap3A_43], %swap3A_46 {strides = array<i32>} : memref<128xf32, #tpu.memory_space<vmem>>, vector<16xf32>,
    %broadcast_in_dim3A_47 = arith.constant 0.000000e+00 : f32
    %broadcast_in_dim3A_48 = vector.broadcast %broadcast_in_dim3A_47 : f32 to vector<16xf32>
    %swap3A_49 = arith.constant 0 : index
    %swap3A_50 = tpu.vector_load %arg6[%swap3A_49] {strides = array<i32>} : memref<640xf32, #tpu.memory_space<vmem>>, vector<16xf32>,
    %swap3A_51 = vector.shape_cast %swap3A_50 : vector<16xf32> to vector<16xf32>
    %swap3A_52 = vector.shape_cast %broadcast_in_dim3A_48 : vector<16xf32> to vector<16xf32>
    tpu.vector_store %arg6[%swap3A_49], %swap3A_52 {strides = array<i32>} : memref<640xf32, #tpu.memory_space<vmem>>, vector<16xf32>,
    %broadcast_in_dim3A_53 = arith.constant 0.000000e+00 : f32
    %broadcast_in_dim3A_54 = vector.broadcast %broadcast_in_dim3A_53 : f32 to vector<16xf32>
    %swap3A_55 = arith.constant 16 : index
    %swap3A_56 = tpu.vector_load %arg6[%swap3A_55] {strides = array<i32>} : memref<640xf32, #tpu.memory_space<vmem>>, vector<16xf32>,
    %swap3A_57 = vector.shape_cast %swap3A_56 : vector<16xf32> to vector<16xf32>
    %swap3A_58 = vector.shape_cast %broadcast_in_dim3A_54 : vector<16xf32> to vector<16xf32>
    tpu.vector_store %arg6[%swap3A_55], %swap3A_58 {strides = array<i32>} : memref<640xf32, #tpu.memory_space<vmem>>, vector<16xf32>,
    %broadcast_in_dim3A_59 = arith.constant 0.000000e+00 : f32
    %broadcast_in_dim3A_60 = vector.broadcast %broadcast_in_dim3A_59 : f32 to vector<16xf32>
    %swap3A_61 = arith.constant 32 : index
    %swap3A_62 = tpu.vector_load %arg6[%swap3A_61] {strides = array<i32>} : memref<640xf32, #tpu.memory_space<vmem>>, vector<16xf32>,
    %swap3A_63 = vector.shape_cast %swap3A_62 : vector<16xf32> to vector<16xf32>
    %swap3A_64 = vector.shape_cast %broadcast_in_dim3A_60 : vector<16xf32> to vector<16xf32>
    tpu.vector_store %arg6[%swap3A_61], %swap3A_64 {strides = array<i32>} : memref<640xf32, #tpu.memory_space<vmem>>, vector<16xf32>,
    %broadcast_in_dim3A_65 = arith.constant 0.000000e+00 : f32
    %broadcast_in_dim3A_66 = vector.broadcast %broadcast_in_dim3A_65 : f32 to vector<16xf32>
    %swap3A_67 = arith.constant 48 : index
    %swap3A_68 = tpu.vector_load %arg6[%swap3A_67] {strides = array<i32>} : memref<640xf32, #tpu.memory_space<vmem>>, vector<16xf32>,
    %swap3A_69 = vector.shape_cast %swap3A_68 : vector<16xf32> to vector<16xf32>
    %swap3A_70 = vector.shape_cast %broadcast_in_dim3A_66 : vector<16xf32> to vector<16xf32>
    tpu.vector_store %arg6[%swap3A_67], %swap3A_70 {strides = array<i32>} : memref<640xf32, #tpu.memory_space<vmem>>, vector<16xf32>,
    %broadcast_in_dim3A_71 = arith.constant 0.000000e+00 : f32
    %broadcast_in_dim3A_72 = vector.broadcast %broadcast_in_dim3A_71 : f32 to vector<16xf32>
    %swap3A_73 = arith.constant 64 : index
    %swap3A_74 = tpu.vector_load %arg6[%swap3A_73] {strides = array<i32>} : memref<640xf32, #tpu.memory_space<vmem>>, vector<16xf32>,
    %swap3A_75 = vector.shape_cast %swap3A_74 : vector<16xf32> to vector<16xf32>
    %swap3A_76 = vector.shape_cast %broadcast_in_dim3A_72 : vector<16xf32> to vector<16xf32>
    tpu.vector_store %arg6[%swap3A_73], %swap3A_76 {strides = array<i32>} : memref<640xf32, #tpu.memory_space<vmem>>, vector<16xf32>,
    %broadcast_in_dim3A_77 = arith.constant 0.000000e+00 : f32
    %broadcast_in_dim3A_78 = vector.broadcast %broadcast_in_dim3A_77 : f32 to vector<16xf32>
    %swap3A_79 = arith.constant 80 : index
    %swap3A_80 = tpu.vector_load %arg6[%swap3A_79] {strides = array<i32>} : memref<640xf32, #tpu.memory_space<vmem>>, vector<16xf32>,
    %swap3A_81 = vector.shape_cast %swap3A_80 : vector<16xf32> to vector<16xf32>
    %swap3A_82 = vector.shape_cast %broadcast_in_dim3A_78 : vector<16xf32> to vector<16xf32>
    tpu.vector_store %arg6[%swap3A_79], %swap3A_82 {strides = array<i32>} : memref<640xf32, #tpu.memory_space<vmem>>, vector<16xf32>,
    %broadcast_in_dim3A_83 = arith.constant 0.000000e+00 : f32
    %broadcast_in_dim3A_84 = vector.broadcast %broadcast_in_dim3A_83 : f32 to vector<16xf32>
    %swap3A_85 = arith.constant 96 : index
    %swap3A_86 = tpu.vector_load %arg6[%swap3A_85] {strides = array<i32>} : memref<640xf32, #tpu.memory_space<vmem>>, vector<16xf32>,
    %swap3A_87 = vector.shape_cast %swap3A_86 : vector<16xf32> to vector<16xf32>
    %swap3A_88 = vector.shape_cast %broadcast_in_dim3A_84 : vector<16xf32> to vector<16xf32>
    tpu.vector_store %arg6[%swap3A_85], %swap3A_88 {strides = array<i32>} : memref<640xf32, #tpu.memory_space<vmem>>, vector<16xf32>,
    %broadcast_in_dim3A_89 = arith.constant 0.000000e+00 : f32
    %broadcast_in_dim3A_90 = vector.broadcast %broadcast_in_dim3A_89 : f32 to vector<16xf32>
    %swap3A_91 = arith.constant 112 : index
    %swap3A_92 = tpu.vector_load %arg6[%swap3A_91] {strides = array<i32>} : memref<640xf32, #tpu.memory_space<vmem>>, vector<16xf32>,
    %swap3A_93 = vector.shape_cast %swap3A_92 : vector<16xf32> to vector<16xf32>
    %swap3A_94 = vector.shape_cast %broadcast_in_dim3A_90 : vector<16xf32> to vector<16xf32>
    tpu.vector_store %arg6[%swap3A_91], %swap3A_94 {strides = array<i32>} : memref<640xf32, #tpu.memory_space<vmem>>, vector<16xf32>,
    %broadcast_in_dim3A_95 = arith.constant 0.000000e+00 : f32
    %broadcast_in_dim3A_96 = vector.broadcast %broadcast_in_dim3A_95 : f32 to vector<16xf32>
    %swap3A_97 = arith.constant 128 : index
    %swap3A_98 = tpu.vector_load %arg6[%swap3A_97] {strides = array<i32>} : memref<640xf32, #tpu.memory_space<vmem>>, vector<16xf32>,
    %swap3A_99 = vector.shape_cast %swap3A_98 : vector<16xf32> to vector<16xf32>
    %swap3A_100 = vector.shape_cast %broadcast_in_dim3A_96 : vector<16xf32> to vector<16xf32>
    tpu.vector_store %arg6[%swap3A_97], %swap3A_100 {strides = array<i32>} : memref<640xf32, #tpu.memory_space<vmem>>, vector<16xf32>,
    %broadcast_in_dim3A_101 = arith.constant 0.000000e+00 : f32
    %broadcast_in_dim3A_102 = vector.broadcast %broadcast_in_dim3A_101 : f32 to vector<16xf32>
    %swap3A_103 = arith.constant 144 : index
    %swap3A_104 = tpu.vector_load %arg6[%swap3A_103] {strides = array<i32>} : memref<640xf32, #tpu.memory_space<vmem>>, vector<16xf32>,
    %swap3A_105 = vector.shape_cast %swap3A_104 : vector<16xf32> to vector<16xf32>
    %swap3A_106 = vector.shape_cast %broadcast_in_dim3A_102 : vector<16xf32> to vector<16xf32>
    tpu.vector_store %arg6[%swap3A_103], %swap3A_106 {strides = array<i32>} : memref<640xf32, #tpu.memory_space<vmem>>, vector<16xf32>,
    %broadcast_in_dim3A_107 = arith.constant 0.000000e+00 : f32
    %broadcast_in_dim3A_108 = vector.broadcast %broadcast_in_dim3A_107 : f32 to vector<16xf32>
    %swap3A_109 = arith.constant 160 : index
    %swap3A_110 = tpu.vector_load %arg6[%swap3A_109] {strides = array<i32>} : memref<640xf32, #tpu.memory_space<vmem>>, vector<16xf32>,
    %swap3A_111 = vector.shape_cast %swap3A_110 : vector<16xf32> to vector<16xf32>
    %swap3A_112 = vector.shape_cast %broadcast_in_dim3A_108 : vector<16xf32> to vector<16xf32>
    tpu.vector_store %arg6[%swap3A_109], %swap3A_112 {strides = array<i32>} : memref<640xf32, #tpu.memory_space<vmem>>, vector<16xf32>,
    %broadcast_in_dim3A_113 = arith.constant 0.000000e+00 : f32
    %broadcast_in_dim3A_114 = vector.broadcast %broadcast_in_dim3A_113 : f32 to vector<16xf32>
    %swap3A_115 = arith.constant 176 : index
    %swap3A_116 = tpu.vector_load %arg6[%swap3A_115] {strides = array<i32>} : memref<640xf32, #tpu.memory_space<vmem>>, vector<16xf32>,
    %swap3A_117 = vector.shape_cast %swap3A_116 : vector<16xf32> to vector<16xf32>
    %swap3A_118 = vector.shape_cast %broadcast_in_dim3A_114 : vector<16xf32> to vector<16xf32>
    tpu.vector_store %arg6[%swap3A_115], %swap3A_118 {strides = array<i32>} : memref<640xf32, #tpu.memory_space<vmem>>, vector<16xf32>,
    %broadcast_in_dim3A_119 = arith.constant 0.000000e+00 : f32
    %broadcast_in_dim3A_120 = vector.broadcast %broadcast_in_dim3A_119 : f32 to vector<16xf32>
    %swap3A_121 = arith.constant 192 : index
    %swap3A_122 = tpu.vector_load %arg6[%swap3A_121] {strides = array<i32>} : memref<640xf32, #tpu.memory_space<vmem>>, vector<16xf32>,
    %swap3A_123 = vector.shape_cast %swap3A_122 : vector<16xf32> to vector<16xf32>
    %swap3A_124 = vector.shape_cast %broadcast_in_dim3A_120 : vector<16xf32> to vector<16xf32>
    tpu.vector_store %arg6[%swap3A_121], %swap3A_124 {strides = array<i32>} : memref<640xf32, #tpu.memory_space<vmem>>, vector<16xf32>,
    %broadcast_in_dim3A_125 = arith.constant 0.000000e+00 : f32
    %broadcast_in_dim3A_126 = vector.broadcast %broadcast_in_dim3A_125 : f32 to vector<16xf32>
    %swap3A_127 = arith.constant 208 : index
    %swap3A_128 = tpu.vector_load %arg6[%swap3A_127] {strides = array<i32>} : memref<640xf32, #tpu.memory_space<vmem>>, vector<16xf32>,
    %swap3A_129 = vector.shape_cast %swap3A_128 : vector<16xf32> to vector<16xf32>
    %swap3A_130 = vector.shape_cast %broadcast_in_dim3A_126 : vector<16xf32> to vector<16xf32>
    tpu.vector_store %arg6[%swap3A_127], %swap3A_130 {strides = array<i32>} : memref<640xf32, #tpu.memory_space<vmem>>, vector<16xf32>,
    %broadcast_in_dim3A_131 = arith.constant 0.000000e+00 : f32
    %broadcast_in_dim3A_132 = vector.broadcast %broadcast_in_dim3A_131 : f32 to vector<16xf32>
    %swap3A_133 = arith.constant 224 : index
    %swap3A_134 = tpu.vector_load %arg6[%swap3A_133] {strides = array<i32>} : memref<640xf32, #tpu.memory_space<vmem>>, vector<16xf32>,
    %swap3A_135 = vector.shape_cast %swap3A_134 : vector<16xf32> to vector<16xf32>
    %swap3A_136 = vector.shape_cast %broadcast_in_dim3A_132 : vector<16xf32> to vector<16xf32>
    tpu.vector_store %arg6[%swap3A_133], %swap3A_136 {strides = array<i32>} : memref<640xf32, #tpu.memory_space<vmem>>, vector<16xf32>,
    %broadcast_in_dim3A_137 = arith.constant 0.000000e+00 : f32
    %broadcast_in_dim3A_138 = vector.broadcast %broadcast_in_dim3A_137 : f32 to vector<16xf32>
    %swap3A_139 = arith.constant 240 : index
    %swap3A_140 = tpu.vector_load %arg6[%swap3A_139] {strides = array<i32>} : memref<640xf32, #tpu.memory_space<vmem>>, vector<16xf32>,
    %swap3A_141 = vector.shape_cast %swap3A_140 : vector<16xf32> to vector<16xf32>
    %swap3A_142 = vector.shape_cast %broadcast_in_dim3A_138 : vector<16xf32> to vector<16xf32>
    tpu.vector_store %arg6[%swap3A_139], %swap3A_142 {strides = array<i32>} : memref<640xf32, #tpu.memory_space<vmem>>, vector<16xf32>,
    %broadcast_in_dim3A_143 = arith.constant 0.000000e+00 : f32
    %broadcast_in_dim3A_144 = vector.broadcast %broadcast_in_dim3A_143 : f32 to vector<16xf32>
    %swap3A_145 = arith.constant 256 : index
    %swap3A_146 = tpu.vector_load %arg6[%swap3A_145] {strides = array<i32>} : memref<640xf32, #tpu.memory_space<vmem>>, vector<16xf32>,
    %swap3A_147 = vector.shape_cast %swap3A_146 : vector<16xf32> to vector<16xf32>
    %swap3A_148 = vector.shape_cast %broadcast_in_dim3A_144 : vector<16xf32> to vector<16xf32>
    tpu.vector_store %arg6[%swap3A_145], %swap3A_148 {strides = array<i32>} : memref<640xf32, #tpu.memory_space<vmem>>, vector<16xf32>,
    %broadcast_in_dim3A_149 = arith.constant 0.000000e+00 : f32
    %broadcast_in_dim3A_150 = vector.broadcast %broadcast_in_dim3A_149 : f32 to vector<16xf32>
    %swap3A_151 = arith.constant 272 : index
    %swap3A_152 = tpu.vector_load %arg6[%swap3A_151] {strides = array<i32>} : memref<640xf32, #tpu.memory_space<vmem>>, vector<16xf32>,
    %swap3A_153 = vector.shape_cast %swap3A_152 : vector<16xf32> to vector<16xf32>
    %swap3A_154 = vector.shape_cast %broadcast_in_dim3A_150 : vector<16xf32> to vector<16xf32>
    tpu.vector_store %arg6[%swap3A_151], %swap3A_154 {strides = array<i32>} : memref<640xf32, #tpu.memory_space<vmem>>, vector<16xf32>,
    %broadcast_in_dim3A_155 = arith.constant 0.000000e+00 : f32
    %broadcast_in_dim3A_156 = vector.broadcast %broadcast_in_dim3A_155 : f32 to vector<16xf32>
    %swap3A_157 = arith.constant 288 : index
    %swap3A_158 = tpu.vector_load %arg6[%swap3A_157] {strides = array<i32>} : memref<640xf32, #tpu.memory_space<vmem>>, vector<16xf32>,
    %swap3A_159 = vector.shape_cast %swap3A_158 : vector<16xf32> to vector<16xf32>
    %swap3A_160 = vector.shape_cast %broadcast_in_dim3A_156 : vector<16xf32> to vector<16xf32>
    tpu.vector_store %arg6[%swap3A_157], %swap3A_160 {strides = array<i32>} : memref<640xf32, #tpu.memory_space<vmem>>, vector<16xf32>,
    %broadcast_in_dim3A_161 = arith.constant 0.000000e+00 : f32
    %broadcast_in_dim3A_162 = vector.broadcast %broadcast_in_dim3A_161 : f32 to vector<16xf32>
    %swap3A_163 = arith.constant 304 : index
    %swap3A_164 = tpu.vector_load %arg6[%swap3A_163] {strides = array<i32>} : memref<640xf32, #tpu.memory_space<vmem>>, vector<16xf32>,
    %swap3A_165 = vector.shape_cast %swap3A_164 : vector<16xf32> to vector<16xf32>
    %swap3A_166 = vector.shape_cast %broadcast_in_dim3A_162 : vector<16xf32> to vector<16xf32>
    tpu.vector_store %arg6[%swap3A_163], %swap3A_166 {strides = array<i32>} : memref<640xf32, #tpu.memory_space<vmem>>, vector<16xf32>,
    %broadcast_in_dim3A_167 = arith.constant 0.000000e+00 : f32
    %broadcast_in_dim3A_168 = vector.broadcast %broadcast_in_dim3A_167 : f32 to vector<16xf32>
    %swap3A_169 = arith.constant 320 : index
    %swap3A_170 = tpu.vector_load %arg6[%swap3A_169] {strides = array<i32>} : memref<640xf32, #tpu.memory_space<vmem>>, vector<16xf32>,
    %swap3A_171 = vector.shape_cast %swap3A_170 : vector<16xf32> to vector<16xf32>
    %swap3A_172 = vector.shape_cast %broadcast_in_dim3A_168 : vector<16xf32> to vector<16xf32>
    tpu.vector_store %arg6[%swap3A_169], %swap3A_172 {strides = array<i32>} : memref<640xf32, #tpu.memory_space<vmem>>, vector<16xf32>,
    %broadcast_in_dim3A_173 = arith.constant 0.000000e+00 : f32
    %broadcast_in_dim3A_174 = vector.broadcast %broadcast_in_dim3A_173 : f32 to vector<16xf32>
    %swap3A_175 = arith.constant 336 : index
    %swap3A_176 = tpu.vector_load %arg6[%swap3A_175] {strides = array<i32>} : memref<640xf32, #tpu.memory_space<vmem>>, vector<16xf32>,
    %swap3A_177 = vector.shape_cast %swap3A_176 : vector<16xf32> to vector<16xf32>
    %swap3A_178 = vector.shape_cast %broadcast_in_dim3A_174 : vector<16xf32> to vector<16xf32>
    tpu.vector_store %arg6[%swap3A_175], %swap3A_178 {strides = array<i32>} : memref<640xf32, #tpu.memory_space<vmem>>, vector<16xf32>,
    %broadcast_in_dim3A_179 = arith.constant 0.000000e+00 : f32
    %broadcast_in_dim3A_180 = vector.broadcast %broadcast_in_dim3A_179 : f32 to vector<16xf32>
    %swap3A_181 = arith.constant 352 : index
    %swap3A_182 = tpu.vector_load %arg6[%swap3A_181] {strides = array<i32>} : memref<640xf32, #tpu.memory_space<vmem>>, vector<16xf32>,
    %swap3A_183 = vector.shape_cast %swap3A_182 : vector<16xf32> to vector<16xf32>
    %swap3A_184 = vector.shape_cast %broadcast_in_dim3A_180 : vector<16xf32> to vector<16xf32>
    tpu.vector_store %arg6[%swap3A_181], %swap3A_184 {strides = array<i32>} : memref<640xf32, #tpu.memory_space<vmem>>, vector<16xf32>,
    %broadcast_in_dim3A_185 = arith.constant 0.000000e+00 : f32
    %broadcast_in_dim3A_186 = vector.broadcast %broadcast_in_dim3A_185 : f32 to vector<16xf32>
    %swap3A_187 = arith.constant 368 : index
    %swap3A_188 = tpu.vector_load %arg6[%swap3A_187] {strides = array<i32>} : memref<640xf32, #tpu.memory_space<vmem>>, vector<16xf32>,
    %swap3A_189 = vector.shape_cast %swap3A_188 : vector<16xf32> to vector<16xf32>
    %swap3A_190 = vector.shape_cast %broadcast_in_dim3A_186 : vector<16xf32> to vector<16xf32>
    tpu.vector_store %arg6[%swap3A_187], %swap3A_190 {strides = array<i32>} : memref<640xf32, #tpu.memory_space<vmem>>, vector<16xf32>,
    %broadcast_in_dim3A_191 = arith.constant 0.000000e+00 : f32
    %broadcast_in_dim3A_192 = vector.broadcast %broadcast_in_dim3A_191 : f32 to vector<16xf32>
    %swap3A_193 = arith.constant 384 : index
    %swap3A_194 = tpu.vector_load %arg6[%swap3A_193] {strides = array<i32>} : memref<640xf32, #tpu.memory_space<vmem>>, vector<16xf32>,
    %swap3A_195 = vector.shape_cast %swap3A_194 : vector<16xf32> to vector<16xf32>
    %swap3A_196 = vector.shape_cast %broadcast_in_dim3A_192 : vector<16xf32> to vector<16xf32>
    tpu.vector_store %arg6[%swap3A_193], %swap3A_196 {strides = array<i32>} : memref<640xf32, #tpu.memory_space<vmem>>, vector<16xf32>,
    %broadcast_in_dim3A_197 = arith.constant 0.000000e+00 : f32
    %broadcast_in_dim3A_198 = vector.broadcast %broadcast_in_dim3A_197 : f32 to vector<16xf32>
    %swap3A_199 = arith.constant 400 : index
    %swap3A_200 = tpu.vector_load %arg6[%swap3A_199] {strides = array<i32>} : memref<640xf32, #tpu.memory_space<vmem>>, vector<16xf32>,
    %swap3A_201 = vector.shape_cast %swap3A_200 : vector<16xf32> to vector<16xf32>
    %swap3A_202 = vector.shape_cast %broadcast_in_dim3A_198 : vector<16xf32> to vector<16xf32>
    tpu.vector_store %arg6[%swap3A_199], %swap3A_202 {strides = array<i32>} : memref<640xf32, #tpu.memory_space<vmem>>, vector<16xf32>,
    %broadcast_in_dim3A_203 = arith.constant 0.000000e+00 : f32
    %broadcast_in_dim3A_204 = vector.broadcast %broadcast_in_dim3A_203 : f32 to vector<16xf32>
    %swap3A_205 = arith.constant 416 : index
    %swap3A_206 = tpu.vector_load %arg6[%swap3A_205] {strides = array<i32>} : memref<640xf32, #tpu.memory_space<vmem>>, vector<16xf32>,
    %swap3A_207 = vector.shape_cast %swap3A_206 : vector<16xf32> to vector<16xf32>
    %swap3A_208 = vector.shape_cast %broadcast_in_dim3A_204 : vector<16xf32> to vector<16xf32>
    tpu.vector_store %arg6[%swap3A_205], %swap3A_208 {strides = array<i32>} : memref<640xf32, #tpu.memory_space<vmem>>, vector<16xf32>,
    %broadcast_in_dim3A_209 = arith.constant 0.000000e+00 : f32
    %broadcast_in_dim3A_210 = vector.broadcast %broadcast_in_dim3A_209 : f32 to vector<16xf32>
    %swap3A_211 = arith.constant 432 : index
    %swap3A_212 = tpu.vector_load %arg6[%swap3A_211] {strides = array<i32>} : memref<640xf32, #tpu.memory_space<vmem>>, vector<16xf32>,
    %swap3A_213 = vector.shape_cast %swap3A_212 : vector<16xf32> to vector<16xf32>
    %swap3A_214 = vector.shape_cast %broadcast_in_dim3A_210 : vector<16xf32> to vector<16xf32>
    tpu.vector_store %arg6[%swap3A_211], %swap3A_214 {strides = array<i32>} : memref<640xf32, #tpu.memory_space<vmem>>, vector<16xf32>,
    %broadcast_in_dim3A_215 = arith.constant 0.000000e+00 : f32
    %broadcast_in_dim3A_216 = vector.broadcast %broadcast_in_dim3A_215 : f32 to vector<16xf32>
    %swap3A_217 = arith.constant 448 : index
    %swap3A_218 = tpu.vector_load %arg6[%swap3A_217] {strides = array<i32>} : memref<640xf32, #tpu.memory_space<vmem>>, vector<16xf32>,
    %swap3A_219 = vector.shape_cast %swap3A_218 : vector<16xf32> to vector<16xf32>
    %swap3A_220 = vector.shape_cast %broadcast_in_dim3A_216 : vector<16xf32> to vector<16xf32>
    tpu.vector_store %arg6[%swap3A_217], %swap3A_220 {strides = array<i32>} : memref<640xf32, #tpu.memory_space<vmem>>, vector<16xf32>,
    %broadcast_in_dim3A_221 = arith.constant 0.000000e+00 : f32
    %broadcast_in_dim3A_222 = vector.broadcast %broadcast_in_dim3A_221 : f32 to vector<16xf32>
    %swap3A_223 = arith.constant 464 : index
    %swap3A_224 = tpu.vector_load %arg6[%swap3A_223] {strides = array<i32>} : memref<640xf32, #tpu.memory_space<vmem>>, vector<16xf32>,
    %swap3A_225 = vector.shape_cast %swap3A_224 : vector<16xf32> to vector<16xf32>
    %swap3A_226 = vector.shape_cast %broadcast_in_dim3A_222 : vector<16xf32> to vector<16xf32>
    tpu.vector_store %arg6[%swap3A_223], %swap3A_226 {strides = array<i32>} : memref<640xf32, #tpu.memory_space<vmem>>, vector<16xf32>,
    %broadcast_in_dim3A_227 = arith.constant 0.000000e+00 : f32
    %broadcast_in_dim3A_228 = vector.broadcast %broadcast_in_dim3A_227 : f32 to vector<16xf32>
    %swap3A_229 = arith.constant 480 : index
    %swap3A_230 = tpu.vector_load %arg6[%swap3A_229] {strides = array<i32>} : memref<640xf32, #tpu.memory_space<vmem>>, vector<16xf32>,
    %swap3A_231 = vector.shape_cast %swap3A_230 : vector<16xf32> to vector<16xf32>
    %swap3A_232 = vector.shape_cast %broadcast_in_dim3A_228 : vector<16xf32> to vector<16xf32>
    tpu.vector_store %arg6[%swap3A_229], %swap3A_232 {strides = array<i32>} : memref<640xf32, #tpu.memory_space<vmem>>, vector<16xf32>,
    %broadcast_in_dim3A_233 = arith.constant 0.000000e+00 : f32
    %broadcast_in_dim3A_234 = vector.broadcast %broadcast_in_dim3A_233 : f32 to vector<16xf32>
    %swap3A_235 = arith.constant 496 : index
    %swap3A_236 = tpu.vector_load %arg6[%swap3A_235] {strides = array<i32>} : memref<640xf32, #tpu.memory_space<vmem>>, vector<16xf32>,
    %swap3A_237 = vector.shape_cast %swap3A_236 : vector<16xf32> to vector<16xf32>
    %swap3A_238 = vector.shape_cast %broadcast_in_dim3A_234 : vector<16xf32> to vector<16xf32>
    tpu.vector_store %arg6[%swap3A_235], %swap3A_238 {strides = array<i32>} : memref<640xf32, #tpu.memory_space<vmem>>, vector<16xf32>,
    %broadcast_in_dim3A_239 = arith.constant 0.000000e+00 : f32
    %broadcast_in_dim3A_240 = vector.broadcast %broadcast_in_dim3A_239 : f32 to vector<16xf32>
    %swap3A_241 = arith.constant 512 : index
    %swap3A_242 = tpu.vector_load %arg6[%swap3A_241] {strides = array<i32>} : memref<640xf32, #tpu.memory_space<vmem>>, vector<16xf32>,
    %swap3A_243 = vector.shape_cast %swap3A_242 : vector<16xf32> to vector<16xf32>
    %swap3A_244 = vector.shape_cast %broadcast_in_dim3A_240 : vector<16xf32> to vector<16xf32>
    tpu.vector_store %arg6[%swap3A_241], %swap3A_244 {strides = array<i32>} : memref<640xf32, #tpu.memory_space<vmem>>, vector<16xf32>,
    %broadcast_in_dim3A_245 = arith.constant 0.000000e+00 : f32
    %broadcast_in_dim3A_246 = vector.broadcast %broadcast_in_dim3A_245 : f32 to vector<16xf32>
    %swap3A_247 = arith.constant 528 : index
    %swap3A_248 = tpu.vector_load %arg6[%swap3A_247] {strides = array<i32>} : memref<640xf32, #tpu.memory_space<vmem>>, vector<16xf32>,
    %swap3A_249 = vector.shape_cast %swap3A_248 : vector<16xf32> to vector<16xf32>
    %swap3A_250 = vector.shape_cast %broadcast_in_dim3A_246 : vector<16xf32> to vector<16xf32>
    tpu.vector_store %arg6[%swap3A_247], %swap3A_250 {strides = array<i32>} : memref<640xf32, #tpu.memory_space<vmem>>, vector<16xf32>,
    %broadcast_in_dim3A_251 = arith.constant 0.000000e+00 : f32
    %broadcast_in_dim3A_252 = vector.broadcast %broadcast_in_dim3A_251 : f32 to vector<16xf32>
    %swap3A_253 = arith.constant 544 : index
    %swap3A_254 = tpu.vector_load %arg6[%swap3A_253] {strides = array<i32>} : memref<640xf32, #tpu.memory_space<vmem>>, vector<16xf32>,
    %swap3A_255 = vector.shape_cast %swap3A_254 : vector<16xf32> to vector<16xf32>
    %swap3A_256 = vector.shape_cast %broadcast_in_dim3A_252 : vector<16xf32> to vector<16xf32>
    tpu.vector_store %arg6[%swap3A_253], %swap3A_256 {strides = array<i32>} : memref<640xf32, #tpu.memory_space<vmem>>, vector<16xf32>,
    %broadcast_in_dim3A_257 = arith.constant 0.000000e+00 : f32
    %broadcast_in_dim3A_258 = vector.broadcast %broadcast_in_dim3A_257 : f32 to vector<16xf32>
    %swap3A_259 = arith.constant 560 : index
    %swap3A_260 = tpu.vector_load %arg6[%swap3A_259] {strides = array<i32>} : memref<640xf32, #tpu.memory_space<vmem>>, vector<16xf32>,
    %swap3A_261 = vector.shape_cast %swap3A_260 : vector<16xf32> to vector<16xf32>
    %swap3A_262 = vector.shape_cast %broadcast_in_dim3A_258 : vector<16xf32> to vector<16xf32>
    tpu.vector_store %arg6[%swap3A_259], %swap3A_262 {strides = array<i32>} : memref<640xf32, #tpu.memory_space<vmem>>, vector<16xf32>,
    %broadcast_in_dim3A_263 = arith.constant 0.000000e+00 : f32
    %broadcast_in_dim3A_264 = vector.broadcast %broadcast_in_dim3A_263 : f32 to vector<16xf32>
    %swap3A_265 = arith.constant 576 : index
    %swap3A_266 = tpu.vector_load %arg6[%swap3A_265] {strides = array<i32>} : memref<640xf32, #tpu.memory_space<vmem>>, vector<16xf32>,
    %swap3A_267 = vector.shape_cast %swap3A_266 : vector<16xf32> to vector<16xf32>
    %swap3A_268 = vector.shape_cast %broadcast_in_dim3A_264 : vector<16xf32> to vector<16xf32>
    tpu.vector_store %arg6[%swap3A_265], %swap3A_268 {strides = array<i32>} : memref<640xf32, #tpu.memory_space<vmem>>, vector<16xf32>,
    %broadcast_in_dim3A_269 = arith.constant 0.000000e+00 : f32
    %broadcast_in_dim3A_270 = vector.broadcast %broadcast_in_dim3A_269 : f32 to vector<16xf32>
    %swap3A_271 = arith.constant 592 : index
    %swap3A_272 = tpu.vector_load %arg6[%swap3A_271] {strides = array<i32>} : memref<640xf32, #tpu.memory_space<vmem>>, vector<16xf32>,
    %swap3A_273 = vector.shape_cast %swap3A_272 : vector<16xf32> to vector<16xf32>
    %swap3A_274 = vector.shape_cast %broadcast_in_dim3A_270 : vector<16xf32> to vector<16xf32>
    tpu.vector_store %arg6[%swap3A_271], %swap3A_274 {strides = array<i32>} : memref<640xf32, #tpu.memory_space<vmem>>, vector<16xf32>,
    %broadcast_in_dim3A_275 = arith.constant 0.000000e+00 : f32
    %broadcast_in_dim3A_276 = vector.broadcast %broadcast_in_dim3A_275 : f32 to vector<16xf32>
    %swap3A_277 = arith.constant 608 : index
    %swap3A_278 = tpu.vector_load %arg6[%swap3A_277] {strides = array<i32>} : memref<640xf32, #tpu.memory_space<vmem>>, vector<16xf32>,
    %swap3A_279 = vector.shape_cast %swap3A_278 : vector<16xf32> to vector<16xf32>
    %swap3A_280 = vector.shape_cast %broadcast_in_dim3A_276 : vector<16xf32> to vector<16xf32>
    tpu.vector_store %arg6[%swap3A_277], %swap3A_280 {strides = array<i32>} : memref<640xf32, #tpu.memory_space<vmem>>, vector<16xf32>,
    %broadcast_in_dim3A_281 = arith.constant 0.000000e+00 : f32
    %broadcast_in_dim3A_282 = vector.broadcast %broadcast_in_dim3A_281 : f32 to vector<16xf32>
    %swap3A_283 = arith.constant 624 : index
    %swap3A_284 = tpu.vector_load %arg6[%swap3A_283] {strides = array<i32>} : memref<640xf32, #tpu.memory_space<vmem>>, vector<16xf32>,
    %swap3A_285 = vector.shape_cast %swap3A_284 : vector<16xf32> to vector<16xf32>
    %swap3A_286 = vector.shape_cast %broadcast_in_dim3A_282 : vector<16xf32> to vector<16xf32>
    tpu.vector_store %arg6[%swap3A_283], %swap3A_286 {strides = array<i32>} : memref<640xf32, #tpu.memory_space<vmem>>, vector<16xf32>,
    %mul3A_287 = arith.constant 640 : i32
    %mul3A_288 = arith.muli %arg1, %mul3A_287 : i32
    "tpu.region"() ({
      %run_scoped3A = tpu.sem_alloc : memref<!tpu.dma_semaphore, #tpu.memory_space<semaphore_mem>>
      %dma_start3A = tpu.memref_slice %arg7[%mul3A_288] : memref<10240xf32, #tpu.memory_space<vmem_shared>> -> memref<640xf32, #tpu.memory_space<vmem_shared>>
      %dma_start3A_299 = tpu.memref_slice %arg7[%mul3A_288] : memref<10240xf32, #tpu.memory_space<vmem_shared>> -> memref<640xf32, #tpu.memory_space<vmem_shared>>
      tpu.enqueue_dma source(%arg6 : memref<640xf32, #tpu.memory_space<vmem>>) target(%dma_start3A_299 : memref<640xf32, #tpu.memory_space<vmem_shared>>) target_semaphore(%run_scoped3A : memref<!tpu.dma_semaphore, #tpu.memory_space<semaphore_mem>>)
      %dma_wait3A = tpu.memref_slice %arg7[%mul3A_288] : memref<10240xf32, #tpu.memory_space<vmem_shared>> -> memref<640xf32, #tpu.memory_space<vmem_shared>>
      %dma_wait3A_300 = tpu.memref_slice %arg7[%mul3A_288] : memref<10240xf32, #tpu.memory_space<vmem_shared>> -> memref<640xf32, #tpu.memory_space<vmem_shared>>
      tpu.wait_dma2 semaphore(%run_scoped3A : memref<!tpu.dma_semaphore, #tpu.memory_space<semaphore_mem>>) src(%arg6 : memref<640xf32, #tpu.memory_space<vmem>>) dst(%dma_wait3A_300 : memref<640xf32, #tpu.memory_space<vmem_shared>>)
      tpu.yield
    }) : () -> ()
    "tpu.region"() ({
      %run_scoped3A = tpu.sem_alloc : memref<!tpu.dma_semaphore, #tpu.memory_space<semaphore_mem>>
      %dma_start3A = arith.constant 0 : i32
      %dma_start3A_299 = arith.constant 0 : i32
      %dma_start3A_300 = tpu.memref_slice %arg2[%add3A, %dma_start3A, %dma_start3A_299] : memref<32x80x128xi32, #tpu.memory_space<hbm>> -> memref<1x80x128xi32, #tpu.memory_space<hbm>>
      %dma_start3A_301 = tpu.memref_squeeze %dma_start3A_300 : memref<1x80x128xi32, #tpu.memory_space<hbm>> -> memref<80x128xi32, #tpu.memory_space<hbm>>
      %dma_start3A_302 = arith.constant 0 : i32
      %dma_start3A_303 = arith.constant 0 : i32
      %dma_start3A_304 = tpu.memref_slice %arg2[%add3A, %dma_start3A_302, %dma_start3A_303] : memref<32x80x128xi32, #tpu.memory_space<hbm>> -> memref<1x80x128xi32, #tpu.memory_space<hbm>>
      %dma_start3A_305 = tpu.memref_squeeze %dma_start3A_304 : memref<1x80x128xi32, #tpu.memory_space<hbm>> -> memref<80x128xi32, #tpu.memory_space<hbm>>
      tpu.enqueue_dma source(%dma_start3A_305 : memref<80x128xi32, #tpu.memory_space<hbm>>) target(%arg4 : memref<80x128xi32, #tpu.memory_space<vmem>>) target_semaphore(%run_scoped3A : memref<!tpu.dma_semaphore, #tpu.memory_space<semaphore_mem>>)
      %dma_wait3A = arith.constant 0 : i32
      %dma_wait3A_306 = arith.constant 0 : i32
      %dma_wait3A_307 = tpu.memref_slice %arg2[%add3A, %dma_wait3A, %dma_wait3A_306] : memref<32x80x128xi32, #tpu.memory_space<hbm>> -> memref<1x80x128xi32, #tpu.memory_space<hbm>>
      %dma_wait3A_308 = tpu.memref_squeeze %dma_wait3A_307 : memref<1x80x128xi32, #tpu.memory_space<hbm>> -> memref<80x128xi32, #tpu.memory_space<hbm>>
      %dma_wait3A_309 = arith.constant 0 : i32
      %dma_wait3A_310 = arith.constant 0 : i32
      %dma_wait3A_311 = tpu.memref_slice %arg2[%add3A, %dma_wait3A_309, %dma_wait3A_310] : memref<32x80x128xi32, #tpu.memory_space<hbm>> -> memref<1x80x128xi32, #tpu.memory_space<hbm>>
      %dma_wait3A_312 = tpu.memref_squeeze %dma_wait3A_311 : memref<1x80x128xi32, #tpu.memory_space<hbm>> -> memref<80x128xi32, #tpu.memory_space<hbm>>
      tpu.wait_dma2 semaphore(%run_scoped3A : memref<!tpu.dma_semaphore, #tpu.memory_space<semaphore_mem>>) src(%dma_wait3A_312 : memref<80x128xi32, #tpu.memory_space<hbm>>) dst(%arg4 : memref<80x128xi32, #tpu.memory_space<vmem>>)
      tpu.yield
    }) : () -> ()
    %barrier3A = arith.constant 0 : index
    tpu.barrier barrier_id(%barrier3A)
    %scan3A = arith.constant 0 : i32
    %scan3A_289 = arith.constant 0 : i32
    %scan3A_290 = arith.constant 80 : i32
    %scan3A_291 = arith.addi %scan3A_289, %scan3A_290 : i32
    %scan3A_292 = arith.constant 1 : i32
    scf.for %scan3A_299 = %scan3A_289 to %scan3A_291 step %scan3A_292  : i32 {
      %dma_start3A = arith.constant 0 : i32
      %dma_start3A_300 = tpu.memref_slice %arg4[%scan3A_299, %dma_start3A] : memref<80x128xi32, #tpu.memory_space<vmem>> -> memref<1x128xi32, #tpu.memory_space<vmem>>
      %dma_start3A_301 = tpu.memref_squeeze %dma_start3A_300 : memref<1x128xi32, #tpu.memory_space<vmem>> -> memref<128xi32, #tpu.memory_space<vmem>>
      %dma_start3A_302 = arith.constant 0 : i32
      %dma_start3A_303 = tpu.memref_slice %arg7[%dma_start3A_302] : memref<10240xf32, #tpu.memory_space<vmem_shared>> -> memref<10240xf32, #tpu.memory_space<vmem_shared>>
      tpu.enqueue_indirect_dma source(%arg5 : memref<128xf32, #tpu.memory_space<vmem>>) target(%dma_start3A_303 : memref<10240xf32, #tpu.memory_space<vmem_shared>>) offsets(%dma_start3A_301 : memref<128xi32, #tpu.memory_space<vmem>>) semaphore(%arg8 : memref<!tpu.dma_semaphore, #tpu.memory_space<semaphore_mem>>) {add = true}
      %dma_wait3A = arith.constant 0 : i32
      %dma_wait3A_304 = tpu.memref_slice %arg4[%scan3A_299, %dma_wait3A] : memref<80x128xi32, #tpu.memory_space<vmem>> -> memref<1x128xi32, #tpu.memory_space<vmem>>
      %dma_wait3A_305 = tpu.memref_squeeze %dma_wait3A_304 : memref<1x128xi32, #tpu.memory_space<vmem>> -> memref<128xi32, #tpu.memory_space<vmem>>
      %dma_wait3A_306 = arith.constant 0 : i32
      %dma_wait3A_307 = tpu.memref_slice %arg7[%dma_wait3A_306] : memref<10240xf32, #tpu.memory_space<vmem_shared>> -> memref<10240xf32, #tpu.memory_space<vmem_shared>>
      tpu.wait_indirect_dma semaphore(%arg8 : memref<!tpu.dma_semaphore, #tpu.memory_space<semaphore_mem>>) src(%arg5 : memref<128xf32, #tpu.memory_space<vmem>>) dst(%dma_wait3A_307 : memref<10240xf32, #tpu.memory_space<vmem_shared>>)
    }
    %scan3A_293 = arith.constant 80 : i32
    %barrier3A_294 = arith.constant 0 : index
    tpu.barrier barrier_id(%barrier3A_294)
    %mul3A_295 = arith.constant 640 : i32
    %mul3A_296 = arith.muli %arg1, %mul3A_295 : i32
    %mul3A_297 = arith.constant 640 : i32
    %mul3A_298 = arith.muli %arg1, %mul3A_297 : i32
    "tpu.region"() ({
      %run_scoped3A = tpu.sem_alloc : memref<!tpu.dma_semaphore, #tpu.memory_space<semaphore_mem>>
      %dma_start3A = tpu.memref_slice %arg3[%arg0, %mul3A_298] : memref<2x10240xf32, #tpu.memory_space<hbm>> -> memref<1x640xf32, #tpu.memory_space<hbm>>
      %dma_start3A_299 = tpu.memref_squeeze %dma_start3A : memref<1x640xf32, #tpu.memory_space<hbm>> -> memref<640xf32, #tpu.memory_space<hbm>>
      %dma_start3A_300 = tpu.memref_slice %arg7[%mul3A_296] : memref<10240xf32, #tpu.memory_space<vmem_shared>> -> memref<640xf32, #tpu.memory_space<vmem_shared>>
      tpu.enqueue_dma source(%dma_start3A_300 : memref<640xf32, #tpu.memory_space<vmem_shared>>) target(%dma_start3A_299 : memref<640xf32, #tpu.memory_space<hbm>>) target_semaphore(%run_scoped3A : memref<!tpu.dma_semaphore, #tpu.memory_space<semaphore_mem>>)
      %dma_wait3A = tpu.memref_slice %arg3[%arg0, %mul3A_298] : memref<2x10240xf32, #tpu.memory_space<hbm>> -> memref<1x640xf32, #tpu.memory_space<hbm>>
      %dma_wait3A_301 = tpu.memref_squeeze %dma_wait3A : memref<1x640xf32, #tpu.memory_space<hbm>> -> memref<640xf32, #tpu.memory_space<hbm>>
      %dma_wait3A_302 = tpu.memref_slice %arg7[%mul3A_296] : memref<10240xf32, #tpu.memory_space<vmem_shared>> -> memref<640xf32, #tpu.memory_space<vmem_shared>>
      tpu.wait_dma2 semaphore(%run_scoped3A : memref<!tpu.dma_semaphore, #tpu.memory_space<semaphore_mem>>) src(%dma_wait3A_302 : memref<640xf32, #tpu.memory_space<vmem_shared>>) dst(%dma_wait3A_301 : memref<640xf32, #tpu.memory_space<hbm>>)
      tpu.yield
    }) : () -> ()
    return
  }
}

#map = affine_map<(d0, d1) -> (0, 0)>
#map1 = affine_map<(d0, d1) -> (0, 0, 0)>
module attributes {stable_mosaic.version = 14 : i64} {
  func.func @spmm_kernel(%arg0: i32, %arg1: i32, %arg2: memref<10240x128xf32, #tpu.memory_space<hbm>>, %arg3: memref<2560x128xi32, #tpu.memory_space<hbm>>, %arg4: memref<2560x128xi32, #tpu.memory_space<hbm>>, %arg5: memref<2x10240x128xf32, #tpu.memory_space<hbm>>, %arg6: memref<2x8x128xi32, #tpu.memory_space<vmem>>, %arg7: memref<2x8x128xi32, #tpu.memory_space<vmem>>, %arg8: memref<128x128xf32, #tpu.memory_space<vmem>>, %arg9: memref<128x128xf32, #tpu.memory_space<vmem>>, %arg10: memref<10240x128xf32, #tpu.memory_space<vmem_shared>>, %arg11: memref<!tpu.dma_semaphore, #tpu.memory_space<semaphore_mem>>, %arg12: memref<!tpu.dma_semaphore, #tpu.memory_space<semaphore_mem>>, %arg13: memref<!tpu.dma_semaphore, #tpu.memory_space<semaphore_mem>>) attributes {dimension_semantics = [#tpu.dimension_semantics<core_parallel>, #tpu.dimension_semantics<subcore_parallel>], iteration_bounds = array<i64: 2, 16>, scalar_prefetch = 0 : i64, scratch_operands = 8 : i64, tpu.core_type = #tpu.core_type<sc_vector_subcore>, window_params = [{transform_indices = #map}, {transform_indices = #map}, {transform_indices = #map}, {transform_indices = #map1}]} {
    %mul3A = arith.constant 0 : i32
    %mul3A_0 = arith.muli %arg0, %mul3A : i32
    %sub3A = arith.constant 80 : i32
    %sub3A_1 = arith.subi %sub3A, %mul3A_0 : i32
    %jit3A = arith.constant 8 : i32
    %div3A = arith.divsi %sub3A_1, %jit3A : i32
    %sign3A = arith.constant 0 : i32
    %sign3A_2 = arith.cmpi sgt, %sub3A_1, %sign3A : i32
    %sign3A_3 = arith.extui %sign3A_2 : i1 to i32
    %sign3A_4 = arith.constant 0 : i32
    %sign3A_5 = arith.cmpi slt, %sub3A_1, %sign3A_4 : i32
    %sign3A_6 = arith.extui %sign3A_5 : i1 to i32
    %sign3A_7 = arith.subi %sign3A_3, %sign3A_6 : i32
    %sign3A_8 = arith.constant 0 : i32
    %sign3A_9 = arith.cmpi sgt, %jit3A, %sign3A_8 : i32
    %sign3A_10 = arith.extui %sign3A_9 : i1 to i32
    %sign3A_11 = arith.constant 0 : i32
    %sign3A_12 = arith.cmpi slt, %jit3A, %sign3A_11 : i32
    %sign3A_13 = arith.extui %sign3A_12 : i1 to i32
    %sign3A_14 = arith.subi %sign3A_10, %sign3A_13 : i32
    %ne3A = arith.cmpi ne, %sign3A_7, %sign3A_14 : i32
    %rem3A = arith.remsi %sub3A_1, %jit3A : i32
    %ne3A_15 = arith.constant 0 : i32
    %ne3A_16 = arith.cmpi ne, %rem3A, %ne3A_15 : i32
    %and3A = arith.andi %ne3A, %ne3A_16 : i1
    %sub3A_17 = arith.constant 1 : i32
    %sub3A_18 = arith.subi %div3A, %sub3A_17 : i32
    %select_n3A = arith.select %and3A, %sub3A_18, %div3A : i32
    %mul3A_19 = arith.constant 1280 : i32
    %mul3A_20 = arith.muli %arg0, %mul3A_19 : i32
    %mul3A_21 = arith.muli %arg1, %sub3A_1 : i32
    %add3A = arith.addi %mul3A_20, %mul3A_21 : i32
    %run_scoped3A = arith.constant 0 : i32
    "tpu.region"() ({
      %run_scoped3A_98 = tpu.sem_alloc : memref<!tpu.dma_semaphore, #tpu.memory_space<semaphore_mem>>
      %dma_start3A = arith.constant 0 : i32
      %dma_start3A_99 = arith.constant 0 : i32
      %dma_start3A_100 = tpu.memref_slice %arg6[%run_scoped3A, %dma_start3A, %dma_start3A_99] : memref<2x8x128xi32, #tpu.memory_space<vmem>> -> memref<1x8x128xi32, #tpu.memory_space<vmem>>
      %dma_start3A_101 = tpu.memref_squeeze %dma_start3A_100 : memref<1x8x128xi32, #tpu.memory_space<vmem>> -> memref<8x128xi32, #tpu.memory_space<vmem>>
      %dma_start3A_102 = arith.constant 0 : i32
      %dma_start3A_103 = tpu.memref_slice %arg3[%add3A, %dma_start3A_102] : memref<2560x128xi32, #tpu.memory_space<hbm>> -> memref<8x128xi32, #tpu.memory_space<hbm>>
      %dma_start3A_104 = arith.constant 0 : i32
      %dma_start3A_105 = arith.constant 0 : i32
      %dma_start3A_106 = tpu.memref_slice %arg6[%run_scoped3A, %dma_start3A_104, %dma_start3A_105] : memref<2x8x128xi32, #tpu.memory_space<vmem>> -> memref<1x8x128xi32, #tpu.memory_space<vmem>>
      %dma_start3A_107 = tpu.memref_squeeze %dma_start3A_106 : memref<1x8x128xi32, #tpu.memory_space<vmem>> -> memref<8x128xi32, #tpu.memory_space<vmem>>
      %dma_start3A_108 = arith.constant 0 : i32
      %dma_start3A_109 = tpu.memref_slice %arg3[%add3A, %dma_start3A_108] : memref<2560x128xi32, #tpu.memory_space<hbm>> -> memref<8x128xi32, #tpu.memory_space<hbm>>
      tpu.enqueue_dma source(%dma_start3A_109 : memref<8x128xi32, #tpu.memory_space<hbm>>) target(%dma_start3A_107 : memref<8x128xi32, #tpu.memory_space<vmem>>) target_semaphore(%run_scoped3A_98 : memref<!tpu.dma_semaphore, #tpu.memory_space<semaphore_mem>>)
      %dma_wait3A = arith.constant 0 : i32
      %dma_wait3A_110 = arith.constant 0 : i32
      %dma_wait3A_111 = tpu.memref_slice %arg6[%run_scoped3A, %dma_wait3A, %dma_wait3A_110] : memref<2x8x128xi32, #tpu.memory_space<vmem>> -> memref<1x8x128xi32, #tpu.memory_space<vmem>>
      %dma_wait3A_112 = tpu.memref_squeeze %dma_wait3A_111 : memref<1x8x128xi32, #tpu.memory_space<vmem>> -> memref<8x128xi32, #tpu.memory_space<vmem>>
      %dma_wait3A_113 = arith.constant 0 : i32
      %dma_wait3A_114 = tpu.memref_slice %arg3[%add3A, %dma_wait3A_113] : memref<2560x128xi32, #tpu.memory_space<hbm>> -> memref<8x128xi32, #tpu.memory_space<hbm>>
      %dma_wait3A_115 = arith.constant 0 : i32
      %dma_wait3A_116 = arith.constant 0 : i32
      %dma_wait3A_117 = tpu.memref_slice %arg6[%run_scoped3A, %dma_wait3A_115, %dma_wait3A_116] : memref<2x8x128xi32, #tpu.memory_space<vmem>> -> memref<1x8x128xi32, #tpu.memory_space<vmem>>
      %dma_wait3A_118 = tpu.memref_squeeze %dma_wait3A_117 : memref<1x8x128xi32, #tpu.memory_space<vmem>> -> memref<8x128xi32, #tpu.memory_space<vmem>>
      %dma_wait3A_119 = arith.constant 0 : i32
      %dma_wait3A_120 = tpu.memref_slice %arg3[%add3A, %dma_wait3A_119] : memref<2560x128xi32, #tpu.memory_space<hbm>> -> memref<8x128xi32, #tpu.memory_space<hbm>>
      tpu.wait_dma2 semaphore(%run_scoped3A_98 : memref<!tpu.dma_semaphore, #tpu.memory_space<semaphore_mem>>) src(%dma_wait3A_120 : memref<8x128xi32, #tpu.memory_space<hbm>>) dst(%dma_wait3A_118 : memref<8x128xi32, #tpu.memory_space<vmem>>)
      tpu.yield
    }) : () -> ()
    %run_scoped3A_22 = arith.constant 0 : i32
    "tpu.region"() ({
      %run_scoped3A_98 = tpu.sem_alloc : memref<!tpu.dma_semaphore, #tpu.memory_space<semaphore_mem>>
      %dma_start3A = arith.constant 0 : i32
      %dma_start3A_99 = arith.constant 0 : i32
      %dma_start3A_100 = tpu.memref_slice %arg7[%run_scoped3A_22, %dma_start3A, %dma_start3A_99] : memref<2x8x128xi32, #tpu.memory_space<vmem>> -> memref<1x8x128xi32, #tpu.memory_space<vmem>>
      %dma_start3A_101 = tpu.memref_squeeze %dma_start3A_100 : memref<1x8x128xi32, #tpu.memory_space<vmem>> -> memref<8x128xi32, #tpu.memory_space<vmem>>
      %dma_start3A_102 = arith.constant 0 : i32
      %dma_start3A_103 = tpu.memref_slice %arg4[%add3A, %dma_start3A_102] : memref<2560x128xi32, #tpu.memory_space<hbm>> -> memref<8x128xi32, #tpu.memory_space<hbm>>
      %dma_start3A_104 = arith.constant 0 : i32
      %dma_start3A_105 = arith.constant 0 : i32
      %dma_start3A_106 = tpu.memref_slice %arg7[%run_scoped3A_22, %dma_start3A_104, %dma_start3A_105] : memref<2x8x128xi32, #tpu.memory_space<vmem>> -> memref<1x8x128xi32, #tpu.memory_space<vmem>>
      %dma_start3A_107 = tpu.memref_squeeze %dma_start3A_106 : memref<1x8x128xi32, #tpu.memory_space<vmem>> -> memref<8x128xi32, #tpu.memory_space<vmem>>
      %dma_start3A_108 = arith.constant 0 : i32
      %dma_start3A_109 = tpu.memref_slice %arg4[%add3A, %dma_start3A_108] : memref<2560x128xi32, #tpu.memory_space<hbm>> -> memref<8x128xi32, #tpu.memory_space<hbm>>
      tpu.enqueue_dma source(%dma_start3A_109 : memref<8x128xi32, #tpu.memory_space<hbm>>) target(%dma_start3A_107 : memref<8x128xi32, #tpu.memory_space<vmem>>) target_semaphore(%run_scoped3A_98 : memref<!tpu.dma_semaphore, #tpu.memory_space<semaphore_mem>>)
      %dma_wait3A = arith.constant 0 : i32
      %dma_wait3A_110 = arith.constant 0 : i32
      %dma_wait3A_111 = tpu.memref_slice %arg7[%run_scoped3A_22, %dma_wait3A, %dma_wait3A_110] : memref<2x8x128xi32, #tpu.memory_space<vmem>> -> memref<1x8x128xi32, #tpu.memory_space<vmem>>
      %dma_wait3A_112 = tpu.memref_squeeze %dma_wait3A_111 : memref<1x8x128xi32, #tpu.memory_space<vmem>> -> memref<8x128xi32, #tpu.memory_space<vmem>>
      %dma_wait3A_113 = arith.constant 0 : i32
      %dma_wait3A_114 = tpu.memref_slice %arg4[%add3A, %dma_wait3A_113] : memref<2560x128xi32, #tpu.memory_space<hbm>> -> memref<8x128xi32, #tpu.memory_space<hbm>>
      %dma_wait3A_115 = arith.constant 0 : i32
      %dma_wait3A_116 = arith.constant 0 : i32
      %dma_wait3A_117 = tpu.memref_slice %arg7[%run_scoped3A_22, %dma_wait3A_115, %dma_wait3A_116] : memref<2x8x128xi32, #tpu.memory_space<vmem>> -> memref<1x8x128xi32, #tpu.memory_space<vmem>>
      %dma_wait3A_118 = tpu.memref_squeeze %dma_wait3A_117 : memref<1x8x128xi32, #tpu.memory_space<vmem>> -> memref<8x128xi32, #tpu.memory_space<vmem>>
      %dma_wait3A_119 = arith.constant 0 : i32
      %dma_wait3A_120 = tpu.memref_slice %arg4[%add3A, %dma_wait3A_119] : memref<2560x128xi32, #tpu.memory_space<hbm>> -> memref<8x128xi32, #tpu.memory_space<hbm>>
      tpu.wait_dma2 semaphore(%run_scoped3A_98 : memref<!tpu.dma_semaphore, #tpu.memory_space<semaphore_mem>>) src(%dma_wait3A_120 : memref<8x128xi32, #tpu.memory_space<hbm>>) dst(%dma_wait3A_118 : memref<8x128xi32, #tpu.memory_space<vmem>>)
      tpu.yield
    }) : () -> ()
    %scan3A = arith.constant 0 : i32
    %scan3A_23 = arith.constant 0 : i32
    %scan3A_24 = arith.constant 128 : i32
    %scan3A_25 = arith.addi %scan3A_23, %scan3A_24 : i32
    %scan3A_26 = arith.constant 1 : i32
    scf.for %scan3A_98 = %scan3A_23 to %scan3A_25 step %scan3A_26  : i32 {
      %broadcast_in_dim3A = arith.constant 0.000000e+00 : f32
      %broadcast_in_dim3A_99 = vector.broadcast %broadcast_in_dim3A : f32 to vector<16xf32>
      %swap3A = arith.index_cast %scan3A_98 : i32 to index
      %swap3A_100 = arith.constant 0 : index
      %swap3A_101 = tpu.vector_load %arg8[%swap3A, %swap3A_100] {strides = array<i32>} : memref<128x128xf32, #tpu.memory_space<vmem>>, vector<1x16xf32>,
      %swap3A_102 = vector.shape_cast %swap3A_101 : vector<1x16xf32> to vector<16xf32>
      %swap3A_103 = vector.shape_cast %broadcast_in_dim3A_99 : vector<16xf32> to vector<1x16xf32>
      tpu.vector_store %arg8[%swap3A, %swap3A_100], %swap3A_103 {strides = array<i32>} : memref<128x128xf32, #tpu.memory_space<vmem>>, vector<1x16xf32>,
      %broadcast_in_dim3A_104 = arith.constant 0.000000e+00 : f32
      %broadcast_in_dim3A_105 = vector.broadcast %broadcast_in_dim3A_104 : f32 to vector<16xf32>
      %swap3A_106 = arith.index_cast %scan3A_98 : i32 to index
      %swap3A_107 = arith.constant 16 : index
      %swap3A_108 = tpu.vector_load %arg8[%swap3A_106, %swap3A_107] {strides = array<i32>} : memref<128x128xf32, #tpu.memory_space<vmem>>, vector<1x16xf32>,
      %swap3A_109 = vector.shape_cast %swap3A_108 : vector<1x16xf32> to vector<16xf32>
      %swap3A_110 = vector.shape_cast %broadcast_in_dim3A_105 : vector<16xf32> to vector<1x16xf32>
      tpu.vector_store %arg8[%swap3A_106, %swap3A_107], %swap3A_110 {strides = array<i32>} : memref<128x128xf32, #tpu.memory_space<vmem>>, vector<1x16xf32>,
      %broadcast_in_dim3A_111 = arith.constant 0.000000e+00 : f32
      %broadcast_in_dim3A_112 = vector.broadcast %broadcast_in_dim3A_111 : f32 to vector<16xf32>
      %swap3A_113 = arith.index_cast %scan3A_98 : i32 to index
      %swap3A_114 = arith.constant 32 : index
      %swap3A_115 = tpu.vector_load %arg8[%swap3A_113, %swap3A_114] {strides = array<i32>} : memref<128x128xf32, #tpu.memory_space<vmem>>, vector<1x16xf32>,
      %swap3A_116 = vector.shape_cast %swap3A_115 : vector<1x16xf32> to vector<16xf32>
      %swap3A_117 = vector.shape_cast %broadcast_in_dim3A_112 : vector<16xf32> to vector<1x16xf32>
      tpu.vector_store %arg8[%swap3A_113, %swap3A_114], %swap3A_117 {strides = array<i32>} : memref<128x128xf32, #tpu.memory_space<vmem>>, vector<1x16xf32>,
      %broadcast_in_dim3A_118 = arith.constant 0.000000e+00 : f32
      %broadcast_in_dim3A_119 = vector.broadcast %broadcast_in_dim3A_118 : f32 to vector<16xf32>
      %swap3A_120 = arith.index_cast %scan3A_98 : i32 to index
      %swap3A_121 = arith.constant 48 : index
      %swap3A_122 = tpu.vector_load %arg8[%swap3A_120, %swap3A_121] {strides = array<i32>} : memref<128x128xf32, #tpu.memory_space<vmem>>, vector<1x16xf32>,
      %swap3A_123 = vector.shape_cast %swap3A_122 : vector<1x16xf32> to vector<16xf32>
      %swap3A_124 = vector.shape_cast %broadcast_in_dim3A_119 : vector<16xf32> to vector<1x16xf32>
      tpu.vector_store %arg8[%swap3A_120, %swap3A_121], %swap3A_124 {strides = array<i32>} : memref<128x128xf32, #tpu.memory_space<vmem>>, vector<1x16xf32>,
      %broadcast_in_dim3A_125 = arith.constant 0.000000e+00 : f32
      %broadcast_in_dim3A_126 = vector.broadcast %broadcast_in_dim3A_125 : f32 to vector<16xf32>
      %swap3A_127 = arith.index_cast %scan3A_98 : i32 to index
      %swap3A_128 = arith.constant 64 : index
      %swap3A_129 = tpu.vector_load %arg8[%swap3A_127, %swap3A_128] {strides = array<i32>} : memref<128x128xf32, #tpu.memory_space<vmem>>, vector<1x16xf32>,
      %swap3A_130 = vector.shape_cast %swap3A_129 : vector<1x16xf32> to vector<16xf32>
      %swap3A_131 = vector.shape_cast %broadcast_in_dim3A_126 : vector<16xf32> to vector<1x16xf32>
      tpu.vector_store %arg8[%swap3A_127, %swap3A_128], %swap3A_131 {strides = array<i32>} : memref<128x128xf32, #tpu.memory_space<vmem>>, vector<1x16xf32>,
      %broadcast_in_dim3A_132 = arith.constant 0.000000e+00 : f32
      %broadcast_in_dim3A_133 = vector.broadcast %broadcast_in_dim3A_132 : f32 to vector<16xf32>
      %swap3A_134 = arith.index_cast %scan3A_98 : i32 to index
      %swap3A_135 = arith.constant 80 : index
      %swap3A_136 = tpu.vector_load %arg8[%swap3A_134, %swap3A_135] {strides = array<i32>} : memref<128x128xf32, #tpu.memory_space<vmem>>, vector<1x16xf32>,
      %swap3A_137 = vector.shape_cast %swap3A_136 : vector<1x16xf32> to vector<16xf32>
      %swap3A_138 = vector.shape_cast %broadcast_in_dim3A_133 : vector<16xf32> to vector<1x16xf32>
      tpu.vector_store %arg8[%swap3A_134, %swap3A_135], %swap3A_138 {strides = array<i32>} : memref<128x128xf32, #tpu.memory_space<vmem>>, vector<1x16xf32>,
      %broadcast_in_dim3A_139 = arith.constant 0.000000e+00 : f32
      %broadcast_in_dim3A_140 = vector.broadcast %broadcast_in_dim3A_139 : f32 to vector<16xf32>
      %swap3A_141 = arith.index_cast %scan3A_98 : i32 to index
      %swap3A_142 = arith.constant 96 : index
      %swap3A_143 = tpu.vector_load %arg8[%swap3A_141, %swap3A_142] {strides = array<i32>} : memref<128x128xf32, #tpu.memory_space<vmem>>, vector<1x16xf32>,
      %swap3A_144 = vector.shape_cast %swap3A_143 : vector<1x16xf32> to vector<16xf32>
      %swap3A_145 = vector.shape_cast %broadcast_in_dim3A_140 : vector<16xf32> to vector<1x16xf32>
      tpu.vector_store %arg8[%swap3A_141, %swap3A_142], %swap3A_145 {strides = array<i32>} : memref<128x128xf32, #tpu.memory_space<vmem>>, vector<1x16xf32>,
      %broadcast_in_dim3A_146 = arith.constant 0.000000e+00 : f32
      %broadcast_in_dim3A_147 = vector.broadcast %broadcast_in_dim3A_146 : f32 to vector<16xf32>
      %swap3A_148 = arith.index_cast %scan3A_98 : i32 to index
      %swap3A_149 = arith.constant 112 : index
      %swap3A_150 = tpu.vector_load %arg8[%swap3A_148, %swap3A_149] {strides = array<i32>} : memref<128x128xf32, #tpu.memory_space<vmem>>, vector<1x16xf32>,
      %swap3A_151 = vector.shape_cast %swap3A_150 : vector<1x16xf32> to vector<16xf32>
      %swap3A_152 = vector.shape_cast %broadcast_in_dim3A_147 : vector<16xf32> to vector<1x16xf32>
      tpu.vector_store %arg8[%swap3A_148, %swap3A_149], %swap3A_152 {strides = array<i32>} : memref<128x128xf32, #tpu.memory_space<vmem>>, vector<1x16xf32>,
    }
    %scan3A_27 = arith.constant 128 : i32
    %mul3A_28 = arith.constant 640 : i32
    %mul3A_29 = arith.muli %arg1, %mul3A_28 : i32
    %add3A_30 = arith.constant 0 : i32
    %add3A_31 = arith.addi %mul3A_29, %add3A_30 : i32
    "tpu.region"() ({
      %run_scoped3A_98 = tpu.sem_alloc : memref<!tpu.dma_semaphore, #tpu.memory_space<semaphore_mem>>
      %dma_start3A = arith.constant 0 : i32
      %dma_start3A_99 = tpu.memref_slice %arg10[%add3A_31, %dma_start3A] : memref<10240x128xf32, #tpu.memory_space<vmem_shared>> -> memref<128x128xf32, #tpu.memory_space<vmem_shared>>
      %dma_start3A_100 = arith.constant 0 : i32
      %dma_start3A_101 = tpu.memref_slice %arg10[%add3A_31, %dma_start3A_100] : memref<10240x128xf32, #tpu.memory_space<vmem_shared>> -> memref<128x128xf32, #tpu.memory_space<vmem_shared>>
      tpu.enqueue_dma source(%arg8 : memref<128x128xf32, #tpu.memory_space<vmem>>) target(%dma_start3A_101 : memref<128x128xf32, #tpu.memory_space<vmem_shared>>) target_semaphore(%run_scoped3A_98 : memref<!tpu.dma_semaphore, #tpu.memory_space<semaphore_mem>>)
      %dma_wait3A = arith.constant 0 : i32
      %dma_wait3A_102 = tpu.memref_slice %arg10[%add3A_31, %dma_wait3A] : memref<10240x128xf32, #tpu.memory_space<vmem_shared>> -> memref<128x128xf32, #tpu.memory_space<vmem_shared>>
      %dma_wait3A_103 = arith.constant 0 : i32
      %dma_wait3A_104 = tpu.memref_slice %arg10[%add3A_31, %dma_wait3A_103] : memref<10240x128xf32, #tpu.memory_space<vmem_shared>> -> memref<128x128xf32, #tpu.memory_space<vmem_shared>>
      tpu.wait_dma2 semaphore(%run_scoped3A_98 : memref<!tpu.dma_semaphore, #tpu.memory_space<semaphore_mem>>) src(%arg8 : memref<128x128xf32, #tpu.memory_space<vmem>>) dst(%dma_wait3A_104 : memref<128x128xf32, #tpu.memory_space<vmem_shared>>)
      tpu.yield
    }) : () -> ()
    %mul3A_32 = arith.constant 640 : i32
    %mul3A_33 = arith.muli %arg1, %mul3A_32 : i32
    %add3A_34 = arith.constant 128 : i32
    %add3A_35 = arith.addi %mul3A_33, %add3A_34 : i32
    "tpu.region"() ({
      %run_scoped3A_98 = tpu.sem_alloc : memref<!tpu.dma_semaphore, #tpu.memory_space<semaphore_mem>>
      %dma_start3A = arith.constant 0 : i32
      %dma_start3A_99 = tpu.memref_slice %arg10[%add3A_35, %dma_start3A] : memref<10240x128xf32, #tpu.memory_space<vmem_shared>> -> memref<128x128xf32, #tpu.memory_space<vmem_shared>>
      %dma_start3A_100 = arith.constant 0 : i32
      %dma_start3A_101 = tpu.memref_slice %arg10[%add3A_35, %dma_start3A_100] : memref<10240x128xf32, #tpu.memory_space<vmem_shared>> -> memref<128x128xf32, #tpu.memory_space<vmem_shared>>
      tpu.enqueue_dma source(%arg8 : memref<128x128xf32, #tpu.memory_space<vmem>>) target(%dma_start3A_101 : memref<128x128xf32, #tpu.memory_space<vmem_shared>>) target_semaphore(%run_scoped3A_98 : memref<!tpu.dma_semaphore, #tpu.memory_space<semaphore_mem>>)
      %dma_wait3A = arith.constant 0 : i32
      %dma_wait3A_102 = tpu.memref_slice %arg10[%add3A_35, %dma_wait3A] : memref<10240x128xf32, #tpu.memory_space<vmem_shared>> -> memref<128x128xf32, #tpu.memory_space<vmem_shared>>
      %dma_wait3A_103 = arith.constant 0 : i32
      %dma_wait3A_104 = tpu.memref_slice %arg10[%add3A_35, %dma_wait3A_103] : memref<10240x128xf32, #tpu.memory_space<vmem_shared>> -> memref<128x128xf32, #tpu.memory_space<vmem_shared>>
      tpu.wait_dma2 semaphore(%run_scoped3A_98 : memref<!tpu.dma_semaphore, #tpu.memory_space<semaphore_mem>>) src(%arg8 : memref<128x128xf32, #tpu.memory_space<vmem>>) dst(%dma_wait3A_104 : memref<128x128xf32, #tpu.memory_space<vmem_shared>>)
      tpu.yield
    }) : () -> ()
    %mul3A_36 = arith.constant 640 : i32
    %mul3A_37 = arith.muli %arg1, %mul3A_36 : i32
    %add3A_38 = arith.constant 256 : i32
    %add3A_39 = arith.addi %mul3A_37, %add3A_38 : i32
    "tpu.region"() ({
      %run_scoped3A_98 = tpu.sem_alloc : memref<!tpu.dma_semaphore, #tpu.memory_space<semaphore_mem>>
      %dma_start3A = arith.constant 0 : i32
      %dma_start3A_99 = tpu.memref_slice %arg10[%add3A_39, %dma_start3A] : memref<10240x128xf32, #tpu.memory_space<vmem_shared>> -> memref<128x128xf32, #tpu.memory_space<vmem_shared>>
      %dma_start3A_100 = arith.constant 0 : i32
      %dma_start3A_101 = tpu.memref_slice %arg10[%add3A_39, %dma_start3A_100] : memref<10240x128xf32, #tpu.memory_space<vmem_shared>> -> memref<128x128xf32, #tpu.memory_space<vmem_shared>>
      tpu.enqueue_dma source(%arg8 : memref<128x128xf32, #tpu.memory_space<vmem>>) target(%dma_start3A_101 : memref<128x128xf32, #tpu.memory_space<vmem_shared>>) target_semaphore(%run_scoped3A_98 : memref<!tpu.dma_semaphore, #tpu.memory_space<semaphore_mem>>)
      %dma_wait3A = arith.constant 0 : i32
      %dma_wait3A_102 = tpu.memref_slice %arg10[%add3A_39, %dma_wait3A] : memref<10240x128xf32, #tpu.memory_space<vmem_shared>> -> memref<128x128xf32, #tpu.memory_space<vmem_shared>>
      %dma_wait3A_103 = arith.constant 0 : i32
      %dma_wait3A_104 = tpu.memref_slice %arg10[%add3A_39, %dma_wait3A_103] : memref<10240x128xf32, #tpu.memory_space<vmem_shared>> -> memref<128x128xf32, #tpu.memory_space<vmem_shared>>
      tpu.wait_dma2 semaphore(%run_scoped3A_98 : memref<!tpu.dma_semaphore, #tpu.memory_space<semaphore_mem>>) src(%arg8 : memref<128x128xf32, #tpu.memory_space<vmem>>) dst(%dma_wait3A_104 : memref<128x128xf32, #tpu.memory_space<vmem_shared>>)
      tpu.yield
    }) : () -> ()
    %mul3A_40 = arith.constant 640 : i32
    %mul3A_41 = arith.muli %arg1, %mul3A_40 : i32
    %add3A_42 = arith.constant 384 : i32
    %add3A_43 = arith.addi %mul3A_41, %add3A_42 : i32
    "tpu.region"() ({
      %run_scoped3A_98 = tpu.sem_alloc : memref<!tpu.dma_semaphore, #tpu.memory_space<semaphore_mem>>
      %dma_start3A = arith.constant 0 : i32
      %dma_start3A_99 = tpu.memref_slice %arg10[%add3A_43, %dma_start3A] : memref<10240x128xf32, #tpu.memory_space<vmem_shared>> -> memref<128x128xf32, #tpu.memory_space<vmem_shared>>
      %dma_start3A_100 = arith.constant 0 : i32
      %dma_start3A_101 = tpu.memref_slice %arg10[%add3A_43, %dma_start3A_100] : memref<10240x128xf32, #tpu.memory_space<vmem_shared>> -> memref<128x128xf32, #tpu.memory_space<vmem_shared>>
      tpu.enqueue_dma source(%arg8 : memref<128x128xf32, #tpu.memory_space<vmem>>) target(%dma_start3A_101 : memref<128x128xf32, #tpu.memory_space<vmem_shared>>) target_semaphore(%run_scoped3A_98 : memref<!tpu.dma_semaphore, #tpu.memory_space<semaphore_mem>>)
      %dma_wait3A = arith.constant 0 : i32
      %dma_wait3A_102 = tpu.memref_slice %arg10[%add3A_43, %dma_wait3A] : memref<10240x128xf32, #tpu.memory_space<vmem_shared>> -> memref<128x128xf32, #tpu.memory_space<vmem_shared>>
      %dma_wait3A_103 = arith.constant 0 : i32
      %dma_wait3A_104 = tpu.memref_slice %arg10[%add3A_43, %dma_wait3A_103] : memref<10240x128xf32, #tpu.memory_space<vmem_shared>> -> memref<128x128xf32, #tpu.memory_space<vmem_shared>>
      tpu.wait_dma2 semaphore(%run_scoped3A_98 : memref<!tpu.dma_semaphore, #tpu.memory_space<semaphore_mem>>) src(%arg8 : memref<128x128xf32, #tpu.memory_space<vmem>>) dst(%dma_wait3A_104 : memref<128x128xf32, #tpu.memory_space<vmem_shared>>)
      tpu.yield
    }) : () -> ()
    %mul3A_44 = arith.constant 640 : i32
    %mul3A_45 = arith.muli %arg1, %mul3A_44 : i32
    %add3A_46 = arith.constant 512 : i32
    %add3A_47 = arith.addi %mul3A_45, %add3A_46 : i32
    "tpu.region"() ({
      %run_scoped3A_98 = tpu.sem_alloc : memref<!tpu.dma_semaphore, #tpu.memory_space<semaphore_mem>>
      %dma_start3A = arith.constant 0 : i32
      %dma_start3A_99 = tpu.memref_slice %arg10[%add3A_47, %dma_start3A] : memref<10240x128xf32, #tpu.memory_space<vmem_shared>> -> memref<128x128xf32, #tpu.memory_space<vmem_shared>>
      %dma_start3A_100 = arith.constant 0 : i32
      %dma_start3A_101 = tpu.memref_slice %arg10[%add3A_47, %dma_start3A_100] : memref<10240x128xf32, #tpu.memory_space<vmem_shared>> -> memref<128x128xf32, #tpu.memory_space<vmem_shared>>
      tpu.enqueue_dma source(%arg8 : memref<128x128xf32, #tpu.memory_space<vmem>>) target(%dma_start3A_101 : memref<128x128xf32, #tpu.memory_space<vmem_shared>>) target_semaphore(%run_scoped3A_98 : memref<!tpu.dma_semaphore, #tpu.memory_space<semaphore_mem>>)
      %dma_wait3A = arith.constant 0 : i32
      %dma_wait3A_102 = tpu.memref_slice %arg10[%add3A_47, %dma_wait3A] : memref<10240x128xf32, #tpu.memory_space<vmem_shared>> -> memref<128x128xf32, #tpu.memory_space<vmem_shared>>
      %dma_wait3A_103 = arith.constant 0 : i32
      %dma_wait3A_104 = tpu.memref_slice %arg10[%add3A_47, %dma_wait3A_103] : memref<10240x128xf32, #tpu.memory_space<vmem_shared>> -> memref<128x128xf32, #tpu.memory_space<vmem_shared>>
      tpu.wait_dma2 semaphore(%run_scoped3A_98 : memref<!tpu.dma_semaphore, #tpu.memory_space<semaphore_mem>>) src(%arg8 : memref<128x128xf32, #tpu.memory_space<vmem>>) dst(%dma_wait3A_104 : memref<128x128xf32, #tpu.memory_space<vmem_shared>>)
      tpu.yield
    }) : () -> ()
    %barrier3A = arith.constant 0 : index
    tpu.barrier barrier_id(%barrier3A)
    %while3A = arith.constant 0 : i32
    %while3A_48 = arith.constant 0 : i32
    %while3A_49 = arith.subi %select_n3A, %while3A_48 : i32
    %while3A_50 = arith.addi %while3A_48, %while3A_49 : i32
    %while3A_51 = arith.constant 1 : i32
    %while3A_52 = arith.divsi %while3A_49, %while3A_51 : i32
    %while3A_53 = arith.muli %while3A_52, %while3A_51 : i32
    %while3A_54 = arith.addi %while3A_48, %while3A_53 : i32
    %while3A_55 = arith.constant 1 : i32
    scf.for %while3A_98 = %while3A_48 to %while3A_54 step %while3A_55  : i32 {
      %rem3A_99 = arith.constant 2 : i32
      %rem3A_100 = arith.remsi %while3A_98, %rem3A_99 : i32
      %add3A_101 = arith.constant 1 : i32
      %add3A_102 = arith.addi %while3A_98, %add3A_101 : i32
      %rem3A_103 = arith.constant 2 : i32
      %rem3A_104 = arith.remsi %add3A_102, %rem3A_103 : i32
      %add3A_105 = arith.constant 1 : i32
      %add3A_106 = arith.addi %while3A_98, %add3A_105 : i32
      %mul3A_107 = arith.constant 8 : i32
      %mul3A_108 = arith.muli %add3A_106, %mul3A_107 : i32
      %add3A_109 = arith.addi %add3A, %mul3A_108 : i32
      %sub3A_110 = arith.constant 1 : i32
      %sub3A_111 = arith.subi %select_n3A, %sub3A_110 : i32
      %lt3A = arith.cmpi slt, %while3A_98, %sub3A_111 : i32
      %convert_element_type3A = arith.extui %lt3A : i1 to i32
      %cond3A = arith.constant 0 : i32
      %cond3A_112 = arith.cmpi ne, %convert_element_type3A, %cond3A : i32
      scf.if %cond3A_112 {
        %dma_start3A_138 = arith.constant 0 : i32
        %dma_start3A_139 = arith.constant 0 : i32
        %dma_start3A_140 = tpu.memref_slice %arg6[%rem3A_104, %dma_start3A_138, %dma_start3A_139] : memref<2x8x128xi32, #tpu.memory_space<vmem>> -> memref<1x8x128xi32, #tpu.memory_space<vmem>>
        %dma_start3A_141 = tpu.memref_squeeze %dma_start3A_140 : memref<1x8x128xi32, #tpu.memory_space<vmem>> -> memref<8x128xi32, #tpu.memory_space<vmem>>
        %dma_start3A_142 = arith.constant 0 : i32
        %dma_start3A_143 = tpu.memref_slice %arg3[%add3A_109, %dma_start3A_142] : memref<2560x128xi32, #tpu.memory_space<hbm>> -> memref<8x128xi32, #tpu.memory_space<hbm>>
        %dma_start3A_144 = arith.constant 0 : i32
        %dma_start3A_145 = arith.constant 0 : i32
        %dma_start3A_146 = tpu.memref_slice %arg6[%rem3A_104, %dma_start3A_144, %dma_start3A_145] : memref<2x8x128xi32, #tpu.memory_space<vmem>> -> memref<1x8x128xi32, #tpu.memory_space<vmem>>
        %dma_start3A_147 = tpu.memref_squeeze %dma_start3A_146 : memref<1x8x128xi32, #tpu.memory_space<vmem>> -> memref<8x128xi32, #tpu.memory_space<vmem>>
        %dma_start3A_148 = arith.constant 0 : i32
        %dma_start3A_149 = tpu.memref_slice %arg3[%add3A_109, %dma_start3A_148] : memref<2560x128xi32, #tpu.memory_space<hbm>> -> memref<8x128xi32, #tpu.memory_space<hbm>>
        tpu.enqueue_dma source(%dma_start3A_149 : memref<8x128xi32, #tpu.memory_space<hbm>>) target(%dma_start3A_147 : memref<8x128xi32, #tpu.memory_space<vmem>>) target_semaphore(%arg13 : memref<!tpu.dma_semaphore, #tpu.memory_space<semaphore_mem>>)
        %dma_start3A_150 = arith.constant 0 : i32
        %dma_start3A_151 = arith.constant 0 : i32
        %dma_start3A_152 = tpu.memref_slice %arg7[%rem3A_104, %dma_start3A_150, %dma_start3A_151] : memref<2x8x128xi32, #tpu.memory_space<vmem>> -> memref<1x8x128xi32, #tpu.memory_space<vmem>>
        %dma_start3A_153 = tpu.memref_squeeze %dma_start3A_152 : memref<1x8x128xi32, #tpu.memory_space<vmem>> -> memref<8x128xi32, #tpu.memory_space<vmem>>
        %dma_start3A_154 = arith.constant 0 : i32
        %dma_start3A_155 = tpu.memref_slice %arg4[%add3A_109, %dma_start3A_154] : memref<2560x128xi32, #tpu.memory_space<hbm>> -> memref<8x128xi32, #tpu.memory_space<hbm>>
        %dma_start3A_156 = arith.constant 0 : i32
        %dma_start3A_157 = arith.constant 0 : i32
        %dma_start3A_158 = tpu.memref_slice %arg7[%rem3A_104, %dma_start3A_156, %dma_start3A_157] : memref<2x8x128xi32, #tpu.memory_space<vmem>> -> memref<1x8x128xi32, #tpu.memory_space<vmem>>
        %dma_start3A_159 = tpu.memref_squeeze %dma_start3A_158 : memref<1x8x128xi32, #tpu.memory_space<vmem>> -> memref<8x128xi32, #tpu.memory_space<vmem>>
        %dma_start3A_160 = arith.constant 0 : i32
        %dma_start3A_161 = tpu.memref_slice %arg4[%add3A_109, %dma_start3A_160] : memref<2560x128xi32, #tpu.memory_space<hbm>> -> memref<8x128xi32, #tpu.memory_space<hbm>>
        tpu.enqueue_dma source(%dma_start3A_161 : memref<8x128xi32, #tpu.memory_space<hbm>>) target(%dma_start3A_159 : memref<8x128xi32, #tpu.memory_space<vmem>>) target_semaphore(%arg13 : memref<!tpu.dma_semaphore, #tpu.memory_space<semaphore_mem>>)
      } else {
      }
      %dma_start3A = arith.constant 0 : i32
      %dma_start3A_113 = arith.constant 0 : i32
      %dma_start3A_114 = tpu.memref_slice %arg6[%rem3A_100, %dma_start3A, %dma_start3A_113] : memref<2x8x128xi32, #tpu.memory_space<vmem>> -> memref<1x1x128xi32, #tpu.memory_space<vmem>>
      %dma_start3A_115 = tpu.memref_squeeze %dma_start3A_114 : memref<1x1x128xi32, #tpu.memory_space<vmem>> -> memref<128xi32, #tpu.memory_space<vmem>>
      %dma_start3A_116 = arith.constant 0 : i32
      %dma_start3A_117 = arith.constant 0 : i32
      %dma_start3A_118 = tpu.memref_slice %arg10[%dma_start3A_116, %dma_start3A_117] : memref<10240x128xf32, #tpu.memory_space<vmem_shared>> -> memref<10240x128xf32, #tpu.memory_space<vmem_shared>>
      tpu.enqueue_indirect_dma source(%dma_start3A_118 : memref<10240x128xf32, #tpu.memory_space<vmem_shared>>) target(%arg8 : memref<128x128xf32, #tpu.memory_space<vmem>>) offsets(%dma_start3A_115 : memref<128xi32, #tpu.memory_space<vmem>>) semaphore(%arg11 : memref<!tpu.dma_semaphore, #tpu.memory_space<semaphore_mem>>)
      %dma_start3A_119 = arith.constant 1 : i32
      %dma_start3A_120 = arith.constant 0 : i32
      %dma_start3A_121 = tpu.memref_slice %arg6[%rem3A_100, %dma_start3A_119, %dma_start3A_120] : memref<2x8x128xi32, #tpu.memory_space<vmem>> -> memref<1x1x128xi32, #tpu.memory_space<vmem>>
      %dma_start3A_122 = tpu.memref_squeeze %dma_start3A_121 : memref<1x1x128xi32, #tpu.memory_space<vmem>> -> memref<128xi32, #tpu.memory_space<vmem>>
      %dma_start3A_123 = arith.constant 0 : i32
      %dma_start3A_124 = arith.constant 0 : i32
      %dma_start3A_125 = tpu.memref_slice %arg10[%dma_start3A_123, %dma_start3A_124] : memref<10240x128xf32, #tpu.memory_space<vmem_shared>> -> memref<10240x128xf32, #tpu.memory_space<vmem_shared>>
      tpu.enqueue_indirect_dma source(%dma_start3A_125 : memref<10240x128xf32, #tpu.memory_space<vmem_shared>>) target(%arg9 : memref<128x128xf32, #tpu.memory_space<vmem>>) offsets(%dma_start3A_122 : memref<128xi32, #tpu.memory_space<vmem>>) semaphore(%arg12 : memref<!tpu.dma_semaphore, #tpu.memory_space<semaphore_mem>>)
      %scan3A_126 = arith.constant 0 : i32
      %scan3A_127 = arith.constant 0 : i32
      %scan3A_128 = arith.constant 4 : i32
      %scan3A_129 = arith.addi %scan3A_127, %scan3A_128 : i32
      %scan3A_130 = arith.constant 1 : i32
      scf.for %scan3A_138 = %scan3A_127 to %scan3A_129 step %scan3A_130  : i32 {
        %mul3A_139 = arith.constant 2 : i32
        %mul3A_140 = arith.muli %mul3A_139, %scan3A_138 : i32
        %add3A_141 = arith.constant 0 : i32
        %add3A_142 = arith.addi %mul3A_140, %add3A_141 : i32
        %dma_wait3A = arith.constant 0 : i32
        %dma_wait3A_143 = tpu.memref_slice %arg6[%rem3A_100, %add3A_142, %dma_wait3A] : memref<2x8x128xi32, #tpu.memory_space<vmem>> -> memref<1x1x128xi32, #tpu.memory_space<vmem>>
        %dma_wait3A_144 = tpu.memref_squeeze %dma_wait3A_143 : memref<1x1x128xi32, #tpu.memory_space<vmem>> -> memref<128xi32, #tpu.memory_space<vmem>>
        %dma_wait3A_145 = arith.constant 0 : i32
        %dma_wait3A_146 = arith.constant 0 : i32
        %dma_wait3A_147 = tpu.memref_slice %arg10[%dma_wait3A_145, %dma_wait3A_146] : memref<10240x128xf32, #tpu.memory_space<vmem_shared>> -> memref<10240x128xf32, #tpu.memory_space<vmem_shared>>
        tpu.wait_indirect_dma semaphore(%arg11 : memref<!tpu.dma_semaphore, #tpu.memory_space<semaphore_mem>>) src(%dma_wait3A_147 : memref<10240x128xf32, #tpu.memory_space<vmem_shared>>) dst(%arg8 : memref<128x128xf32, #tpu.memory_space<vmem>>)
        "tpu.region"() ({
          %run_scoped3A_172 = tpu.sem_alloc : memref<!tpu.dma_semaphore, #tpu.memory_space<semaphore_mem>>
          %dma_start3A_173 = arith.constant 0 : i32
          %dma_start3A_174 = tpu.memref_slice %arg7[%rem3A_100, %add3A_142, %dma_start3A_173] : memref<2x8x128xi32, #tpu.memory_space<vmem>> -> memref<1x1x128xi32, #tpu.memory_space<vmem>>
          %dma_start3A_175 = tpu.memref_squeeze %dma_start3A_174 : memref<1x1x128xi32, #tpu.memory_space<vmem>> -> memref<128xi32, #tpu.memory_space<vmem>>
          %dma_start3A_176 = arith.constant 0 : i32
          %dma_start3A_177 = arith.constant 0 : i32
          %dma_start3A_178 = tpu.memref_slice %arg10[%dma_start3A_176, %dma_start3A_177] : memref<10240x128xf32, #tpu.memory_space<vmem_shared>> -> memref<10240x128xf32, #tpu.memory_space<vmem_shared>>
          tpu.enqueue_indirect_dma source(%arg8 : memref<128x128xf32, #tpu.memory_space<vmem>>) target(%dma_start3A_178 : memref<10240x128xf32, #tpu.memory_space<vmem_shared>>) offsets(%dma_start3A_175 : memref<128xi32, #tpu.memory_space<vmem>>) semaphore(%run_scoped3A_172 : memref<!tpu.dma_semaphore, #tpu.memory_space<semaphore_mem>>) {add = true}
          %dma_wait3A_179 = arith.constant 0 : i32
          %dma_wait3A_180 = tpu.memref_slice %arg7[%rem3A_100, %add3A_142, %dma_wait3A_179] : memref<2x8x128xi32, #tpu.memory_space<vmem>> -> memref<1x1x128xi32, #tpu.memory_space<vmem>>
          %dma_wait3A_181 = tpu.memref_squeeze %dma_wait3A_180 : memref<1x1x128xi32, #tpu.memory_space<vmem>> -> memref<128xi32, #tpu.memory_space<vmem>>
          %dma_wait3A_182 = arith.constant 0 : i32
          %dma_wait3A_183 = arith.constant 0 : i32
          %dma_wait3A_184 = tpu.memref_slice %arg10[%dma_wait3A_182, %dma_wait3A_183] : memref<10240x128xf32, #tpu.memory_space<vmem_shared>> -> memref<10240x128xf32, #tpu.memory_space<vmem_shared>>
          tpu.wait_indirect_dma semaphore(%run_scoped3A_172 : memref<!tpu.dma_semaphore, #tpu.memory_space<semaphore_mem>>) src(%arg8 : memref<128x128xf32, #tpu.memory_space<vmem>>) dst(%dma_wait3A_184 : memref<10240x128xf32, #tpu.memory_space<vmem_shared>>)
          tpu.yield
        }) : () -> ()
        %add3A_148 = arith.constant 2 : i32
        %add3A_149 = arith.addi %add3A_142, %add3A_148 : i32
        %lt3A_150 = arith.constant 8 : i32
        %lt3A_151 = arith.cmpi slt, %add3A_149, %lt3A_150 : i32
        %convert_element_type3A_152 = arith.extui %lt3A_151 : i1 to i32
        %cond3A_153 = arith.constant 0 : i32
        %cond3A_154 = arith.cmpi ne, %convert_element_type3A_152, %cond3A_153 : i32
        scf.if %cond3A_154 {
          %add3A_172 = arith.constant 2 : i32
          %add3A_173 = arith.addi %add3A_142, %add3A_172 : i32
          %dma_start3A_174 = arith.constant 0 : i32
          %dma_start3A_175 = tpu.memref_slice %arg6[%rem3A_100, %add3A_173, %dma_start3A_174] : memref<2x8x128xi32, #tpu.memory_space<vmem>> -> memref<1x1x128xi32, #tpu.memory_space<vmem>>
          %dma_start3A_176 = tpu.memref_squeeze %dma_start3A_175 : memref<1x1x128xi32, #tpu.memory_space<vmem>> -> memref<128xi32, #tpu.memory_space<vmem>>
          %dma_start3A_177 = arith.constant 0 : i32
          %dma_start3A_178 = arith.constant 0 : i32
          %dma_start3A_179 = tpu.memref_slice %arg10[%dma_start3A_177, %dma_start3A_178] : memref<10240x128xf32, #tpu.memory_space<vmem_shared>> -> memref<10240x128xf32, #tpu.memory_space<vmem_shared>>
          tpu.enqueue_indirect_dma source(%dma_start3A_179 : memref<10240x128xf32, #tpu.memory_space<vmem_shared>>) target(%arg8 : memref<128x128xf32, #tpu.memory_space<vmem>>) offsets(%dma_start3A_176 : memref<128xi32, #tpu.memory_space<vmem>>) semaphore(%arg11 : memref<!tpu.dma_semaphore, #tpu.memory_space<semaphore_mem>>)
        } else {
        }
        %mul3A_155 = arith.constant 2 : i32
        %mul3A_156 = arith.muli %mul3A_155, %scan3A_138 : i32
        %add3A_157 = arith.constant 1 : i32
        %add3A_158 = arith.addi %mul3A_156, %add3A_157 : i32
        %dma_wait3A_159 = arith.constant 0 : i32
        %dma_wait3A_160 = tpu.memref_slice %arg6[%rem3A_100, %add3A_158, %dma_wait3A_159] : memref<2x8x128xi32, #tpu.memory_space<vmem>> -> memref<1x1x128xi32, #tpu.memory_space<vmem>>
        %dma_wait3A_161 = tpu.memref_squeeze %dma_wait3A_160 : memref<1x1x128xi32, #tpu.memory_space<vmem>> -> memref<128xi32, #tpu.memory_space<vmem>>
        %dma_wait3A_162 = arith.constant 0 : i32
        %dma_wait3A_163 = arith.constant 0 : i32
        %dma_wait3A_164 = tpu.memref_slice %arg10[%dma_wait3A_162, %dma_wait3A_163] : memref<10240x128xf32, #tpu.memory_space<vmem_shared>> -> memref<10240x128xf32, #tpu.memory_space<vmem_shared>>
        tpu.wait_indirect_dma semaphore(%arg12 : memref<!tpu.dma_semaphore, #tpu.memory_space<semaphore_mem>>) src(%dma_wait3A_164 : memref<10240x128xf32, #tpu.memory_space<vmem_shared>>) dst(%arg9 : memref<128x128xf32, #tpu.memory_space<vmem>>)
        "tpu.region"() ({
          %run_scoped3A_172 = tpu.sem_alloc : memref<!tpu.dma_semaphore, #tpu.memory_space<semaphore_mem>>
          %dma_start3A_173 = arith.constant 0 : i32
          %dma_start3A_174 = tpu.memref_slice %arg7[%rem3A_100, %add3A_158, %dma_start3A_173] : memref<2x8x128xi32, #tpu.memory_space<vmem>> -> memref<1x1x128xi32, #tpu.memory_space<vmem>>
          %dma_start3A_175 = tpu.memref_squeeze %dma_start3A_174 : memref<1x1x128xi32, #tpu.memory_space<vmem>> -> memref<128xi32, #tpu.memory_space<vmem>>
          %dma_start3A_176 = arith.constant 0 : i32
          %dma_start3A_177 = arith.constant 0 : i32
          %dma_start3A_178 = tpu.memref_slice %arg10[%dma_start3A_176, %dma_start3A_177] : memref<10240x128xf32, #tpu.memory_space<vmem_shared>> -> memref<10240x128xf32, #tpu.memory_space<vmem_shared>>
          tpu.enqueue_indirect_dma source(%arg9 : memref<128x128xf32, #tpu.memory_space<vmem>>) target(%dma_start3A_178 : memref<10240x128xf32, #tpu.memory_space<vmem_shared>>) offsets(%dma_start3A_175 : memref<128xi32, #tpu.memory_space<vmem>>) semaphore(%run_scoped3A_172 : memref<!tpu.dma_semaphore, #tpu.memory_space<semaphore_mem>>) {add = true}
          %dma_wait3A_179 = arith.constant 0 : i32
          %dma_wait3A_180 = tpu.memref_slice %arg7[%rem3A_100, %add3A_158, %dma_wait3A_179] : memref<2x8x128xi32, #tpu.memory_space<vmem>> -> memref<1x1x128xi32, #tpu.memory_space<vmem>>
          %dma_wait3A_181 = tpu.memref_squeeze %dma_wait3A_180 : memref<1x1x128xi32, #tpu.memory_space<vmem>> -> memref<128xi32, #tpu.memory_space<vmem>>
          %dma_wait3A_182 = arith.constant 0 : i32
          %dma_wait3A_183 = arith.constant 0 : i32
          %dma_wait3A_184 = tpu.memref_slice %arg10[%dma_wait3A_182, %dma_wait3A_183] : memref<10240x128xf32, #tpu.memory_space<vmem_shared>> -> memref<10240x128xf32, #tpu.memory_space<vmem_shared>>
          tpu.wait_indirect_dma semaphore(%run_scoped3A_172 : memref<!tpu.dma_semaphore, #tpu.memory_space<semaphore_mem>>) src(%arg9 : memref<128x128xf32, #tpu.memory_space<vmem>>) dst(%dma_wait3A_184 : memref<10240x128xf32, #tpu.memory_space<vmem_shared>>)
          tpu.yield
        }) : () -> ()
        %add3A_165 = arith.constant 2 : i32
        %add3A_166 = arith.addi %add3A_158, %add3A_165 : i32
        %lt3A_167 = arith.constant 8 : i32
        %lt3A_168 = arith.cmpi slt, %add3A_166, %lt3A_167 : i32
        %convert_element_type3A_169 = arith.extui %lt3A_168 : i1 to i32
        %cond3A_170 = arith.constant 0 : i32
        %cond3A_171 = arith.cmpi ne, %convert_element_type3A_169, %cond3A_170 : i32
        scf.if %cond3A_171 {
          %add3A_172 = arith.constant 2 : i32
          %add3A_173 = arith.addi %add3A_158, %add3A_172 : i32
          %dma_start3A_174 = arith.constant 0 : i32
          %dma_start3A_175 = tpu.memref_slice %arg6[%rem3A_100, %add3A_173, %dma_start3A_174] : memref<2x8x128xi32, #tpu.memory_space<vmem>> -> memref<1x1x128xi32, #tpu.memory_space<vmem>>
          %dma_start3A_176 = tpu.memref_squeeze %dma_start3A_175 : memref<1x1x128xi32, #tpu.memory_space<vmem>> -> memref<128xi32, #tpu.memory_space<vmem>>
          %dma_start3A_177 = arith.constant 0 : i32
          %dma_start3A_178 = arith.constant 0 : i32
          %dma_start3A_179 = tpu.memref_slice %arg10[%dma_start3A_177, %dma_start3A_178] : memref<10240x128xf32, #tpu.memory_space<vmem_shared>> -> memref<10240x128xf32, #tpu.memory_space<vmem_shared>>
          tpu.enqueue_indirect_dma source(%dma_start3A_179 : memref<10240x128xf32, #tpu.memory_space<vmem_shared>>) target(%arg9 : memref<128x128xf32, #tpu.memory_space<vmem>>) offsets(%dma_start3A_176 : memref<128xi32, #tpu.memory_space<vmem>>) semaphore(%arg12 : memref<!tpu.dma_semaphore, #tpu.memory_space<semaphore_mem>>)
        } else {
        }
      }
      %scan3A_131 = arith.constant 4 : i32
      %sub3A_132 = arith.constant 1 : i32
      %sub3A_133 = arith.subi %select_n3A, %sub3A_132 : i32
      %lt3A_134 = arith.cmpi slt, %while3A_98, %sub3A_133 : i32
      %convert_element_type3A_135 = arith.extui %lt3A_134 : i1 to i32
      %cond3A_136 = arith.constant 0 : i32
      %cond3A_137 = arith.cmpi ne, %convert_element_type3A_135, %cond3A_136 : i32
      scf.if %cond3A_137 {
        %dma_wait3A = arith.constant 0 : i32
        %dma_wait3A_138 = arith.constant 0 : i32
        %dma_wait3A_139 = tpu.memref_slice %arg6[%rem3A_104, %dma_wait3A, %dma_wait3A_138] : memref<2x8x128xi32, #tpu.memory_space<vmem>> -> memref<1x8x128xi32, #tpu.memory_space<vmem>>
        %dma_wait3A_140 = tpu.memref_squeeze %dma_wait3A_139 : memref<1x8x128xi32, #tpu.memory_space<vmem>> -> memref<8x128xi32, #tpu.memory_space<vmem>>
        %dma_wait3A_141 = arith.constant 0 : i32
        %dma_wait3A_142 = tpu.memref_slice %arg3[%add3A_109, %dma_wait3A_141] : memref<2560x128xi32, #tpu.memory_space<hbm>> -> memref<8x128xi32, #tpu.memory_space<hbm>>
        %dma_wait3A_143 = arith.constant 0 : i32
        %dma_wait3A_144 = arith.constant 0 : i32
        %dma_wait3A_145 = tpu.memref_slice %arg6[%rem3A_104, %dma_wait3A_143, %dma_wait3A_144] : memref<2x8x128xi32, #tpu.memory_space<vmem>> -> memref<1x8x128xi32, #tpu.memory_space<vmem>>
        %dma_wait3A_146 = tpu.memref_squeeze %dma_wait3A_145 : memref<1x8x128xi32, #tpu.memory_space<vmem>> -> memref<8x128xi32, #tpu.memory_space<vmem>>
        %dma_wait3A_147 = arith.constant 0 : i32
        %dma_wait3A_148 = tpu.memref_slice %arg3[%add3A_109, %dma_wait3A_147] : memref<2560x128xi32, #tpu.memory_space<hbm>> -> memref<8x128xi32, #tpu.memory_space<hbm>>
        tpu.wait_dma2 semaphore(%arg13 : memref<!tpu.dma_semaphore, #tpu.memory_space<semaphore_mem>>) src(%dma_wait3A_148 : memref<8x128xi32, #tpu.memory_space<hbm>>) dst(%dma_wait3A_146 : memref<8x128xi32, #tpu.memory_space<vmem>>)
        %dma_wait3A_149 = arith.constant 0 : i32
        %dma_wait3A_150 = arith.constant 0 : i32
        %dma_wait3A_151 = tpu.memref_slice %arg7[%rem3A_104, %dma_wait3A_149, %dma_wait3A_150] : memref<2x8x128xi32, #tpu.memory_space<vmem>> -> memref<1x8x128xi32, #tpu.memory_space<vmem>>
        %dma_wait3A_152 = tpu.memref_squeeze %dma_wait3A_151 : memref<1x8x128xi32, #tpu.memory_space<vmem>> -> memref<8x128xi32, #tpu.memory_space<vmem>>
        %dma_wait3A_153 = arith.constant 0 : i32
        %dma_wait3A_154 = tpu.memref_slice %arg4[%add3A_109, %dma_wait3A_153] : memref<2560x128xi32, #tpu.memory_space<hbm>> -> memref<8x128xi32, #tpu.memory_space<hbm>>
        %dma_wait3A_155 = arith.constant 0 : i32
        %dma_wait3A_156 = arith.constant 0 : i32
        %dma_wait3A_157 = tpu.memref_slice %arg7[%rem3A_104, %dma_wait3A_155, %dma_wait3A_156] : memref<2x8x128xi32, #tpu.memory_space<vmem>> -> memref<1x8x128xi32, #tpu.memory_space<vmem>>
        %dma_wait3A_158 = tpu.memref_squeeze %dma_wait3A_157 : memref<1x8x128xi32, #tpu.memory_space<vmem>> -> memref<8x128xi32, #tpu.memory_space<vmem>>
        %dma_wait3A_159 = arith.constant 0 : i32
        %dma_wait3A_160 = tpu.memref_slice %arg4[%add3A_109, %dma_wait3A_159] : memref<2560x128xi32, #tpu.memory_space<hbm>> -> memref<8x128xi32, #tpu.memory_space<hbm>>
        tpu.wait_dma2 semaphore(%arg13 : memref<!tpu.dma_semaphore, #tpu.memory_space<semaphore_mem>>) src(%dma_wait3A_160 : memref<8x128xi32, #tpu.memory_space<hbm>>) dst(%dma_wait3A_158 : memref<8x128xi32, #tpu.memory_space<vmem>>)
      } else {
      }
    }
    %while3A_56 = arith.constant 1 : i32
    scf.for %while3A_98 = %while3A_54 to %while3A_50 step %while3A_56  : i32 {
      %rem3A_99 = arith.constant 2 : i32
      %rem3A_100 = arith.remsi %while3A_98, %rem3A_99 : i32
      %add3A_101 = arith.constant 1 : i32
      %add3A_102 = arith.addi %while3A_98, %add3A_101 : i32
      %rem3A_103 = arith.constant 2 : i32
      %rem3A_104 = arith.remsi %add3A_102, %rem3A_103 : i32
      %add3A_105 = arith.constant 1 : i32
      %add3A_106 = arith.addi %while3A_98, %add3A_105 : i32
      %mul3A_107 = arith.constant 8 : i32
      %mul3A_108 = arith.muli %add3A_106, %mul3A_107 : i32
      %add3A_109 = arith.addi %add3A, %mul3A_108 : i32
      %sub3A_110 = arith.constant 1 : i32
      %sub3A_111 = arith.subi %select_n3A, %sub3A_110 : i32
      %lt3A = arith.cmpi slt, %while3A_98, %sub3A_111 : i32
      %convert_element_type3A = arith.extui %lt3A : i1 to i32
      %cond3A = arith.constant 0 : i32
      %cond3A_112 = arith.cmpi ne, %convert_element_type3A, %cond3A : i32
      scf.if %cond3A_112 {
        %dma_start3A_138 = arith.constant 0 : i32
        %dma_start3A_139 = arith.constant 0 : i32
        %dma_start3A_140 = tpu.memref_slice %arg6[%rem3A_104, %dma_start3A_138, %dma_start3A_139] : memref<2x8x128xi32, #tpu.memory_space<vmem>> -> memref<1x8x128xi32, #tpu.memory_space<vmem>>
        %dma_start3A_141 = tpu.memref_squeeze %dma_start3A_140 : memref<1x8x128xi32, #tpu.memory_space<vmem>> -> memref<8x128xi32, #tpu.memory_space<vmem>>
        %dma_start3A_142 = arith.constant 0 : i32
        %dma_start3A_143 = tpu.memref_slice %arg3[%add3A_109, %dma_start3A_142] : memref<2560x128xi32, #tpu.memory_space<hbm>> -> memref<8x128xi32, #tpu.memory_space<hbm>>
        %dma_start3A_144 = arith.constant 0 : i32
        %dma_start3A_145 = arith.constant 0 : i32
        %dma_start3A_146 = tpu.memref_slice %arg6[%rem3A_104, %dma_start3A_144, %dma_start3A_145] : memref<2x8x128xi32, #tpu.memory_space<vmem>> -> memref<1x8x128xi32, #tpu.memory_space<vmem>>
        %dma_start3A_147 = tpu.memref_squeeze %dma_start3A_146 : memref<1x8x128xi32, #tpu.memory_space<vmem>> -> memref<8x128xi32, #tpu.memory_space<vmem>>
        %dma_start3A_148 = arith.constant 0 : i32
        %dma_start3A_149 = tpu.memref_slice %arg3[%add3A_109, %dma_start3A_148] : memref<2560x128xi32, #tpu.memory_space<hbm>> -> memref<8x128xi32, #tpu.memory_space<hbm>>
        tpu.enqueue_dma source(%dma_start3A_149 : memref<8x128xi32, #tpu.memory_space<hbm>>) target(%dma_start3A_147 : memref<8x128xi32, #tpu.memory_space<vmem>>) target_semaphore(%arg13 : memref<!tpu.dma_semaphore, #tpu.memory_space<semaphore_mem>>)
        %dma_start3A_150 = arith.constant 0 : i32
        %dma_start3A_151 = arith.constant 0 : i32
        %dma_start3A_152 = tpu.memref_slice %arg7[%rem3A_104, %dma_start3A_150, %dma_start3A_151] : memref<2x8x128xi32, #tpu.memory_space<vmem>> -> memref<1x8x128xi32, #tpu.memory_space<vmem>>
        %dma_start3A_153 = tpu.memref_squeeze %dma_start3A_152 : memref<1x8x128xi32, #tpu.memory_space<vmem>> -> memref<8x128xi32, #tpu.memory_space<vmem>>
        %dma_start3A_154 = arith.constant 0 : i32
        %dma_start3A_155 = tpu.memref_slice %arg4[%add3A_109, %dma_start3A_154] : memref<2560x128xi32, #tpu.memory_space<hbm>> -> memref<8x128xi32, #tpu.memory_space<hbm>>
        %dma_start3A_156 = arith.constant 0 : i32
        %dma_start3A_157 = arith.constant 0 : i32
        %dma_start3A_158 = tpu.memref_slice %arg7[%rem3A_104, %dma_start3A_156, %dma_start3A_157] : memref<2x8x128xi32, #tpu.memory_space<vmem>> -> memref<1x8x128xi32, #tpu.memory_space<vmem>>
        %dma_start3A_159 = tpu.memref_squeeze %dma_start3A_158 : memref<1x8x128xi32, #tpu.memory_space<vmem>> -> memref<8x128xi32, #tpu.memory_space<vmem>>
        %dma_start3A_160 = arith.constant 0 : i32
        %dma_start3A_161 = tpu.memref_slice %arg4[%add3A_109, %dma_start3A_160] : memref<2560x128xi32, #tpu.memory_space<hbm>> -> memref<8x128xi32, #tpu.memory_space<hbm>>
        tpu.enqueue_dma source(%dma_start3A_161 : memref<8x128xi32, #tpu.memory_space<hbm>>) target(%dma_start3A_159 : memref<8x128xi32, #tpu.memory_space<vmem>>) target_semaphore(%arg13 : memref<!tpu.dma_semaphore, #tpu.memory_space<semaphore_mem>>)
      } else {
      }
      %dma_start3A = arith.constant 0 : i32
      %dma_start3A_113 = arith.constant 0 : i32
      %dma_start3A_114 = tpu.memref_slice %arg6[%rem3A_100, %dma_start3A, %dma_start3A_113] : memref<2x8x128xi32, #tpu.memory_space<vmem>> -> memref<1x1x128xi32, #tpu.memory_space<vmem>>
      %dma_start3A_115 = tpu.memref_squeeze %dma_start3A_114 : memref<1x1x128xi32, #tpu.memory_space<vmem>> -> memref<128xi32, #tpu.memory_space<vmem>>
      %dma_start3A_116 = arith.constant 0 : i32
      %dma_start3A_117 = arith.constant 0 : i32
      %dma_start3A_118 = tpu.memref_slice %arg10[%dma_start3A_116, %dma_start3A_117] : memref<10240x128xf32, #tpu.memory_space<vmem_shared>> -> memref<10240x128xf32, #tpu.memory_space<vmem_shared>>
      tpu.enqueue_indirect_dma source(%dma_start3A_118 : memref<10240x128xf32, #tpu.memory_space<vmem_shared>>) target(%arg8 : memref<128x128xf32, #tpu.memory_space<vmem>>) offsets(%dma_start3A_115 : memref<128xi32, #tpu.memory_space<vmem>>) semaphore(%arg11 : memref<!tpu.dma_semaphore, #tpu.memory_space<semaphore_mem>>)
      %dma_start3A_119 = arith.constant 1 : i32
      %dma_start3A_120 = arith.constant 0 : i32
      %dma_start3A_121 = tpu.memref_slice %arg6[%rem3A_100, %dma_start3A_119, %dma_start3A_120] : memref<2x8x128xi32, #tpu.memory_space<vmem>> -> memref<1x1x128xi32, #tpu.memory_space<vmem>>
      %dma_start3A_122 = tpu.memref_squeeze %dma_start3A_121 : memref<1x1x128xi32, #tpu.memory_space<vmem>> -> memref<128xi32, #tpu.memory_space<vmem>>
      %dma_start3A_123 = arith.constant 0 : i32
      %dma_start3A_124 = arith.constant 0 : i32
      %dma_start3A_125 = tpu.memref_slice %arg10[%dma_start3A_123, %dma_start3A_124] : memref<10240x128xf32, #tpu.memory_space<vmem_shared>> -> memref<10240x128xf32, #tpu.memory_space<vmem_shared>>
      tpu.enqueue_indirect_dma source(%dma_start3A_125 : memref<10240x128xf32, #tpu.memory_space<vmem_shared>>) target(%arg9 : memref<128x128xf32, #tpu.memory_space<vmem>>) offsets(%dma_start3A_122 : memref<128xi32, #tpu.memory_space<vmem>>) semaphore(%arg12 : memref<!tpu.dma_semaphore, #tpu.memory_space<semaphore_mem>>)
      %scan3A_126 = arith.constant 0 : i32
      %scan3A_127 = arith.constant 0 : i32
      %scan3A_128 = arith.constant 4 : i32
      %scan3A_129 = arith.addi %scan3A_127, %scan3A_128 : i32
      %scan3A_130 = arith.constant 1 : i32
      scf.for %scan3A_138 = %scan3A_127 to %scan3A_129 step %scan3A_130  : i32 {
        %mul3A_139 = arith.constant 2 : i32
        %mul3A_140 = arith.muli %mul3A_139, %scan3A_138 : i32
        %add3A_141 = arith.constant 0 : i32
        %add3A_142 = arith.addi %mul3A_140, %add3A_141 : i32
        %dma_wait3A = arith.constant 0 : i32
        %dma_wait3A_143 = tpu.memref_slice %arg6[%rem3A_100, %add3A_142, %dma_wait3A] : memref<2x8x128xi32, #tpu.memory_space<vmem>> -> memref<1x1x128xi32, #tpu.memory_space<vmem>>
        %dma_wait3A_144 = tpu.memref_squeeze %dma_wait3A_143 : memref<1x1x128xi32, #tpu.memory_space<vmem>> -> memref<128xi32, #tpu.memory_space<vmem>>
        %dma_wait3A_145 = arith.constant 0 : i32
        %dma_wait3A_146 = arith.constant 0 : i32
        %dma_wait3A_147 = tpu.memref_slice %arg10[%dma_wait3A_145, %dma_wait3A_146] : memref<10240x128xf32, #tpu.memory_space<vmem_shared>> -> memref<10240x128xf32, #tpu.memory_space<vmem_shared>>
        tpu.wait_indirect_dma semaphore(%arg11 : memref<!tpu.dma_semaphore, #tpu.memory_space<semaphore_mem>>) src(%dma_wait3A_147 : memref<10240x128xf32, #tpu.memory_space<vmem_shared>>) dst(%arg8 : memref<128x128xf32, #tpu.memory_space<vmem>>)
        "tpu.region"() ({
          %run_scoped3A_172 = tpu.sem_alloc : memref<!tpu.dma_semaphore, #tpu.memory_space<semaphore_mem>>
          %dma_start3A_173 = arith.constant 0 : i32
          %dma_start3A_174 = tpu.memref_slice %arg7[%rem3A_100, %add3A_142, %dma_start3A_173] : memref<2x8x128xi32, #tpu.memory_space<vmem>> -> memref<1x1x128xi32, #tpu.memory_space<vmem>>
          %dma_start3A_175 = tpu.memref_squeeze %dma_start3A_174 : memref<1x1x128xi32, #tpu.memory_space<vmem>> -> memref<128xi32, #tpu.memory_space<vmem>>
          %dma_start3A_176 = arith.constant 0 : i32
          %dma_start3A_177 = arith.constant 0 : i32
          %dma_start3A_178 = tpu.memref_slice %arg10[%dma_start3A_176, %dma_start3A_177] : memref<10240x128xf32, #tpu.memory_space<vmem_shared>> -> memref<10240x128xf32, #tpu.memory_space<vmem_shared>>
          tpu.enqueue_indirect_dma source(%arg8 : memref<128x128xf32, #tpu.memory_space<vmem>>) target(%dma_start3A_178 : memref<10240x128xf32, #tpu.memory_space<vmem_shared>>) offsets(%dma_start3A_175 : memref<128xi32, #tpu.memory_space<vmem>>) semaphore(%run_scoped3A_172 : memref<!tpu.dma_semaphore, #tpu.memory_space<semaphore_mem>>) {add = true}
          %dma_wait3A_179 = arith.constant 0 : i32
          %dma_wait3A_180 = tpu.memref_slice %arg7[%rem3A_100, %add3A_142, %dma_wait3A_179] : memref<2x8x128xi32, #tpu.memory_space<vmem>> -> memref<1x1x128xi32, #tpu.memory_space<vmem>>
          %dma_wait3A_181 = tpu.memref_squeeze %dma_wait3A_180 : memref<1x1x128xi32, #tpu.memory_space<vmem>> -> memref<128xi32, #tpu.memory_space<vmem>>
          %dma_wait3A_182 = arith.constant 0 : i32
          %dma_wait3A_183 = arith.constant 0 : i32
          %dma_wait3A_184 = tpu.memref_slice %arg10[%dma_wait3A_182, %dma_wait3A_183] : memref<10240x128xf32, #tpu.memory_space<vmem_shared>> -> memref<10240x128xf32, #tpu.memory_space<vmem_shared>>
          tpu.wait_indirect_dma semaphore(%run_scoped3A_172 : memref<!tpu.dma_semaphore, #tpu.memory_space<semaphore_mem>>) src(%arg8 : memref<128x128xf32, #tpu.memory_space<vmem>>) dst(%dma_wait3A_184 : memref<10240x128xf32, #tpu.memory_space<vmem_shared>>)
          tpu.yield
        }) : () -> ()
        %add3A_148 = arith.constant 2 : i32
        %add3A_149 = arith.addi %add3A_142, %add3A_148 : i32
        %lt3A_150 = arith.constant 8 : i32
        %lt3A_151 = arith.cmpi slt, %add3A_149, %lt3A_150 : i32
        %convert_element_type3A_152 = arith.extui %lt3A_151 : i1 to i32
        %cond3A_153 = arith.constant 0 : i32
        %cond3A_154 = arith.cmpi ne, %convert_element_type3A_152, %cond3A_153 : i32
        scf.if %cond3A_154 {
          %add3A_172 = arith.constant 2 : i32
          %add3A_173 = arith.addi %add3A_142, %add3A_172 : i32
          %dma_start3A_174 = arith.constant 0 : i32
          %dma_start3A_175 = tpu.memref_slice %arg6[%rem3A_100, %add3A_173, %dma_start3A_174] : memref<2x8x128xi32, #tpu.memory_space<vmem>> -> memref<1x1x128xi32, #tpu.memory_space<vmem>>
          %dma_start3A_176 = tpu.memref_squeeze %dma_start3A_175 : memref<1x1x128xi32, #tpu.memory_space<vmem>> -> memref<128xi32, #tpu.memory_space<vmem>>
          %dma_start3A_177 = arith.constant 0 : i32
          %dma_start3A_178 = arith.constant 0 : i32
          %dma_start3A_179 = tpu.memref_slice %arg10[%dma_start3A_177, %dma_start3A_178] : memref<10240x128xf32, #tpu.memory_space<vmem_shared>> -> memref<10240x128xf32, #tpu.memory_space<vmem_shared>>
          tpu.enqueue_indirect_dma source(%dma_start3A_179 : memref<10240x128xf32, #tpu.memory_space<vmem_shared>>) target(%arg8 : memref<128x128xf32, #tpu.memory_space<vmem>>) offsets(%dma_start3A_176 : memref<128xi32, #tpu.memory_space<vmem>>) semaphore(%arg11 : memref<!tpu.dma_semaphore, #tpu.memory_space<semaphore_mem>>)
        } else {
        }
        %mul3A_155 = arith.constant 2 : i32
        %mul3A_156 = arith.muli %mul3A_155, %scan3A_138 : i32
        %add3A_157 = arith.constant 1 : i32
        %add3A_158 = arith.addi %mul3A_156, %add3A_157 : i32
        %dma_wait3A_159 = arith.constant 0 : i32
        %dma_wait3A_160 = tpu.memref_slice %arg6[%rem3A_100, %add3A_158, %dma_wait3A_159] : memref<2x8x128xi32, #tpu.memory_space<vmem>> -> memref<1x1x128xi32, #tpu.memory_space<vmem>>
        %dma_wait3A_161 = tpu.memref_squeeze %dma_wait3A_160 : memref<1x1x128xi32, #tpu.memory_space<vmem>> -> memref<128xi32, #tpu.memory_space<vmem>>
        %dma_wait3A_162 = arith.constant 0 : i32
        %dma_wait3A_163 = arith.constant 0 : i32
        %dma_wait3A_164 = tpu.memref_slice %arg10[%dma_wait3A_162, %dma_wait3A_163] : memref<10240x128xf32, #tpu.memory_space<vmem_shared>> -> memref<10240x128xf32, #tpu.memory_space<vmem_shared>>
        tpu.wait_indirect_dma semaphore(%arg12 : memref<!tpu.dma_semaphore, #tpu.memory_space<semaphore_mem>>) src(%dma_wait3A_164 : memref<10240x128xf32, #tpu.memory_space<vmem_shared>>) dst(%arg9 : memref<128x128xf32, #tpu.memory_space<vmem>>)
        "tpu.region"() ({
          %run_scoped3A_172 = tpu.sem_alloc : memref<!tpu.dma_semaphore, #tpu.memory_space<semaphore_mem>>
          %dma_start3A_173 = arith.constant 0 : i32
          %dma_start3A_174 = tpu.memref_slice %arg7[%rem3A_100, %add3A_158, %dma_start3A_173] : memref<2x8x128xi32, #tpu.memory_space<vmem>> -> memref<1x1x128xi32, #tpu.memory_space<vmem>>
          %dma_start3A_175 = tpu.memref_squeeze %dma_start3A_174 : memref<1x1x128xi32, #tpu.memory_space<vmem>> -> memref<128xi32, #tpu.memory_space<vmem>>
          %dma_start3A_176 = arith.constant 0 : i32
          %dma_start3A_177 = arith.constant 0 : i32
          %dma_start3A_178 = tpu.memref_slice %arg10[%dma_start3A_176, %dma_start3A_177] : memref<10240x128xf32, #tpu.memory_space<vmem_shared>> -> memref<10240x128xf32, #tpu.memory_space<vmem_shared>>
          tpu.enqueue_indirect_dma source(%arg9 : memref<128x128xf32, #tpu.memory_space<vmem>>) target(%dma_start3A_178 : memref<10240x128xf32, #tpu.memory_space<vmem_shared>>) offsets(%dma_start3A_175 : memref<128xi32, #tpu.memory_space<vmem>>) semaphore(%run_scoped3A_172 : memref<!tpu.dma_semaphore, #tpu.memory_space<semaphore_mem>>) {add = true}
          %dma_wait3A_179 = arith.constant 0 : i32
          %dma_wait3A_180 = tpu.memref_slice %arg7[%rem3A_100, %add3A_158, %dma_wait3A_179] : memref<2x8x128xi32, #tpu.memory_space<vmem>> -> memref<1x1x128xi32, #tpu.memory_space<vmem>>
          %dma_wait3A_181 = tpu.memref_squeeze %dma_wait3A_180 : memref<1x1x128xi32, #tpu.memory_space<vmem>> -> memref<128xi32, #tpu.memory_space<vmem>>
          %dma_wait3A_182 = arith.constant 0 : i32
          %dma_wait3A_183 = arith.constant 0 : i32
          %dma_wait3A_184 = tpu.memref_slice %arg10[%dma_wait3A_182, %dma_wait3A_183] : memref<10240x128xf32, #tpu.memory_space<vmem_shared>> -> memref<10240x128xf32, #tpu.memory_space<vmem_shared>>
          tpu.wait_indirect_dma semaphore(%run_scoped3A_172 : memref<!tpu.dma_semaphore, #tpu.memory_space<semaphore_mem>>) src(%arg9 : memref<128x128xf32, #tpu.memory_space<vmem>>) dst(%dma_wait3A_184 : memref<10240x128xf32, #tpu.memory_space<vmem_shared>>)
          tpu.yield
        }) : () -> ()
        %add3A_165 = arith.constant 2 : i32
        %add3A_166 = arith.addi %add3A_158, %add3A_165 : i32
        %lt3A_167 = arith.constant 8 : i32
        %lt3A_168 = arith.cmpi slt, %add3A_166, %lt3A_167 : i32
        %convert_element_type3A_169 = arith.extui %lt3A_168 : i1 to i32
        %cond3A_170 = arith.constant 0 : i32
        %cond3A_171 = arith.cmpi ne, %convert_element_type3A_169, %cond3A_170 : i32
        scf.if %cond3A_171 {
          %add3A_172 = arith.constant 2 : i32
          %add3A_173 = arith.addi %add3A_158, %add3A_172 : i32
          %dma_start3A_174 = arith.constant 0 : i32
          %dma_start3A_175 = tpu.memref_slice %arg6[%rem3A_100, %add3A_173, %dma_start3A_174] : memref<2x8x128xi32, #tpu.memory_space<vmem>> -> memref<1x1x128xi32, #tpu.memory_space<vmem>>
          %dma_start3A_176 = tpu.memref_squeeze %dma_start3A_175 : memref<1x1x128xi32, #tpu.memory_space<vmem>> -> memref<128xi32, #tpu.memory_space<vmem>>
          %dma_start3A_177 = arith.constant 0 : i32
          %dma_start3A_178 = arith.constant 0 : i32
          %dma_start3A_179 = tpu.memref_slice %arg10[%dma_start3A_177, %dma_start3A_178] : memref<10240x128xf32, #tpu.memory_space<vmem_shared>> -> memref<10240x128xf32, #tpu.memory_space<vmem_shared>>
          tpu.enqueue_indirect_dma source(%dma_start3A_179 : memref<10240x128xf32, #tpu.memory_space<vmem_shared>>) target(%arg9 : memref<128x128xf32, #tpu.memory_space<vmem>>) offsets(%dma_start3A_176 : memref<128xi32, #tpu.memory_space<vmem>>) semaphore(%arg12 : memref<!tpu.dma_semaphore, #tpu.memory_space<semaphore_mem>>)
        } else {
        }
      }
      %scan3A_131 = arith.constant 4 : i32
      %sub3A_132 = arith.constant 1 : i32
      %sub3A_133 = arith.subi %select_n3A, %sub3A_132 : i32
      %lt3A_134 = arith.cmpi slt, %while3A_98, %sub3A_133 : i32
      %convert_element_type3A_135 = arith.extui %lt3A_134 : i1 to i32
      %cond3A_136 = arith.constant 0 : i32
      %cond3A_137 = arith.cmpi ne, %convert_element_type3A_135, %cond3A_136 : i32
      scf.if %cond3A_137 {
        %dma_wait3A = arith.constant 0 : i32
        %dma_wait3A_138 = arith.constant 0 : i32
        %dma_wait3A_139 = tpu.memref_slice %arg6[%rem3A_104, %dma_wait3A, %dma_wait3A_138] : memref<2x8x128xi32, #tpu.memory_space<vmem>> -> memref<1x8x128xi32, #tpu.memory_space<vmem>>
        %dma_wait3A_140 = tpu.memref_squeeze %dma_wait3A_139 : memref<1x8x128xi32, #tpu.memory_space<vmem>> -> memref<8x128xi32, #tpu.memory_space<vmem>>
        %dma_wait3A_141 = arith.constant 0 : i32
        %dma_wait3A_142 = tpu.memref_slice %arg3[%add3A_109, %dma_wait3A_141] : memref<2560x128xi32, #tpu.memory_space<hbm>> -> memref<8x128xi32, #tpu.memory_space<hbm>>
        %dma_wait3A_143 = arith.constant 0 : i32
        %dma_wait3A_144 = arith.constant 0 : i32
        %dma_wait3A_145 = tpu.memref_slice %arg6[%rem3A_104, %dma_wait3A_143, %dma_wait3A_144] : memref<2x8x128xi32, #tpu.memory_space<vmem>> -> memref<1x8x128xi32, #tpu.memory_space<vmem>>
        %dma_wait3A_146 = tpu.memref_squeeze %dma_wait3A_145 : memref<1x8x128xi32, #tpu.memory_space<vmem>> -> memref<8x128xi32, #tpu.memory_space<vmem>>
        %dma_wait3A_147 = arith.constant 0 : i32
        %dma_wait3A_148 = tpu.memref_slice %arg3[%add3A_109, %dma_wait3A_147] : memref<2560x128xi32, #tpu.memory_space<hbm>> -> memref<8x128xi32, #tpu.memory_space<hbm>>
        tpu.wait_dma2 semaphore(%arg13 : memref<!tpu.dma_semaphore, #tpu.memory_space<semaphore_mem>>) src(%dma_wait3A_148 : memref<8x128xi32, #tpu.memory_space<hbm>>) dst(%dma_wait3A_146 : memref<8x128xi32, #tpu.memory_space<vmem>>)
        %dma_wait3A_149 = arith.constant 0 : i32
        %dma_wait3A_150 = arith.constant 0 : i32
        %dma_wait3A_151 = tpu.memref_slice %arg7[%rem3A_104, %dma_wait3A_149, %dma_wait3A_150] : memref<2x8x128xi32, #tpu.memory_space<vmem>> -> memref<1x8x128xi32, #tpu.memory_space<vmem>>
        %dma_wait3A_152 = tpu.memref_squeeze %dma_wait3A_151 : memref<1x8x128xi32, #tpu.memory_space<vmem>> -> memref<8x128xi32, #tpu.memory_space<vmem>>
        %dma_wait3A_153 = arith.constant 0 : i32
        %dma_wait3A_154 = tpu.memref_slice %arg4[%add3A_109, %dma_wait3A_153] : memref<2560x128xi32, #tpu.memory_space<hbm>> -> memref<8x128xi32, #tpu.memory_space<hbm>>
        %dma_wait3A_155 = arith.constant 0 : i32
        %dma_wait3A_156 = arith.constant 0 : i32
        %dma_wait3A_157 = tpu.memref_slice %arg7[%rem3A_104, %dma_wait3A_155, %dma_wait3A_156] : memref<2x8x128xi32, #tpu.memory_space<vmem>> -> memref<1x8x128xi32, #tpu.memory_space<vmem>>
        %dma_wait3A_158 = tpu.memref_squeeze %dma_wait3A_157 : memref<1x8x128xi32, #tpu.memory_space<vmem>> -> memref<8x128xi32, #tpu.memory_space<vmem>>
        %dma_wait3A_159 = arith.constant 0 : i32
        %dma_wait3A_160 = tpu.memref_slice %arg4[%add3A_109, %dma_wait3A_159] : memref<2560x128xi32, #tpu.memory_space<hbm>> -> memref<8x128xi32, #tpu.memory_space<hbm>>
        tpu.wait_dma2 semaphore(%arg13 : memref<!tpu.dma_semaphore, #tpu.memory_space<semaphore_mem>>) src(%dma_wait3A_160 : memref<8x128xi32, #tpu.memory_space<hbm>>) dst(%dma_wait3A_158 : memref<8x128xi32, #tpu.memory_space<vmem>>)
      } else {
      }
    }
    %barrier3A_57 = arith.constant 0 : index
    tpu.barrier barrier_id(%barrier3A_57)
    %mul3A_58 = arith.constant 640 : i32
    %mul3A_59 = arith.muli %arg1, %mul3A_58 : i32
    %add3A_60 = arith.constant 0 : i32
    %add3A_61 = arith.addi %mul3A_59, %add3A_60 : i32
    %mul3A_62 = arith.constant 640 : i32
    %mul3A_63 = arith.muli %arg1, %mul3A_62 : i32
    %add3A_64 = arith.constant 0 : i32
    %add3A_65 = arith.addi %mul3A_63, %add3A_64 : i32
    "tpu.region"() ({
      %run_scoped3A_98 = tpu.sem_alloc : memref<!tpu.dma_semaphore, #tpu.memory_space<semaphore_mem>>
      %dma_start3A = arith.constant 0 : i32
      %dma_start3A_99 = tpu.memref_slice %arg5[%arg0, %add3A_65, %dma_start3A] : memref<2x10240x128xf32, #tpu.memory_space<hbm>> -> memref<1x128x128xf32, #tpu.memory_space<hbm>>
      %dma_start3A_100 = tpu.memref_squeeze %dma_start3A_99 : memref<1x128x128xf32, #tpu.memory_space<hbm>> -> memref<128x128xf32, #tpu.memory_space<hbm>>
      %dma_start3A_101 = arith.constant 0 : i32
      %dma_start3A_102 = tpu.memref_slice %arg10[%add3A_61, %dma_start3A_101] : memref<10240x128xf32, #tpu.memory_space<vmem_shared>> -> memref<128x128xf32, #tpu.memory_space<vmem_shared>>
      tpu.enqueue_dma source(%dma_start3A_102 : memref<128x128xf32, #tpu.memory_space<vmem_shared>>) target(%dma_start3A_100 : memref<128x128xf32, #tpu.memory_space<hbm>>) target_semaphore(%run_scoped3A_98 : memref<!tpu.dma_semaphore, #tpu.memory_space<semaphore_mem>>)
      %dma_wait3A = arith.constant 0 : i32
      %dma_wait3A_103 = tpu.memref_slice %arg5[%arg0, %add3A_65, %dma_wait3A] : memref<2x10240x128xf32, #tpu.memory_space<hbm>> -> memref<1x128x128xf32, #tpu.memory_space<hbm>>
      %dma_wait3A_104 = tpu.memref_squeeze %dma_wait3A_103 : memref<1x128x128xf32, #tpu.memory_space<hbm>> -> memref<128x128xf32, #tpu.memory_space<hbm>>
      %dma_wait3A_105 = arith.constant 0 : i32
      %dma_wait3A_106 = tpu.memref_slice %arg10[%add3A_61, %dma_wait3A_105] : memref<10240x128xf32, #tpu.memory_space<vmem_shared>> -> memref<128x128xf32, #tpu.memory_space<vmem_shared>>
      tpu.wait_dma2 semaphore(%run_scoped3A_98 : memref<!tpu.dma_semaphore, #tpu.memory_space<semaphore_mem>>) src(%dma_wait3A_106 : memref<128x128xf32, #tpu.memory_space<vmem_shared>>) dst(%dma_wait3A_104 : memref<128x128xf32, #tpu.memory_space<hbm>>)
      tpu.yield
    }) : () -> ()
    %mul3A_66 = arith.constant 640 : i32
    %mul3A_67 = arith.muli %arg1, %mul3A_66 : i32
    %add3A_68 = arith.constant 128 : i32
    %add3A_69 = arith.addi %mul3A_67, %add3A_68 : i32
    %mul3A_70 = arith.constant 640 : i32
    %mul3A_71 = arith.muli %arg1, %mul3A_70 : i32
    %add3A_72 = arith.constant 128 : i32
    %add3A_73 = arith.addi %mul3A_71, %add3A_72 : i32
    "tpu.region"() ({
      %run_scoped3A_98 = tpu.sem_alloc : memref<!tpu.dma_semaphore, #tpu.memory_space<semaphore_mem>>
      %dma_start3A = arith.constant 0 : i32
      %dma_start3A_99 = tpu.memref_slice %arg5[%arg0, %add3A_73, %dma_start3A] : memref<2x10240x128xf32, #tpu.memory_space<hbm>> -> memref<1x128x128xf32, #tpu.memory_space<hbm>>
      %dma_start3A_100 = tpu.memref_squeeze %dma_start3A_99 : memref<1x128x128xf32, #tpu.memory_space<hbm>> -> memref<128x128xf32, #tpu.memory_space<hbm>>
      %dma_start3A_101 = arith.constant 0 : i32
      %dma_start3A_102 = tpu.memref_slice %arg10[%add3A_69, %dma_start3A_101] : memref<10240x128xf32, #tpu.memory_space<vmem_shared>> -> memref<128x128xf32, #tpu.memory_space<vmem_shared>>
      tpu.enqueue_dma source(%dma_start3A_102 : memref<128x128xf32, #tpu.memory_space<vmem_shared>>) target(%dma_start3A_100 : memref<128x128xf32, #tpu.memory_space<hbm>>) target_semaphore(%run_scoped3A_98 : memref<!tpu.dma_semaphore, #tpu.memory_space<semaphore_mem>>)
      %dma_wait3A = arith.constant 0 : i32
      %dma_wait3A_103 = tpu.memref_slice %arg5[%arg0, %add3A_73, %dma_wait3A] : memref<2x10240x128xf32, #tpu.memory_space<hbm>> -> memref<1x128x128xf32, #tpu.memory_space<hbm>>
      %dma_wait3A_104 = tpu.memref_squeeze %dma_wait3A_103 : memref<1x128x128xf32, #tpu.memory_space<hbm>> -> memref<128x128xf32, #tpu.memory_space<hbm>>
      %dma_wait3A_105 = arith.constant 0 : i32
      %dma_wait3A_106 = tpu.memref_slice %arg10[%add3A_69, %dma_wait3A_105] : memref<10240x128xf32, #tpu.memory_space<vmem_shared>> -> memref<128x128xf32, #tpu.memory_space<vmem_shared>>
      tpu.wait_dma2 semaphore(%run_scoped3A_98 : memref<!tpu.dma_semaphore, #tpu.memory_space<semaphore_mem>>) src(%dma_wait3A_106 : memref<128x128xf32, #tpu.memory_space<vmem_shared>>) dst(%dma_wait3A_104 : memref<128x128xf32, #tpu.memory_space<hbm>>)
      tpu.yield
    }) : () -> ()
    %mul3A_74 = arith.constant 640 : i32
    %mul3A_75 = arith.muli %arg1, %mul3A_74 : i32
    %add3A_76 = arith.constant 256 : i32
    %add3A_77 = arith.addi %mul3A_75, %add3A_76 : i32
    %mul3A_78 = arith.constant 640 : i32
    %mul3A_79 = arith.muli %arg1, %mul3A_78 : i32
    %add3A_80 = arith.constant 256 : i32
    %add3A_81 = arith.addi %mul3A_79, %add3A_80 : i32
    "tpu.region"() ({
      %run_scoped3A_98 = tpu.sem_alloc : memref<!tpu.dma_semaphore, #tpu.memory_space<semaphore_mem>>
      %dma_start3A = arith.constant 0 : i32
      %dma_start3A_99 = tpu.memref_slice %arg5[%arg0, %add3A_81, %dma_start3A] : memref<2x10240x128xf32, #tpu.memory_space<hbm>> -> memref<1x128x128xf32, #tpu.memory_space<hbm>>
      %dma_start3A_100 = tpu.memref_squeeze %dma_start3A_99 : memref<1x128x128xf32, #tpu.memory_space<hbm>> -> memref<128x128xf32, #tpu.memory_space<hbm>>
      %dma_start3A_101 = arith.constant 0 : i32
      %dma_start3A_102 = tpu.memref_slice %arg10[%add3A_77, %dma_start3A_101] : memref<10240x128xf32, #tpu.memory_space<vmem_shared>> -> memref<128x128xf32, #tpu.memory_space<vmem_shared>>
      tpu.enqueue_dma source(%dma_start3A_102 : memref<128x128xf32, #tpu.memory_space<vmem_shared>>) target(%dma_start3A_100 : memref<128x128xf32, #tpu.memory_space<hbm>>) target_semaphore(%run_scoped3A_98 : memref<!tpu.dma_semaphore, #tpu.memory_space<semaphore_mem>>)
      %dma_wait3A = arith.constant 0 : i32
      %dma_wait3A_103 = tpu.memref_slice %arg5[%arg0, %add3A_81, %dma_wait3A] : memref<2x10240x128xf32, #tpu.memory_space<hbm>> -> memref<1x128x128xf32, #tpu.memory_space<hbm>>
      %dma_wait3A_104 = tpu.memref_squeeze %dma_wait3A_103 : memref<1x128x128xf32, #tpu.memory_space<hbm>> -> memref<128x128xf32, #tpu.memory_space<hbm>>
      %dma_wait3A_105 = arith.constant 0 : i32
      %dma_wait3A_106 = tpu.memref_slice %arg10[%add3A_77, %dma_wait3A_105] : memref<10240x128xf32, #tpu.memory_space<vmem_shared>> -> memref<128x128xf32, #tpu.memory_space<vmem_shared>>
      tpu.wait_dma2 semaphore(%run_scoped3A_98 : memref<!tpu.dma_semaphore, #tpu.memory_space<semaphore_mem>>) src(%dma_wait3A_106 : memref<128x128xf32, #tpu.memory_space<vmem_shared>>) dst(%dma_wait3A_104 : memref<128x128xf32, #tpu.memory_space<hbm>>)
      tpu.yield
    }) : () -> ()
    %mul3A_82 = arith.constant 640 : i32
    %mul3A_83 = arith.muli %arg1, %mul3A_82 : i32
    %add3A_84 = arith.constant 384 : i32
    %add3A_85 = arith.addi %mul3A_83, %add3A_84 : i32
    %mul3A_86 = arith.constant 640 : i32
    %mul3A_87 = arith.muli %arg1, %mul3A_86 : i32
    %add3A_88 = arith.constant 384 : i32
    %add3A_89 = arith.addi %mul3A_87, %add3A_88 : i32
    "tpu.region"() ({
      %run_scoped3A_98 = tpu.sem_alloc : memref<!tpu.dma_semaphore, #tpu.memory_space<semaphore_mem>>
      %dma_start3A = arith.constant 0 : i32
      %dma_start3A_99 = tpu.memref_slice %arg5[%arg0, %add3A_89, %dma_start3A] : memref<2x10240x128xf32, #tpu.memory_space<hbm>> -> memref<1x128x128xf32, #tpu.memory_space<hbm>>
      %dma_start3A_100 = tpu.memref_squeeze %dma_start3A_99 : memref<1x128x128xf32, #tpu.memory_space<hbm>> -> memref<128x128xf32, #tpu.memory_space<hbm>>
      %dma_start3A_101 = arith.constant 0 : i32
      %dma_start3A_102 = tpu.memref_slice %arg10[%add3A_85, %dma_start3A_101] : memref<10240x128xf32, #tpu.memory_space<vmem_shared>> -> memref<128x128xf32, #tpu.memory_space<vmem_shared>>
      tpu.enqueue_dma source(%dma_start3A_102 : memref<128x128xf32, #tpu.memory_space<vmem_shared>>) target(%dma_start3A_100 : memref<128x128xf32, #tpu.memory_space<hbm>>) target_semaphore(%run_scoped3A_98 : memref<!tpu.dma_semaphore, #tpu.memory_space<semaphore_mem>>)
      %dma_wait3A = arith.constant 0 : i32
      %dma_wait3A_103 = tpu.memref_slice %arg5[%arg0, %add3A_89, %dma_wait3A] : memref<2x10240x128xf32, #tpu.memory_space<hbm>> -> memref<1x128x128xf32, #tpu.memory_space<hbm>>
      %dma_wait3A_104 = tpu.memref_squeeze %dma_wait3A_103 : memref<1x128x128xf32, #tpu.memory_space<hbm>> -> memref<128x128xf32, #tpu.memory_space<hbm>>
      %dma_wait3A_105 = arith.constant 0 : i32
      %dma_wait3A_106 = tpu.memref_slice %arg10[%add3A_85, %dma_wait3A_105] : memref<10240x128xf32, #tpu.memory_space<vmem_shared>> -> memref<128x128xf32, #tpu.memory_space<vmem_shared>>
      tpu.wait_dma2 semaphore(%run_scoped3A_98 : memref<!tpu.dma_semaphore, #tpu.memory_space<semaphore_mem>>) src(%dma_wait3A_106 : memref<128x128xf32, #tpu.memory_space<vmem_shared>>) dst(%dma_wait3A_104 : memref<128x128xf32, #tpu.memory_space<hbm>>)
      tpu.yield
    }) : () -> ()
    %mul3A_90 = arith.constant 640 : i32
    %mul3A_91 = arith.muli %arg1, %mul3A_90 : i32
    %add3A_92 = arith.constant 512 : i32
    %add3A_93 = arith.addi %mul3A_91, %add3A_92 : i32
    %mul3A_94 = arith.constant 640 : i32
    %mul3A_95 = arith.muli %arg1, %mul3A_94 : i32
    %add3A_96 = arith.constant 512 : i32
    %add3A_97 = arith.addi %mul3A_95, %add3A_96 : i32
    "tpu.region"() ({
      %run_scoped3A_98 = tpu.sem_alloc : memref<!tpu.dma_semaphore, #tpu.memory_space<semaphore_mem>>
      %dma_start3A = arith.constant 0 : i32
      %dma_start3A_99 = tpu.memref_slice %arg5[%arg0, %add3A_97, %dma_start3A] : memref<2x10240x128xf32, #tpu.memory_space<hbm>> -> memref<1x128x128xf32, #tpu.memory_space<hbm>>
      %dma_start3A_100 = tpu.memref_squeeze %dma_start3A_99 : memref<1x128x128xf32, #tpu.memory_space<hbm>> -> memref<128x128xf32, #tpu.memory_space<hbm>>
      %dma_start3A_101 = arith.constant 0 : i32
      %dma_start3A_102 = tpu.memref_slice %arg10[%add3A_93, %dma_start3A_101] : memref<10240x128xf32, #tpu.memory_space<vmem_shared>> -> memref<128x128xf32, #tpu.memory_space<vmem_shared>>
      tpu.enqueue_dma source(%dma_start3A_102 : memref<128x128xf32, #tpu.memory_space<vmem_shared>>) target(%dma_start3A_100 : memref<128x128xf32, #tpu.memory_space<hbm>>) target_semaphore(%run_scoped3A_98 : memref<!tpu.dma_semaphore, #tpu.memory_space<semaphore_mem>>)
      %dma_wait3A = arith.constant 0 : i32
      %dma_wait3A_103 = tpu.memref_slice %arg5[%arg0, %add3A_97, %dma_wait3A] : memref<2x10240x128xf32, #tpu.memory_space<hbm>> -> memref<1x128x128xf32, #tpu.memory_space<hbm>>
      %dma_wait3A_104 = tpu.memref_squeeze %dma_wait3A_103 : memref<1x128x128xf32, #tpu.memory_space<hbm>> -> memref<128x128xf32, #tpu.memory_space<hbm>>
      %dma_wait3A_105 = arith.constant 0 : i32
      %dma_wait3A_106 = tpu.memref_slice %arg10[%add3A_93, %dma_wait3A_105] : memref<10240x128xf32, #tpu.memory_space<vmem_shared>> -> memref<128x128xf32, #tpu.memory_space<vmem_shared>>
      tpu.wait_dma2 semaphore(%run_scoped3A_98 : memref<!tpu.dma_semaphore, #tpu.memory_space<semaphore_mem>>) src(%dma_wait3A_106 : memref<128x128xf32, #tpu.memory_space<vmem_shared>>) dst(%dma_wait3A_104 : memref<128x128xf32, #tpu.memory_space<hbm>>)
      tpu.yield
    }) : () -> ()
    return
  }
}

module attributes {stable_mosaic.version = 14 : i64} {
  func.func @_scale_body(%arg0: i32, %arg1: memref<2048x128xf32, #tpu.memory_space<vmem>>, %arg2: memref<128x128xf32, #tpu.memory_space<vmem>>, %arg3: memref<2x16x128xf32, #tpu.memory_space<vmem>>, %arg4: memref<2048x128xf32, #tpu.memory_space<vmem>>) attributes {dimension_semantics = [#tpu.dimension_semantics<arbitrary>], iteration_bounds = array<i64: 5>, scalar_prefetch = 0 : i64, scratch_operands = 0 : i64, tpu.core_type = #tpu.core_type<tc>, window_params = [{transform_indices = @transform_0, window_bounds = array<i64: 2048, 128>}, {pipeline_mode = #tpu.pipeline_mode<synchronous>, transform_indices = @transform_1, window_bounds = array<i64: 128, 128>}, {transform_indices = @transform_2, window_bounds = array<i64: 2, 16, 128>}, {transform_indices = @transform_3, window_bounds = array<i64: 2048, 128>}]} {
    %get3A = arith.constant 0 : index
    %get3A_0 = arith.constant 0 : index
    %get3A_1 = arith.constant 0 : index
    %get3A_2 = vector.load %arg3[%get3A, %get3A_0, %get3A_1] : memref<2x16x128xf32, #tpu.memory_space<vmem>>, vector<1x16x128xf32>
    %get3A_3 = vector.shape_cast %get3A_2 : vector<1x16x128xf32> to vector<16x128xf32>
    %add3A = arith.constant 1.000000e+00 : f32
    %add3A_4 = vector.broadcast %add3A : f32 to vector<16x128xf32>
    %add3A_5 = arith.addf %add3A_4, %get3A_3 : vector<16x128xf32>
    %get3A_6 = arith.constant 1 : index
    %get3A_7 = arith.constant 0 : index
    %get3A_8 = arith.constant 0 : index
    %get3A_9 = vector.load %arg3[%get3A_6, %get3A_7, %get3A_8] : memref<2x16x128xf32, #tpu.memory_space<vmem>>, vector<1x16x128xf32>
    %get3A_10 = vector.shape_cast %get3A_9 : vector<1x16x128xf32> to vector<16x128xf32>
    %add3A_11 = arith.addf %add3A_5, %get3A_10 : vector<16x128xf32>
    %rsqrt3A = math.rsqrt %add3A_11 : vector<16x128xf32>
    %get3A_12 = arith.constant 0 : index
    %get3A_13 = arith.constant 0 : index
    %get3A_14 = vector.load %arg1[%get3A_12, %get3A_13] : memref<2048x128xf32, #tpu.memory_space<vmem>>, vector<2048x128xf32>
    %get3A_15 = arith.constant 0 : index
    %get3A_16 = arith.constant 0 : index
    %get3A_17 = vector.load %arg2[%get3A_15, %get3A_16] : memref<128x128xf32, #tpu.memory_space<vmem>>, vector<128x128xf32>
    %dot_general3A = arith.constant dense<0.000000e+00> : vector<2048x128xf32>
    %dot_general3A_18 = tpu.matmul %get3A_14, %get3A_17, %dot_general3A {dimension_numbers = #tpu.dot_dimension_numbers<[1], [0], [0], [1], [0, 0, 1, 1], [], []>, transpose_lhs_hint = false} : vector<2048x128xf32>, vector<128x128xf32>, vector<2048x128xf32> -> vector<2048x128xf32>
    %reshape3A = vector.shape_cast %dot_general3A_18 : vector<2048x128xf32> to vector<16x128x128xf32>
    %broadcast_in_dim3A = vector.shape_cast %rsqrt3A : vector<16x128xf32> to vector<16x128x1xf32>
    %mul3A = vector.broadcast %broadcast_in_dim3A : vector<16x128x1xf32> to vector<16x128x128xf32>
    %mul3A_19 = arith.mulf %reshape3A, %mul3A : vector<16x128x128xf32>
    %reshape3A_20 = vector.shape_cast %mul3A_19 : vector<16x128x128xf32> to vector<2048x128xf32>
    %swap3A = arith.constant 0 : index
    %swap3A_21 = arith.constant 0 : index
    %swap3A_22 = vector.load %arg4[%swap3A, %swap3A_21] : memref<2048x128xf32, #tpu.memory_space<vmem>>, vector<2048x128xf32>
    tpu.vector_store %arg4[%swap3A, %swap3A_21], %reshape3A_20 {strides = array<i32>} : memref<2048x128xf32, #tpu.memory_space<vmem>>, vector<2048x128xf32>,
    return
  }
  func.func @transform_0(%arg0: i32) -> (i32, i32) {
    %c0_i32 = arith.constant 0 : i32
    %c0_i32_0 = arith.constant 0 : i32
    return %arg0, %c0_i32 : i32, i32
  }
  func.func @transform_1(%arg0: i32) -> (i32, i32) {
    %c0_i32 = arith.constant 0 : i32
    %c0_i32_0 = arith.constant 0 : i32
    %c0_i32_1 = arith.constant 0 : i32
    return %c0_i32, %c0_i32_0 : i32, i32
  }
  func.func @transform_2(%arg0: i32) -> (i32, i32, i32) {
    %c0_i32 = arith.constant 0 : i32
    %c0_i32_0 = arith.constant 0 : i32
    %c0_i32_1 = arith.constant 0 : i32
    return %c0_i32, %arg0, %c0_i32_0 : i32, i32, i32
  }
  func.func @transform_3(%arg0: i32) -> (i32, i32) {
    %c0_i32 = arith.constant 0 : i32
    %c0_i32_0 = arith.constant 0 : i32
    return %arg0, %c0_i32 : i32, i32
  }
}

module attributes {stable_mosaic.version = 14 : i64} {
  func.func @_mid_body(%arg0: i32, %arg1: memref<2x2048x128xf32, #tpu.memory_space<vmem>>, %arg2: memref<2048x128xf32, #tpu.memory_space<vmem>>, %arg3: memref<2x16x128xf32, #tpu.memory_space<vmem>>, %arg4: memref<1x128xf32, #tpu.memory_space<vmem>>, %arg5: memref<128x128xf32, #tpu.memory_space<vmem>>, %arg6: memref<2048x128xf32, #tpu.memory_space<vmem>>) attributes {dimension_semantics = [#tpu.dimension_semantics<arbitrary>], iteration_bounds = array<i64: 5>, scalar_prefetch = 0 : i64, scratch_operands = 0 : i64, tpu.core_type = #tpu.core_type<tc>, window_params = [{transform_indices = @transform_0, window_bounds = array<i64: 2, 2048, 128>}, {transform_indices = @transform_1, window_bounds = array<i64: 2048, 128>}, {transform_indices = @transform_2, window_bounds = array<i64: 2, 16, 128>}, {pipeline_mode = #tpu.pipeline_mode<synchronous>, transform_indices = @transform_3, window_bounds = array<i64: 1, 128>}, {pipeline_mode = #tpu.pipeline_mode<synchronous>, transform_indices = @transform_4, window_bounds = array<i64: 128, 128>}, {transform_indices = @transform_5, window_bounds = array<i64: 2048, 128>}]} {
    %get3A = arith.constant 0 : index
    %get3A_0 = arith.constant 0 : index
    %get3A_1 = arith.constant 0 : index
    %get3A_2 = vector.load %arg3[%get3A, %get3A_0, %get3A_1] : memref<2x16x128xf32, #tpu.memory_space<vmem>>, vector<1x16x128xf32>
    %get3A_3 = vector.shape_cast %get3A_2 : vector<1x16x128xf32> to vector<16x128xf32>
    %add3A = arith.constant 1.000000e+00 : f32
    %add3A_4 = vector.broadcast %add3A : f32 to vector<16x128xf32>
    %add3A_5 = arith.addf %add3A_4, %get3A_3 : vector<16x128xf32>
    %get3A_6 = arith.constant 1 : index
    %get3A_7 = arith.constant 0 : index
    %get3A_8 = arith.constant 0 : index
    %get3A_9 = vector.load %arg3[%get3A_6, %get3A_7, %get3A_8] : memref<2x16x128xf32, #tpu.memory_space<vmem>>, vector<1x16x128xf32>
    %get3A_10 = vector.shape_cast %get3A_9 : vector<1x16x128xf32> to vector<16x128xf32>
    %add3A_11 = arith.addf %add3A_5, %get3A_10 : vector<16x128xf32>
    %rsqrt3A = math.rsqrt %add3A_11 : vector<16x128xf32>
    %get3A_12 = arith.constant 0 : index
    %get3A_13 = arith.constant 0 : index
    %get3A_14 = arith.constant 0 : index
    %get3A_15 = vector.load %arg1[%get3A_12, %get3A_13, %get3A_14] : memref<2x2048x128xf32, #tpu.memory_space<vmem>>, vector<1x2048x128xf32>
    %get3A_16 = vector.shape_cast %get3A_15 : vector<1x2048x128xf32> to vector<2048x128xf32>
    %get3A_17 = arith.constant 1 : index
    %get3A_18 = arith.constant 0 : index
    %get3A_19 = arith.constant 0 : index
    %get3A_20 = vector.load %arg1[%get3A_17, %get3A_18, %get3A_19] : memref<2x2048x128xf32, #tpu.memory_space<vmem>>, vector<1x2048x128xf32>
    %get3A_21 = vector.shape_cast %get3A_20 : vector<1x2048x128xf32> to vector<2048x128xf32>
    %add3A_22 = arith.addf %get3A_16, %get3A_21 : vector<2048x128xf32>
    %get3A_23 = arith.constant 0 : index
    %get3A_24 = arith.constant 0 : index
    %get3A_25 = vector.load %arg2[%get3A_23, %get3A_24] : memref<2048x128xf32, #tpu.memory_space<vmem>>, vector<2048x128xf32>
    %add3A_26 = arith.addf %add3A_22, %get3A_25 : vector<2048x128xf32>
    %reshape3A = vector.shape_cast %add3A_26 : vector<2048x128xf32> to vector<16x128x128xf32>
    %broadcast_in_dim3A = vector.shape_cast %rsqrt3A : vector<16x128xf32> to vector<16x128x1xf32>
    %mul3A = vector.broadcast %broadcast_in_dim3A : vector<16x128x1xf32> to vector<16x128x128xf32>
    %mul3A_27 = arith.mulf %reshape3A, %mul3A : vector<16x128x128xf32>
    %reshape3A_28 = vector.shape_cast %mul3A_27 : vector<16x128x128xf32> to vector<2048x128xf32>
    %get3A_29 = arith.constant 0 : index
    %get3A_30 = arith.constant 0 : index
    %get3A_31 = vector.load %arg4[%get3A_29, %get3A_30] : memref<1x128xf32, #tpu.memory_space<vmem>>, vector<1x128xf32>
    %add3A_32 = vector.broadcast %get3A_31 : vector<1x128xf32> to vector<2048x128xf32>
    %add3A_33 = arith.addf %reshape3A_28, %add3A_32 : vector<2048x128xf32>
    %max3A = arith.constant 0.000000e+00 : f32
    %max3A_34 = vector.broadcast %max3A : f32 to vector<2048x128xf32>
    %max3A_35 = arith.maximumf %add3A_33, %max3A_34 : vector<2048x128xf32>
    %get3A_36 = arith.constant 0 : index
    %get3A_37 = arith.constant 0 : index
    %get3A_38 = vector.load %arg5[%get3A_36, %get3A_37] : memref<128x128xf32, #tpu.memory_space<vmem>>, vector<128x128xf32>
    %dot_general3A = arith.constant dense<0.000000e+00> : vector<2048x128xf32>
    %dot_general3A_39 = tpu.matmul %max3A_35, %get3A_38, %dot_general3A {dimension_numbers = #tpu.dot_dimension_numbers<[1], [0], [0], [1], [0, 0, 1, 1], [], []>, transpose_lhs_hint = false} : vector<2048x128xf32>, vector<128x128xf32>, vector<2048x128xf32> -> vector<2048x128xf32>
    %reshape3A_40 = vector.shape_cast %dot_general3A_39 : vector<2048x128xf32> to vector<16x128x128xf32>
    %broadcast_in_dim3A_41 = vector.shape_cast %rsqrt3A : vector<16x128xf32> to vector<16x128x1xf32>
    %mul3A_42 = vector.broadcast %broadcast_in_dim3A_41 : vector<16x128x1xf32> to vector<16x128x128xf32>
    %mul3A_43 = arith.mulf %reshape3A_40, %mul3A_42 : vector<16x128x128xf32>
    %reshape3A_44 = vector.shape_cast %mul3A_43 : vector<16x128x128xf32> to vector<2048x128xf32>
    %swap3A = arith.constant 0 : index
    %swap3A_45 = arith.constant 0 : index
    %swap3A_46 = vector.load %arg6[%swap3A, %swap3A_45] : memref<2048x128xf32, #tpu.memory_space<vmem>>, vector<2048x128xf32>
    tpu.vector_store %arg6[%swap3A, %swap3A_45], %reshape3A_44 {strides = array<i32>} : memref<2048x128xf32, #tpu.memory_space<vmem>>, vector<2048x128xf32>,
    return
  }
  func.func @transform_0(%arg0: i32) -> (i32, i32, i32) {
    %c0_i32 = arith.constant 0 : i32
    %c0_i32_0 = arith.constant 0 : i32
    %c0_i32_1 = arith.constant 0 : i32
    return %c0_i32, %arg0, %c0_i32_0 : i32, i32, i32
  }
  func.func @transform_1(%arg0: i32) -> (i32, i32) {
    %c0_i32 = arith.constant 0 : i32
    %c0_i32_0 = arith.constant 0 : i32
    return %arg0, %c0_i32 : i32, i32
  }
  func.func @transform_2(%arg0: i32) -> (i32, i32, i32) {
    %c0_i32 = arith.constant 0 : i32
    %c0_i32_0 = arith.constant 0 : i32
    %c0_i32_1 = arith.constant 0 : i32
    return %c0_i32, %arg0, %c0_i32_0 : i32, i32, i32
  }
  func.func @transform_3(%arg0: i32) -> (i32, i32) {
    %c0_i32 = arith.constant 0 : i32
    %c0_i32_0 = arith.constant 0 : i32
    %c0_i32_1 = arith.constant 0 : i32
    return %c0_i32, %c0_i32_0 : i32, i32
  }
  func.func @transform_4(%arg0: i32) -> (i32, i32) {
    %c0_i32 = arith.constant 0 : i32
    %c0_i32_0 = arith.constant 0 : i32
    %c0_i32_1 = arith.constant 0 : i32
    return %c0_i32, %c0_i32_0 : i32, i32
  }
  func.func @transform_5(%arg0: i32) -> (i32, i32) {
    %c0_i32 = arith.constant 0 : i32
    %c0_i32_0 = arith.constant 0 : i32
    return %arg0, %c0_i32 : i32, i32
  }
}

module attributes {stable_mosaic.version = 14 : i64} {
  func.func @_out_body(%arg0: i32, %arg1: memref<2x2048x128xf32, #tpu.memory_space<vmem>>, %arg2: memref<2048x128xf32, #tpu.memory_space<vmem>>, %arg3: memref<2x16x128xf32, #tpu.memory_space<vmem>>, %arg4: memref<1x128xf32, #tpu.memory_space<vmem>>, %arg5: memref<128x8xf32, #tpu.memory_space<vmem>>, %arg6: memref<1x8xf32, #tpu.memory_space<vmem>>, %arg7: memref<2048x8xf32, #tpu.memory_space<vmem>>) attributes {dimension_semantics = [#tpu.dimension_semantics<arbitrary>], iteration_bounds = array<i64: 5>, scalar_prefetch = 0 : i64, scratch_operands = 0 : i64, tpu.core_type = #tpu.core_type<tc>, window_params = [{transform_indices = @transform_0, window_bounds = array<i64: 2, 2048, 128>}, {transform_indices = @transform_1, window_bounds = array<i64: 2048, 128>}, {transform_indices = @transform_2, window_bounds = array<i64: 2, 16, 128>}, {pipeline_mode = #tpu.pipeline_mode<synchronous>, transform_indices = @transform_3, window_bounds = array<i64: 1, 128>}, {pipeline_mode = #tpu.pipeline_mode<synchronous>, transform_indices = @transform_4, window_bounds = array<i64: 128, 8>}, {pipeline_mode = #tpu.pipeline_mode<synchronous>, transform_indices = @transform_5, window_bounds = array<i64: 1, 8>}, {transform_indices = @transform_6, window_bounds = array<i64: 2048, 8>}]} {
    %get3A = arith.constant 0 : index
    %get3A_0 = arith.constant 0 : index
    %get3A_1 = arith.constant 0 : index
    %get3A_2 = vector.load %arg3[%get3A, %get3A_0, %get3A_1] : memref<2x16x128xf32, #tpu.memory_space<vmem>>, vector<1x16x128xf32>
    %get3A_3 = vector.shape_cast %get3A_2 : vector<1x16x128xf32> to vector<16x128xf32>
    %add3A = arith.constant 1.000000e+00 : f32
    %add3A_4 = vector.broadcast %add3A : f32 to vector<16x128xf32>
    %add3A_5 = arith.addf %add3A_4, %get3A_3 : vector<16x128xf32>
    %get3A_6 = arith.constant 1 : index
    %get3A_7 = arith.constant 0 : index
    %get3A_8 = arith.constant 0 : index
    %get3A_9 = vector.load %arg3[%get3A_6, %get3A_7, %get3A_8] : memref<2x16x128xf32, #tpu.memory_space<vmem>>, vector<1x16x128xf32>
    %get3A_10 = vector.shape_cast %get3A_9 : vector<1x16x128xf32> to vector<16x128xf32>
    %add3A_11 = arith.addf %add3A_5, %get3A_10 : vector<16x128xf32>
    %rsqrt3A = math.rsqrt %add3A_11 : vector<16x128xf32>
    %get3A_12 = arith.constant 0 : index
    %get3A_13 = arith.constant 0 : index
    %get3A_14 = arith.constant 0 : index
    %get3A_15 = vector.load %arg1[%get3A_12, %get3A_13, %get3A_14] : memref<2x2048x128xf32, #tpu.memory_space<vmem>>, vector<1x2048x128xf32>
    %get3A_16 = vector.shape_cast %get3A_15 : vector<1x2048x128xf32> to vector<2048x128xf32>
    %get3A_17 = arith.constant 1 : index
    %get3A_18 = arith.constant 0 : index
    %get3A_19 = arith.constant 0 : index
    %get3A_20 = vector.load %arg1[%get3A_17, %get3A_18, %get3A_19] : memref<2x2048x128xf32, #tpu.memory_space<vmem>>, vector<1x2048x128xf32>
    %get3A_21 = vector.shape_cast %get3A_20 : vector<1x2048x128xf32> to vector<2048x128xf32>
    %add3A_22 = arith.addf %get3A_16, %get3A_21 : vector<2048x128xf32>
    %get3A_23 = arith.constant 0 : index
    %get3A_24 = arith.constant 0 : index
    %get3A_25 = vector.load %arg2[%get3A_23, %get3A_24] : memref<2048x128xf32, #tpu.memory_space<vmem>>, vector<2048x128xf32>
    %add3A_26 = arith.addf %add3A_22, %get3A_25 : vector<2048x128xf32>
    %reshape3A = vector.shape_cast %add3A_26 : vector<2048x128xf32> to vector<16x128x128xf32>
    %broadcast_in_dim3A = vector.shape_cast %rsqrt3A : vector<16x128xf32> to vector<16x128x1xf32>
    %mul3A = vector.broadcast %broadcast_in_dim3A : vector<16x128x1xf32> to vector<16x128x128xf32>
    %mul3A_27 = arith.mulf %reshape3A, %mul3A : vector<16x128x128xf32>
    %reshape3A_28 = vector.shape_cast %mul3A_27 : vector<16x128x128xf32> to vector<2048x128xf32>
    %get3A_29 = arith.constant 0 : index
    %get3A_30 = arith.constant 0 : index
    %get3A_31 = vector.load %arg4[%get3A_29, %get3A_30] : memref<1x128xf32, #tpu.memory_space<vmem>>, vector<1x128xf32>
    %add3A_32 = vector.broadcast %get3A_31 : vector<1x128xf32> to vector<2048x128xf32>
    %add3A_33 = arith.addf %reshape3A_28, %add3A_32 : vector<2048x128xf32>
    %max3A = arith.constant 0.000000e+00 : f32
    %max3A_34 = vector.broadcast %max3A : f32 to vector<2048x128xf32>
    %max3A_35 = arith.maximumf %add3A_33, %max3A_34 : vector<2048x128xf32>
    %get3A_36 = arith.constant 0 : index
    %get3A_37 = arith.constant 0 : index
    %get3A_38 = vector.load %arg5[%get3A_36, %get3A_37] : memref<128x8xf32, #tpu.memory_space<vmem>>, vector<128x8xf32>
    %dot_general3A = arith.constant dense<0.000000e+00> : vector<2048x8xf32>
    %dot_general3A_39 = tpu.matmul %max3A_35, %get3A_38, %dot_general3A {dimension_numbers = #tpu.dot_dimension_numbers<[1], [0], [0], [1], [0, 0, 1, 1], [], []>, transpose_lhs_hint = false} : vector<2048x128xf32>, vector<128x8xf32>, vector<2048x8xf32> -> vector<2048x8xf32>
    %get3A_40 = arith.constant 0 : index
    %get3A_41 = arith.constant 0 : index
    %get3A_42 = vector.load %arg6[%get3A_40, %get3A_41] : memref<1x8xf32, #tpu.memory_space<vmem>>, vector<1x8xf32>
    %add3A_43 = vector.broadcast %get3A_42 : vector<1x8xf32> to vector<2048x8xf32>
    %add3A_44 = arith.addf %dot_general3A_39, %add3A_43 : vector<2048x8xf32>
    %swap3A = arith.constant 0 : index
    %swap3A_45 = arith.constant 0 : index
    %swap3A_46 = vector.load %arg7[%swap3A, %swap3A_45] : memref<2048x8xf32, #tpu.memory_space<vmem>>, vector<2048x8xf32>
    tpu.vector_store %arg7[%swap3A, %swap3A_45], %add3A_44 {strides = array<i32>} : memref<2048x8xf32, #tpu.memory_space<vmem>>, vector<2048x8xf32>,
    return
  }
  func.func @transform_0(%arg0: i32) -> (i32, i32, i32) {
    %c0_i32 = arith.constant 0 : i32
    %c0_i32_0 = arith.constant 0 : i32
    %c0_i32_1 = arith.constant 0 : i32
    return %c0_i32, %arg0, %c0_i32_0 : i32, i32, i32
  }
  func.func @transform_1(%arg0: i32) -> (i32, i32) {
    %c0_i32 = arith.constant 0 : i32
    %c0_i32_0 = arith.constant 0 : i32
    return %arg0, %c0_i32 : i32, i32
  }
  func.func @transform_2(%arg0: i32) -> (i32, i32, i32) {
    %c0_i32 = arith.constant 0 : i32
    %c0_i32_0 = arith.constant 0 : i32
    %c0_i32_1 = arith.constant 0 : i32
    return %c0_i32, %arg0, %c0_i32_0 : i32, i32, i32
  }
  func.func @transform_3(%arg0: i32) -> (i32, i32) {
    %c0_i32 = arith.constant 0 : i32
    %c0_i32_0 = arith.constant 0 : i32
    %c0_i32_1 = arith.constant 0 : i32
    return %c0_i32, %c0_i32_0 : i32, i32
  }
  func.func @transform_4(%arg0: i32) -> (i32, i32) {
    %c0_i32 = arith.constant 0 : i32
    %c0_i32_0 = arith.constant 0 : i32
    %c0_i32_1 = arith.constant 0 : i32
    return %c0_i32, %c0_i32_0 : i32, i32
  }
  func.func @transform_5(%arg0: i32) -> (i32, i32) {
    %c0_i32 = arith.constant 0 : i32
    %c0_i32_0 = arith.constant 0 : i32
    %c0_i32_1 = arith.constant 0 : i32
    return %c0_i32, %c0_i32_0 : i32, i32
  }
  func.func @transform_6(%arg0: i32) -> (i32, i32) {
    %c0_i32 = arith.constant 0 : i32
    %c0_i32_0 = arith.constant 0 : i32
    return %arg0, %c0_i32 : i32, i32
  }
}

</mosaic_0001>

<sc_bundles>
// kernel: kernel.11.cloned.1.call-start
scs
__scs_entry_jumppad:
0x0: {  	(pc) =	sbr.rel $0x88, $3  }
0x1: {  	(tag) =	ssettag $0x0;
	lr =	simm.s32 $0x1  }
0x2: {  	[smem:$0x3F99] =	sst lr;
	_ =	strace $0xD0000000  }
0x3: {  	_ = 	snop  }
0x4: {  	_ = 	snop  }
0x5: {  	_ = 	snop  }
0x6: {  	_ = 	snop  }
0x7: {  	_ = 	snop  }
__scs_overlays_trampoline_lowered:
0x8: {  	[smem:$0x3FA8] =	sst s0  }
0x9: {  	[smem:$0x3FA9] =	sst s1  }
0xa: {  	[smem:$0x3FAA] =	sst s2  }
0xb: {  	[smem:$0x3FAB] =	sst s3  }
0xc: {  	[smem:$0x3FAC] =	sst s4  }
0xd: {  	[smem:$0x3FAD] =	sst s5  }
0xe: {  	[smem:$0x3FAE] =	sst s6  }
0xf: {  	[smem:$0x3FAF] =	sst s7  }
0x10: {  	[smem:$0x3FB0] =	sst s8  }
0x11: {  	[smem:$0x3FB1] =	sst s9;
	s0 =	simm.s32 @!p0 $0x0  }
0x12: {  	s1 =	sld [smem:$0x3F97];
	s0 =	simm.s32 @p0 $0x1  }
0x13: {  	[smem:$0x3FB2] =	sst s0;
	s0 =	simm.s32 @!p1 $0x0  }
0x14: {  	s2 =	sld [smem:$0x3F96];
	s0 =	simm.s32 @p1 $0x1  }
0x15: {  	[smem:$0x3FB3] =	sst s0;
	s0 =	simm.s32 @!p2 $0x0  }
0x16: {  	s3 =	sld [smem:$0x3FDB];
	s0 =	simm.s32 @p2 $0x1  }
0x17: {  	s4 =	simm.s32 $0x1BF5;
	[smem:$0x3FB5] =	sst s0  }
0x18: {  	s0 =	sld [smem:$0x3F98];
	_ =	swait.ge [sflag:s4], $0x0  }
0x19: {  	s7 =	sld [smem:$0x3F99]  }
0x1a: {  	s8 =	sadd.s32 $0xFFFFE003, lr  }
0x1b: {  	s9 =	sadd.s32 $0xFFFFFEF7, lr;
	s5 =	simm.s32 $0xFFFFFFFF;
	p2 =	slt.u32 s8, $0xFFFFF086  }
0x1c: {  	p1 =	slt.u32 s9, $0xF7A;
	s5 =	simm.s32 @!p2 $0x0  }
0x1d: {  	s5 =	simm.s32 @p1 $0x1;
	p0 =	seq.s32 s7, s2  }
0x1e: {  	s7 =	smul.u32 @!p0 $0xF7A, s2;
	p2 =	seq.s32 @!p0 s5, $0x0  }
0x1f: {  	s9 =	smul.u32 $0xF7A, s1;
	s8 =	simm.s32 @!p0 $0x1BF5;
	p2 =	por !p2, p0  }
0x20: {  	[sflag:s8] =	ssyncset.s32 @!p0 $0xFFFFF086;
	s6 =	sadd.s32 @!p0 s3, s7;
	s7 =	simm.s32 @!p0 $0x108  }
0x21: {  	s3 =	sadd.s32 s3, s9;
	s6 =	sadd.s32 @!p0 $0x88, s6;
	s7 =	simm.s32 @p2 $0x1082  }
0x22: {  	[simem:s7], [sflag:s8] =	dma.local @!p0 [hbm:s6], $0xF7A  }
0x23: {  	s9 =	sor.u32 $0xD0000000, s2;
	s6 =	simm.s32 $0x108;
	_ =	swait.ge @!p0 [sflag:s8], $0x0  }
0x24: {  	s3 =	sadd.s32 $0x88, s3;
	s6 =	simm.s32 @!p1 $0x1082;
	[sflag:s4] =	ssyncset.s32 $0xFFFFF086  }
0x25: {  	[simem:s6], [sflag:s4] =	dma.local [hbm:s3], $0xF7A  }
0x26: {  	[smem:$0x3F99] =	sst s1;
	(tag) =	ssettag s2;
	_ =	strace s9  }
0x27: {  	s1 =	sld [smem:$0x3FA9]  }
0x28: {  	s2 =	sld [smem:$0x3FAA]  }
0x29: {  	s4 =	sld [smem:$0x3FAC]  }
0x2a: {  	p0 =	seq.s32 s5, $0x0;
	s5 =	sld [smem:$0x3FAD]  }
0x2b: {  	s6 =	sld [smem:$0x3FAE]  }
0x2c: {  	s7 =	sld [smem:$0x3FAF]  }
0x2d: {  	s3 =	simm.s32 $0x108;
	s8 =	sld [smem:$0x3FB0]  }
0x2e: {  	s3 =	simm.s32 @!p0 $0x1082;
	s9 =	sld [smem:$0x3FB1]  }
0x2f: {  	lr =	sadd.s32 s0, s3;
	s0 =	sld [smem:$0x3FA8]  }
0x30: {  	s3 =	sld [smem:$0x3FAB]  }
0x31: {  	[smem:$0x3FB4] =	sst s10  }
0x32: {  	s10 =	sld [smem:$0x3FB2];
	_ =	sdelay $0x3  }
0x33: {  	p0 =	seq.s32 s10, $0x1;
	s10 =	sld [smem:$0x3FB4];
	_ =	sdelay $0x3  }
0x34: {  	[smem:$0x3FB4] =	sst s10  }
0x35: {  	s10 =	sld [smem:$0x3FB3];
	_ =	sdelay $0x3  }
0x36: {  	p1 =	seq.s32 s10, $0x1;
	s10 =	sld [smem:$0x3FB4];
	_ =	sdelay $0x3  }
0x37: {  	[smem:$0x3FB4] =	sst s10  }
0x38: {  	s10 =	sld [smem:$0x3FB5]  }
0x39: {  	_ = 	snop;
	(pc) =	sbr.ind lr, $3  }
0x3a: {  	_ = 	snop  }
0x3b: {  	_ = 	snop  }
0x3c: {  	p2 =	seq.s32 s10, $0x1;
	s10 =	sld [smem:$0x3FB4]  }
0x3d: {  	_ =	shalt  }
0x3e: {  	_ =	shalt  }
0x3f: {  	_ =	shalt  }
0x40: {  	_ =	shalt  }
0x41: {  	_ =	shalt  }
0x42: {  	_ =	shalt  }
0x43: {  	_ =	shalt  }
0x44: {  	_ =	shalt  }
0x45: {  	_ =	shalt  }
0x46: {  	_ =	shalt  }
0x47: {  	_ =	shalt  }
0x48: {  	_ =	shalt  }
0x49: {  	_ =	shalt  }
0x4a: {  	_ =	shalt  }
0x4b: {  	_ =	shalt  }
0x4c: {  	_ =	shalt  }
0x4d: {  	_ =	shalt  }
0x4e: {  	_ =	shalt  }
0x4f: {  	_ =	shalt  }
0x50: {  	_ =	shalt  }
0x51: {  	_ =	shalt  }
0x52: {  	_ =	shalt  }
0x53: {  	_ =	shalt  }
0x54: {  	_ =	shalt  }
0x55: {  	_ =	shalt  }
0x56: {  	_ =	shalt  }
0x57: {  	_ =	shalt  }
0x58: {  	_ =	shalt  }
0x59: {  	_ =	shalt  }
0x5a: {  	_ =	shalt  }
0x5b: {  	_ =	shalt  }
0x5c: {  	_ =	shalt  }
0x5d: {  	_ =	shalt  }
0x5e: {  	_ =	shalt  }
0x5f: {  	_ =	shalt  }
0x60: {  	_ =	shalt  }
0x61: {  	_ =	shalt  }
0x62: {  	_ =	shalt  }
0x63: {  	_ =	shalt  }
0x64: {  	_ =	shalt  }
0x65: {  	_ =	shalt  }
0x66: {  	_ =	shalt  }
0x67: {  	_ =	shalt  }
0x68: {  	_ =	shalt  }
0x69: {  	_ =	shalt  }
0x6a: {  	_ =	shalt  }
0x6b: {  	_ =	shalt  }
0x6c: {  	_ =	shalt  }
0x6d: {  	_ =	shalt  }
0x6e: {  	_ =	shalt  }
0x6f: {  	_ =	shalt  }
0x70: {  	_ =	shalt  }
0x71: {  	_ =	shalt  }
0x72: {  	_ =	shalt  }
0x73: {  	_ =	shalt  }
0x74: {  	_ =	shalt  }
0x75: {  	_ =	shalt  }
0x76: {  	_ =	shalt  }
0x77: {  	_ =	shalt  }
0x78: {  	_ =	shalt  }
0x79: {  	_ =	shalt  }
0x7a: {  	_ =	shalt  }
0x7b: {  	_ =	shalt  }
0x7c: {  	_ =	shalt  }
0x7d: {  	_ =	shalt  }
0x7e: {  	_ =	shalt  }
0x7f: {  	_ =	shalt  }
0x80: {  	_ =	shalt  }
0x81: {  	_ =	shalt  }
0x82: {  	_ =	shalt  }
0x83: {  	_ =	shalt  }
0x84: {  	_ =	shalt  }
0x85: {  	_ =	shalt  }
0x86: {  	_ =	shalt  }
0x87: {  	_ =	shalt  }
.Lfunc_end0:
.L_simem_size_0:
called_computation.1_lowered:
.L_overlay_start_0:
0x88: {  	s2 =	sld [smem:$0x3FD9]  }
0x89: {  	s3 =	sld [smem:$0x3FFE];
	_ =	sdelay $0x1  }
0x8a: {  	s1 =	srdreg.scid  }
0x8b: {  	s0 =	sand.u32 $0x1, s1  }
0x8c: {  	s16 =	sshll.u32 s0, $0xA;
	s2 =	sadd.s32 s3, s2  }
0x8d: {  	s2 =	sadd.s32 s2, s16  }
0x8e: {  	[smem:$0x3FC0] =	sst s2  }
0x8f: {  	_ = 	snop  }
0x90: {  	(tm) =	ssettm $0x1  }
0x91: {  	s17 =	sld [smem:$0x3FFB];
	_ =	sdelay $0x3  }
0x92: {  	_ =	strace s17  }
0x93: {  	s2 =	sld [smem:$0x3FFC];
	_ =	sdelay $0x3  }
0x94: {  	_ =	strace s2  }
0x95: {  	s2 =	sld [smem:$0x3FFD];
	_ =	sdelay $0x3  }
0x96: {  	_ =	strace s2  }
0x97: {  	_ =	strace $0x8FFFFFFF  }
0x98: {  	s18 =	sld [smem:$0x3FDB];
	_ =	sdelay $0x1  }
0x99: {  	s19 =	simm.s32 $_scs_section_size  }
0x9a: {  	s4 =	simm.s32 $_size__tile_overlayer_lowered;
	s5 =	simm.s32 $_tile_overlayer_lowered  }
0x9b: {  	s22 =	simm.s32 $0x1BFF;
	s21 =	sshll.u32 s5, $0x1;
	s2 =	sadd.s32 s19, s18  }
0x9c: {  	s6 =	simm.s32 $0x0;
	s20 =	sshll.u32 s4, $0x1;
	s4 =	sadd.s32 s21, s2  }
0x9d: {  	[timem:s6], [sflag:s22] =	dma.local [hbm:s4], s20  }
0x9e: {  	_ =	swait.ge [sflag:s22], s20  }
0x9f: {  	s3 =	ssub.s32 $0x0, s20;
	[sflag:s22] =	ssyncset.done $0x0  }
0xa0: {  	[sflag:s22] =	ssyncadd.s32 s3;
	_ =	sdelay $0x1  }
0xa1: {  	s23 =	simm.s32 $0x1B8B  }
0xa2: {  	_ =	swait.ge [sflag:s23], $0x1  }
0xa3: {  	[sflag:s23] =	ssyncset.done $0x0  }
0xa4: {  	s25 =	simm.s32 $0x1B8E;
	s24 =	sld [smem:$0x3FFE];
	[sflag:s23] =	ssyncadd.s32 $0xFFFFFFFF  }
0xa5: {  	s26 =	simm.s32 $execute0_lowered;
	[smem:$0x3FD2] =	sst s25  }
0xa6: {  	s4 =	sshll.u32 s26, $0x1;
	_ =	strace $0x80000049;
	[dreg:$0x1] =	wrdreg $0xFFFFFFFF  }
0xa7: {  	s28 =	simm.s32 $_size_execute0_lowered;
	s2 =	sadd.s32 s2, s4;
	[dreg:$0x0] =	wrdreg $0x0  }
0xa8: {  	s4 =	sshll.u32 s28, $0x1;
	[dreg:$0x2] =	wrdreg s2  }
0xa9: {  	[dreg:$0x3] =	wrdreg s4  }
0xaa: {  	[dreg:$0x4] =	wrdreg $0xC0  }
0xab: {  	_ =	task [dreg:s6], $0x5FFFF  }
0xac: {  	[dreg:$0x1] =	wrdreg $0xFFFFFFFF  }
0xad: {  	[dreg:$0x0] =	wrdreg $0x60  }
0xae: {  	[dreg:$0x2] =	wrdreg s24  }
0xaf: {  	[dreg:$0x3] =	wrdreg $0x90000  }
0xb0: {  	[dreg:$0x4] =	wrdreg $0x9  }
0xb1: {  	_ =	task.clear_ibuf [dreg:s6], $0x5FFFF;
	_ =	strace $0x90000049  }
0xb2: {  	s29 =	simm.s32 $0x9;
	_ =	strace $0x8000004B  }
0xb3: {  	_ =	swait.ge [sflag:s29], $0x1  }
0xb4: {  	[sflag:s29] =	ssyncadd.s32 $0xFFFFFFFF  }
0xb5: {  	_ =	strace $0x9000004B  }
0xb6: {  	_ =	sfence  }
0xb7: {  	s30 =	sld [smem:$0x0];
	_ =	sdelay $0x2  }
0xb8: {  	s31 =	sshll.u32 s1, $0xD;
	s1 =	sshrl.u32 s1, $0x2  }
0xb9: {  	s3 =	sand.u32 $0x4000, s31;
	s1 =	sadd.s32 s1, s30  }
0xba: {  	s0 =	sor.u32 s3, s0;
	s1 =	sshll.u32 s1, $0x11  }
0xbb: {  	s0 =	sor.u32 s1, s0  }
0xbc: {  	s0 =	sadd.s32 $0x8F2B, s0  }
0xbd: {  	[sflag:s0] =	ssyncadd.remote.s32 $0x1  }
0xbe: {  	_ =	sfence.sel $0xFFFF  }
0xbf: {  	[dreg:$0x0] =	wrdreg $0xFFFFFFFF;
	(pc) =	sbr.abs _section_cstart, $3  }
0xc0: {  	[dreg:$0x1] =	wrdreg $0xFFFFFFFF  }
0xc1: {  	_ =	task.clear_ibuf [dreg:s6], $0x2FFFF;
	_ =	strace $0x9FFFFFFF  }
0xc2: {  	(tm) =	ssettm $0x7FFFFFFF  }
0xc3: {  	_ =	shalt  }
tec
execute0_lowered:
.L_overlay_start_1:
0x0: {  	(tag) =	ssettag $0x1  }
0x1: {  	s4 =	rddreg [dreg:$0x0]  }
0x2: {  	s0 =	srdreg.scid;
	s2 =	rddreg [dreg:$0x1];
	s3 =	simm.s32 $0x0  }
0x3: {  	s21 =	simm.s32 $0x1000;
	s22 =	simm.s32 $0x80;
	s7 =	sand.u32 $0x1, s0  }
0x4: {  	s23 =	simm.s32 $0x5000;
	s0 =	stileid.u32;
	s5 =	smul.u32 $0x500, s7  }
0x5: {  	s24 =	simm.s32 $0x1;
	s25 =	simm.s32 $0x2;
	s6 =	smul.u32 $0x50, s0  }
0x6: {  	[smem:$0x7FF] =	sst s3;
	s15 =	sadd.s32 $0x48C00, s4;
	s8 =	smul.u32 $0x50000, s0  }
0x7: {  	_ =	strace $0x8000004A;
	s26 =	ssub.s32 $0x2, s7;
	s10 =	smul.u32 $0x14000, s0  }
0x8: {  	s13 =	smul.u32 $0x140000, s7;
	s28 =	sshrl.u32 s26, $0x1;
	s5 =	sadd.s32 s6, s5  }
0x9: {  	s16 =	ssub.s32 s26, s28;
	s29 =	sshrl.u32 s8, $0x2;
	s11 =	sadd.s32 $0x4000, s10  }
0xa: {  	s14 =	sadd.s32 $0x8000, s10;
	s17 =	sadd.s32 $0xC000, s10;
	s12 =	sadd.s32 s10, s13  }
0xb: {  	s19 =	sadd.s32 $0x10000, s10;
	s26 =	simm.s32 $0x0;
	s5 =	sshll.u32 s5, $0x4  }
0xc: {  	s6 =	sadd.s32 s29, s2;
	s7 =	sadd.s32 s11, s2;
	s8 =	sadd.s32 s14, s2  }
0xd: {  	s9 =	sadd.s32 s17, s2;
	s12 =	sshrl.u32 s12, $0x3;
	s20 =	sadd.s32 s13, s11  }
0xe: {  	s10 =	sadd.s32 s19, s2;
	s14 =	sadd.s32 s13, s14;
	s17 =	sadd.s32 s13, s17  }
0xf: {  	s19 =	sadd.s32 s13, s19;
	s16 =	smax.u32 s16, $0x1;
	s18 =	sadd.s32 s5, s4  }
0x10: {  	s11 =	sadd.s32 s15, s12;
	s30 =	sshrl.u32 s20, $0x3;
	s14 =	sshrl.u32 s14, $0x3  }
0x11: {  	s17 =	sshrl.u32 s17, $0x3;
	s31 =	sshrl.u32 s19, $0x3;
	s19 =	simm.s32 $0x4  }
0x12: {  	s20 =	simm.s32 $0x800;
	s4 =	sadd.s32 $0x16C00, s18;
	s5 =	sadd.s32 $0xCC00, s18  }
0x13: {  	s12 =	sadd.s32 s15, s30;
	s13 =	sadd.s32 s15, s14;
	s14 =	sadd.s32 s15, s17  }
0x14: {  	v0 =	vimm.f32 $0.0e+00;
	s15 =	sadd.s32 s15, s31;
	s17 =	sadd.s32 $0xCC80, s18;
	s18 =	sadd.s32 $0x16C80, s18  }
.LBB2_1:
0x15: {  	[tilespmem:s3], [sflag:$0x4] =	stream.linear.gather [hbm4b:s4+s3], $0x400, $0x38;
	[tilespmem:$0x1D000] =	vst v63  }
0x16: {  	_ =	swait.ge [sflag:s19], $0x400  }
0x17: {  	[sflag:s19] =	ssyncset.done $0x0  }
0x18: {  	[sflag:s19] =	ssyncadd.s32 $0xFFFFFC00  }
0x19: {  	[tilespmem:s20], [sflag:$0x4] =	stream.linear.gather [hbm4b:s5+s3], $0x400, $0x38;
	[tilespmem:$0x1D000] =	vst v63  }
0x1a: {  	_ =	swait.ge [sflag:s19], $0x400  }
0x1b: {  	[sflag:s19] =	ssyncset.done $0x0  }
0x1c: {  	s28 =	simm.s32 $0x0;
	s29 =	simm.s32 $0x200;
	[sflag:s19] =	ssyncadd.s32 $0xFFFFFC00  }
.LBB2_2:
0x1d: {  	p0 =	sne.s32 s29, $0xFE00;
	[tilespmem:s28+$0x1070] =	vst v0  }
0x1e: {  	[tilespmem:s28+$0x1000] =	vst v0  }
0x1f: {  	[tilespmem:s28+$0x1010] =	vst v0  }
.Ltmp0:
0x20: {  	[tilespmem:s28+$0x1020] =	vst v0;
	(pc) =	sbr.rel @p0 .LBB2_2-.Ltmp0, $4  }
0x21: {  	[tilespmem:s28+$0x1030] =	vst v0  }
0x22: {  	[tilespmem:s28+$0x1040] =	vst v0  }
0x23: {  	[tilespmem:s28+$0x1050] =	vst v0  }
0x24: {  	[tilespmem:s28+$0x1060] =	vst v0;
	s28 =	sshra.s32 s29, $0x2;
	s29 =	sadd.s32 $0x200, s29  }
0x25: {  	[tilespmem:s28+$0x1070] =	vst v0  }
0x26: {  	[tilespmem:s28+$0x1000] =	vst v0  }
0x27: {  	[tilespmem:s28+$0x1010] =	vst v0  }
0x28: {  	[tilespmem:s28+$0x1020] =	vst v0  }
0x29: {  	[tilespmem:s28+$0x1030] =	vst v0  }
0x2a: {  	[tilespmem:s28+$0x1040] =	vst v0  }
0x2b: {  	[tilespmem:s28+$0x1050] =	vst v0  }
0x2c: {  	[tilespmem:s28+$0x1060] =	vst v0  }
0x2d: {  	[spmem:s6] =	stream.linear.scatter [tilespmem:s21], [sflag:$0x4], $0x4000, $0x38;
	[tilespmem:$0x1D000] =	vst v63  }
0x2e: {  	_ =	swait.ge [sflag:s19], $0x4000  }
0x2f: {  	[sflag:s19] =	ssyncset.done $0x0  }
0x30: {  	[sflag:s19] =	ssyncadd.s32 $0xFFFFC000  }
0x31: {  	[spmem:s7] =	stream.linear.scatter [tilespmem:s21], [sflag:$0x4], $0x4000, $0x38;
	[tilespmem:$0x1D000] =	vst v63  }
0x32: {  	_ =	swait.ge [sflag:s19], $0x4000  }
0x33: {  	[sflag:s19] =	ssyncset.done $0x0  }
0x34: {  	[sflag:s19] =	ssyncadd.s32 $0xFFFFC000  }
0x35: {  	[spmem:s8] =	stream.linear.scatter [tilespmem:s21], [sflag:$0x4], $0x4000, $0x38;
	[tilespmem:$0x1D000] =	vst v63  }
0x36: {  	_ =	swait.ge [sflag:s19], $0x4000  }
0x37: {  	[sflag:s19] =	ssyncset.done $0x0  }
0x38: {  	[sflag:s19] =	ssyncadd.s32 $0xFFFFC000  }
0x39: {  	[spmem:s9] =	stream.linear.scatter [tilespmem:s21], [sflag:$0x4], $0x4000, $0x38;
	[tilespmem:$0x1D000] =	vst v63  }
0x3a: {  	_ =	swait.ge [sflag:s19], $0x4000  }
0x3b: {  	[sflag:s19] =	ssyncset.done $0x0  }
0x3c: {  	[sflag:s19] =	ssyncadd.s32 $0xFFFFC000  }
0x3d: {  	[spmem:s10] =	stream.linear.scatter [tilespmem:s21], [sflag:$0x4], $0x4000, $0x38;
	[tilespmem:$0x1D000] =	vst v63  }
0x3e: {  	_ =	swait.ge [sflag:s19], $0x4000  }
0x3f: {  	[sflag:s19] =	ssyncset.done $0x0  }
0x40: {  	s28 =	simm.s32 $0x400;
	[sflag:s19] =	ssyncadd.s32 $0xFFFFC000  }
0x41: {  	s29 =	smov.u32 s18;
	s30 =	smov.u32 s17;
	[bflag:$0x0] =	sbarrier.arrive $0xFFFF  }
.LBB2_4:
0x42: {  	p0 =	seq.s32 s28, $0x2800  }
0x43: {  	s31 =	sand.u32 @!p0 $0x400, s28;
	s1 =	simm.s32 @!p0 $0x0  }
0x44: {  	[tilespmem:s31], [sflag:$0x3] =	stream.linear.gather @!p0 [hbm4b:s29+s1], $0x400, $0x38;
	[tilespmem:$0x1D000] =	vst v63  }
0x45: {  	s31 =	sor.u32 @!p0 $0x800, s31  }
0x46: {  	[tilespmem:s31], [sflag:$0x3] =	stream.linear.gather @!p0 [hbm4b:s30+s1], $0x400, $0x38;
	[tilespmem:$0x1D000] =	vst v63  }
0x47: {  	s31 =	sadd.s32 $0xFFFFFC00, s28  }
0x48: {  	s31 =	sand.u32 $0x400, s31  }
0x49: {  	[tilespmem:s21], [sflag:$0x1] =	stream.indirect.gather [spmem:s2], $0x80, s31, s22, $0xb8;
	[tilespmem:$0x1D000] =	vst v63  }
0x4a: {  	s1 =	sor.u32 $0x80, s31  }
0x4b: {  	[tilespmem:s23], [sflag:$0x2] =	stream.indirect.gather [spmem:s2], $0x80, s1, s22, $0xb8;
	[tilespmem:$0x1D000] =	vst v63  }
0x4c: {  	_ =	swait.ge [sflag:s24], $0x4000  }
0x4d: {  	[sflag:s24] =	ssyncset.done $0x0  }
0x4e: {  	s1 =	sor.u32 $0x800, s31;
	[sflag:s24] =	ssyncadd.s32 $0xFFFFC000  }
0x4f: {  	[spmem:s2] =	stream.indirect.scatter.add.f32 [tilespmem:s21], [sflag:$0x4], $0x80, s1, s22, $0xb8;
	[tilespmem:$0x1D000] =	vst v63  }
0x50: {  	_ =	swait.ge [sflag:s19], $0x4000  }
0x51: {  	[sflag:s19] =	ssyncset.done $0x0  }
0x52: {  	s1 =	sor.u32 $0x100, s31;
	[sflag:s19] =	ssyncadd.s32 $0xFFFFC000  }
0x53: {  	[tilespmem:s21], [sflag:$0x1] =	stream.indirect.gather [spmem:s2], $0x80, s1, s22, $0xb8;
	[tilespmem:$0x1D000] =	vst v63  }
0x54: {  	_ =	swait.ge [sflag:s25], $0x4000  }
0x55: {  	[sflag:s25] =	ssyncset.done $0x0  }
0x56: {  	s1 =	sor.u32 $0x880, s31;
	[sflag:s25] =	ssyncadd.s32 $0xFFFFC000  }
0x57: {  	[spmem:s2] =	stream.indirect.scatter.add.f32 [tilespmem:s23], [sflag:$0x4], $0x80, s1, s22, $0xb8;
	[tilespmem:$0x1D000] =	vst v63  }
0x58: {  	_ =	swait.ge [sflag:s19], $0x4000  }
0x59: {  	[sflag:s19] =	ssyncset.done $0x0  }
0x5a: {  	s1 =	sor.u32 $0x180, s31;
	[sflag:s19] =	ssyncadd.s32 $0xFFFFC000  }
0x5b: {  	[tilespmem:s23], [sflag:$0x2] =	stream.indirect.gather [spmem:s2], $0x80, s1, s22, $0xb8;
	[tilespmem:$0x1D000] =	vst v63  }
0x5c: {  	_ =	swait.ge [sflag:s24], $0x4000  }
0x5d: {  	[sflag:s24] =	ssyncset.done $0x0  }
0x5e: {  	s1 =	sor.u32 $0x900, s31;
	[sflag:s24] =	ssyncadd.s32 $0xFFFFC000  }
0x5f: {  	[spmem:s2] =	stream.indirect.scatter.add.f32 [tilespmem:s21], [sflag:$0x4], $0x80, s1, s22, $0xb8;
	[tilespmem:$0x1D000] =	vst v63  }
0x60: {  	_ =	swait.ge [sflag:s19], $0x4000  }
0x61: {  	[sflag:s19] =	ssyncset.done $0x0  }
0x62: {  	s1 =	sor.u32 $0x200, s31;
	[sflag:s19] =	ssyncadd.s32 $0xFFFFC000  }
0x63: {  	[tilespmem:s21], [sflag:$0x1] =	stream.indirect.gather [spmem:s2], $0x80, s1, s22, $0xb8;
	[tilespmem:$0x1D000] =	vst v63  }
0x64: {  	_ =	swait.ge [sflag:s25], $0x4000  }
0x65: {  	[sflag:s25] =	ssyncset.done $0x0  }
0x66: {  	s1 =	sor.u32 $0x980, s31;
	[sflag:s25] =	ssyncadd.s32 $0xFFFFC000  }
0x67: {  	[spmem:s2] =	stream.indirect.scatter.add.f32 [tilespmem:s23], [sflag:$0x4], $0x80, s1, s22, $0xb8;
	[tilespmem:$0x1D000] =	vst v63  }
0x68: {  	_ =	swait.ge [sflag:s19], $0x4000  }
0x69: {  	[sflag:s19] =	ssyncset.done $0x0  }
0x6a: {  	s1 =	sor.u32 $0x280, s31;
	[sflag:s19] =	ssyncadd.s32 $0xFFFFC000  }
0x6b: {  	[tilespmem:s23], [sflag:$0x2] =	stream.indirect.gather [spmem:s2], $0x80, s1, s22, $0xb8;
	[tilespmem:$0x1D000] =	vst v63  }
0x6c: {  	_ =	swait.ge [sflag:s24], $0x4000  }
0x6d: {  	[sflag:s24] =	ssyncset.done $0x0  }
0x6e: {  	s1 =	sor.u32 $0xA00, s31;
	[sflag:s24] =	ssyncadd.s32 $0xFFFFC000  }
0x6f: {  	[spmem:s2] =	stream.indirect.scatter.add.f32 [tilespmem:s21], [sflag:$0x4], $0x80, s1, s22, $0xb8;
	[tilespmem:$0x1D000] =	vst v63  }
0x70: {  	_ =	swait.ge [sflag:s19], $0x4000  }
0x71: {  	[sflag:s19] =	ssyncset.done $0x0  }
0x72: {  	s1 =	sor.u32 $0x300, s31;
	[sflag:s19] =	ssyncadd.s32 $0xFFFFC000  }
0x73: {  	[tilespmem:s21], [sflag:$0x1] =	stream.indirect.gather [spmem:s2], $0x80, s1, s22, $0xb8;
	[tilespmem:$0x1D000] =	vst v63  }
0x74: {  	_ =	swait.ge [sflag:s25], $0x4000  }
0x75: {  	[sflag:s25] =	ssyncset.done $0x0  }
0x76: {  	s1 =	sor.u32 $0xA80, s31;
	[sflag:s25] =	ssyncadd.s32 $0xFFFFC000  }
0x77: {  	[spmem:s2] =	stream.indirect.scatter.add.f32 [tilespmem:s23], [sflag:$0x4], $0x80, s1, s22, $0xb8;
	[tilespmem:$0x1D000] =	vst v63  }
0x78: {  	_ =	swait.ge [sflag:s19], $0x4000  }
0x79: {  	[sflag:s19] =	ssyncset.done $0x0  }
0x7a: {  	s1 =	sor.u32 $0x380, s31;
	[sflag:s19] =	ssyncadd.s32 $0xFFFFC000  }
0x7b: {  	[tilespmem:s23], [sflag:$0x2] =	stream.indirect.gather [spmem:s2], $0x80, s1, s22, $0xb8;
	[tilespmem:$0x1D000] =	vst v63  }
0x7c: {  	_ =	swait.ge [sflag:s24], $0x4000  }
0x7d: {  	[sflag:s24] =	ssyncset.done $0x0  }
0x7e: {  	s1 =	sor.u32 $0xB00, s31;
	[sflag:s24] =	ssyncadd.s32 $0xFFFFC000  }
0x7f: {  	[spmem:s2] =	stream.indirect.scatter.add.f32 [tilespmem:s21], [sflag:$0x4], $0x80, s1, s22, $0xb8;
	[tilespmem:$0x1D000] =	vst v63  }
0x80: {  	_ =	swait.ge [sflag:s19], $0x4000  }
0x81: {  	[sflag:s19] =	ssyncset.done $0x0  }
0x82: {  	[sflag:s19] =	ssyncadd.s32 $0xFFFFC000  }
0x83: {  	_ =	swait.ge [sflag:s25], $0x4000  }
0x84: {  	[sflag:s25] =	ssyncset.done $0x0  }
0x85: {  	s31 =	sor.u32 $0xB80, s31;
	[sflag:s25] =	ssyncadd.s32 $0xFFFFC000  }
0x86: {  	[spmem:s2] =	stream.indirect.scatter.add.f32 [tilespmem:s23], [sflag:$0x4], $0x80, s31, s22, $0xb8;
	[tilespmem:$0x1D000] =	vst v63  }
0x87: {  	_ =	swait.ge [sflag:s19], $0x4000  }
0x88: {  	s28 =	sadd.s32 @!p0 $0x400, s28;
	[sflag:s19] =	ssyncset.done $0x0  }
0x89: {  	p1 =	sne.s32 @!p0 s28, $0x2C00;
	s1 =	simm.s32 @!p0 $0x3;
	[sflag:s19] =	ssyncadd.s32 $0xFFFFC000  }
0x8a: {  	p1 =	por p0, !p1;
	_ =	swait.ge @!p0 [sflag:s1], $0x400  }
.Ltmp1:
0x8b: {  	[sflag:s1] =	ssyncset.done @!p0 $0x0;
	(pc) =	sbr.rel @!p1 .LBB2_4-.Ltmp1, $4  }
0x8c: {  	[sflag:s1] =	ssyncadd.s32 @!p0 $0xFFFFFC00  }
0x8d: {  	_ =	swait.ge @!p0 [sflag:s1], $0x400  }
0x8e: {  	[sflag:s1] =	ssyncset.done @!p0 $0x0  }
0x8f: {  	s29 =	sadd.s32 @!p0 $0x80, s29;
	s30 =	sadd.s32 @!p0 $0x80, s30;
	[sflag:s1] =	ssyncadd.s32 @!p0 $0xFFFFFC00  }
0x90: {  	s1 =	sshll.u32 s0, $0x6  }
0x91: {  	[bflag:$0x0] =	sbarrier.arrive $0xFFFF;
	s28 =	sshrl.u32 s6, $0x3;
	s1 =	sor.u32 $0x1C04, s1  }
0x92: {  	[hbm:s11], [sflag:s1] =	dma.local [spmem:s28], $0x800  }
0x93: {  	_ =	swait.ge [sflag:s19], $0x800  }
0x94: {  	[sflag:s19] =	ssyncset.done $0x0  }
0x95: {  	s31 =	sshrl.u32 s7, $0x3;
	[sflag:s19] =	ssyncadd.s32 $0xFFFFF800  }
0x96: {  	[hbm:s12], [sflag:s1] =	dma.local [spmem:s31], $0x800  }
0x97: {  	_ =	swait.ge [sflag:s19], $0x800  }
0x98: {  	[sflag:s19] =	ssyncset.done $0x0  }
0x99: {  	s29 =	sshrl.u32 s8, $0x3;
	[sflag:s19] =	ssyncadd.s32 $0xFFFFF800  }
0x9a: {  	[hbm:s13], [sflag:s1] =	dma.local [spmem:s29], $0x800  }
0x9b: {  	_ =	swait.ge [sflag:s19], $0x800  }
0x9c: {  	[sflag:s19] =	ssyncset.done $0x0  }
0x9d: {  	s30 =	sshrl.u32 s9, $0x3;
	[sflag:s19] =	ssyncadd.s32 $0xFFFFF800  }
0x9e: {  	[hbm:s14], [sflag:s1] =	dma.local [spmem:s30], $0x800  }
0x9f: {  	s26 =	sadd.s32 $0x1, s26;
	_ =	swait.ge [sflag:s19], $0x800  }
0xa0: {  	p0 =	sne.s32 s26, s16;
	[sflag:s19] =	ssyncset.done $0x0  }
.Ltmp2:
0xa1: {  	s31 =	sshrl.u32 s10, $0x3;
	[sflag:s19] =	ssyncadd.s32 $0xFFFFF800;
	(pc) =	sbr.rel @p0 .LBB2_1-.Ltmp2, $4  }
0xa2: {  	[hbm:s15], [sflag:s1] =	dma.local [spmem:s31], $0x800  }
0xa3: {  	_ =	swait.ge [sflag:s19], $0x800  }
0xa4: {  	[sflag:s19] =	ssyncset.done $0x0  }
0xa5: {  	[sflag:s19] =	ssyncadd.s32 $0xFFFFF800  }
0xa6: {  	_ =	sfence.sel $0x180000  }
0xa7: {  	[bflag:$0x0] =	sbarrier.arrive $0xFFFF  }
0xa8: {  	_ =	strace $0x9000004A  }
0xa9: {  	[bflag:$0x2] =	sbarrier.arrive $0xFFFF  }
0xaa: {  	p0 =	sne.s32 s0, $0x0;
	s0 =	rddreg [dreg:$0x2]  }
0xab: {  	s0 =	sadd.s32 @!p0 $0x100000, s0  }
0xac: {  	[sflag:s0] =	ssyncadd.tile.s32 @!p0 $0x1;
	_ =	shalt  }
.Lfunc_end2:
_tile_overlayer_lowered:
.L_overlay_start_2:
0xad: {  	(tag) =	ssettag $0x2  }
0xae: {  	s0 =	rddreg [dreg:$0x0];
	s2 =	stileid.u32  }
0xaf: {  	s1 =	rddreg [dreg:$0x1];
	p0 =	sne.s32 s2, $0x0  }
0xb0: {  	s3 =	rddreg [dreg:$0x2];
	[bflag:$0x3] =	sbarrier.arrive $0xFFFF;
	s2 =	simm.s32 @!p0 $0x1C04  }
0xb1: {  	[timem:s3], [sflag:s2] =	dma.local @!p0 [hbm:s0], s1  }
0xb2: {  	s0 =	simm.s32 @!p0 $0x4  }
0xb3: {  	_ =	swait.ge @!p0 [sflag:s0], s1  }
0xb4: {  	s1 =	ssub.s32 @!p0 $0x0, s1;
	[sflag:s0] =	ssyncset.done @!p0 $0x0  }
0xb5: {  	[sflag:s0] =	ssyncadd.s32 @!p0 s1  }
0xb6: {  	[bflag:$0x3] =	sbarrier.arrive $0xFFFF  }
0xb7: {  	_ =	shalt  }

// kernel: kernel.14.cloned.1.call-start
scs
__scs_entry_jumppad:
0x0: {  	(pc) =	sbr.rel $0x88, $3  }
0x1: {  	(tag) =	ssettag $0x0;
	lr =	simm.s32 $0x1  }
0x2: {  	[smem:$0x3F99] =	sst lr;
	_ =	strace $0xD0000000  }
0x3: {  	_ = 	snop  }
0x4: {  	_ = 	snop  }
0x5: {  	_ = 	snop  }
0x6: {  	_ = 	snop  }
0x7: {  	_ = 	snop  }
__scs_overlays_trampoline_lowered:
0x8: {  	[smem:$0x3FA8] =	sst s0  }
0x9: {  	[smem:$0x3FA9] =	sst s1  }
0xa: {  	[smem:$0x3FAA] =	sst s2  }
0xb: {  	[smem:$0x3FAB] =	sst s3  }
0xc: {  	[smem:$0x3FAC] =	sst s4  }
0xd: {  	[smem:$0x3FAD] =	sst s5  }
0xe: {  	[smem:$0x3FAE] =	sst s6  }
0xf: {  	[smem:$0x3FAF] =	sst s7  }
0x10: {  	[smem:$0x3FB0] =	sst s8  }
0x11: {  	[smem:$0x3FB1] =	sst s9;
	s0 =	simm.s32 @!p0 $0x0  }
0x12: {  	s1 =	sld [smem:$0x3F97];
	s0 =	simm.s32 @p0 $0x1  }
0x13: {  	[smem:$0x3FB2] =	sst s0;
	s0 =	simm.s32 @!p1 $0x0  }
0x14: {  	s2 =	sld [smem:$0x3F96];
	s0 =	simm.s32 @p1 $0x1  }
0x15: {  	[smem:$0x3FB3] =	sst s0;
	s0 =	simm.s32 @!p2 $0x0  }
0x16: {  	s3 =	sld [smem:$0x3FDB];
	s0 =	simm.s32 @p2 $0x1  }
0x17: {  	s4 =	simm.s32 $0x1BF5;
	[smem:$0x3FB5] =	sst s0  }
0x18: {  	s0 =	sld [smem:$0x3F98];
	_ =	swait.ge [sflag:s4], $0x0  }
0x19: {  	s7 =	sld [smem:$0x3F99]  }
0x1a: {  	s8 =	sadd.s32 $0xFFFFE003, lr  }
0x1b: {  	s9 =	sadd.s32 $0xFFFFFEF7, lr;
	s5 =	simm.s32 $0xFFFFFFFF;
	p2 =	slt.u32 s8, $0xFFFFF086  }
0x1c: {  	p1 =	slt.u32 s9, $0xF7A;
	s5 =	simm.s32 @!p2 $0x0  }
0x1d: {  	s5 =	simm.s32 @p1 $0x1;
	p0 =	seq.s32 s7, s2  }
0x1e: {  	s7 =	smul.u32 @!p0 $0xF7A, s2;
	p2 =	seq.s32 @!p0 s5, $0x0  }
0x1f: {  	s9 =	smul.u32 $0xF7A, s1;
	s8 =	simm.s32 @!p0 $0x1BF5;
	p2 =	por !p2, p0  }
0x20: {  	[sflag:s8] =	ssyncset.s32 @!p0 $0xFFFFF086;
	s6 =	sadd.s32 @!p0 s3, s7;
	s7 =	simm.s32 @!p0 $0x108  }
0x21: {  	s3 =	sadd.s32 s3, s9;
	s6 =	sadd.s32 @!p0 $0x88, s6;
	s7 =	simm.s32 @p2 $0x1082  }
0x22: {  	[simem:s7], [sflag:s8] =	dma.local @!p0 [hbm:s6], $0xF7A  }
0x23: {  	s9 =	sor.u32 $0xD0000000, s2;
	s6 =	simm.s32 $0x108;
	_ =	swait.ge @!p0 [sflag:s8], $0x0  }
0x24: {  	s3 =	sadd.s32 $0x88, s3;
	s6 =	simm.s32 @!p1 $0x1082;
	[sflag:s4] =	ssyncset.s32 $0xFFFFF086  }
0x25: {  	[simem:s6], [sflag:s4] =	dma.local [hbm:s3], $0xF7A  }
0x26: {  	[smem:$0x3F99] =	sst s1;
	(tag) =	ssettag s2;
	_ =	strace s9  }
0x27: {  	s1 =	sld [smem:$0x3FA9]  }
0x28: {  	s2 =	sld [smem:$0x3FAA]  }
0x29: {  	s4 =	sld [smem:$0x3FAC]  }
0x2a: {  	p0 =	seq.s32 s5, $0x0;
	s5 =	sld [smem:$0x3FAD]  }
0x2b: {  	s6 =	sld [smem:$0x3FAE]  }
0x2c: {  	s7 =	sld [smem:$0x3FAF]  }
0x2d: {  	s3 =	simm.s32 $0x108;
	s8 =	sld [smem:$0x3FB0]  }
0x2e: {  	s3 =	simm.s32 @!p0 $0x1082;
	s9 =	sld [smem:$0x3FB1]  }
0x2f: {  	lr =	sadd.s32 s0, s3;
	s0 =	sld [smem:$0x3FA8]  }
0x30: {  	s3 =	sld [smem:$0x3FAB]  }
0x31: {  	[smem:$0x3FB4] =	sst s10  }
0x32: {  	s10 =	sld [smem:$0x3FB2];
	_ =	sdelay $0x3  }
0x33: {  	p0 =	seq.s32 s10, $0x1;
	s10 =	sld [smem:$0x3FB4];
	_ =	sdelay $0x3  }
0x34: {  	[smem:$0x3FB4] =	sst s10  }
0x35: {  	s10 =	sld [smem:$0x3FB3];
	_ =	sdelay $0x3  }
0x36: {  	p1 =	seq.s32 s10, $0x1;
	s10 =	sld [smem:$0x3FB4];
	_ =	sdelay $0x3  }
0x37: {  	[smem:$0x3FB4] =	sst s10  }
0x38: {  	s10 =	sld [smem:$0x3FB5]  }
0x39: {  	_ = 	snop;
	(pc) =	sbr.ind lr, $3  }
0x3a: {  	_ = 	snop  }
0x3b: {  	_ = 	snop  }
0x3c: {  	p2 =	seq.s32 s10, $0x1;
	s10 =	sld [smem:$0x3FB4]  }
0x3d: {  	_ =	shalt  }
0x3e: {  	_ =	shalt  }
0x3f: {  	_ =	shalt  }
0x40: {  	_ =	shalt  }
0x41: {  	_ =	shalt  }
0x42: {  	_ =	shalt  }
0x43: {  	_ =	shalt  }
0x44: {  	_ =	shalt  }
0x45: {  	_ =	shalt  }
0x46: {  	_ =	shalt  }
0x47: {  	_ =	shalt  }
0x48: {  	_ =	shalt  }
0x49: {  	_ =	shalt  }
0x4a: {  	_ =	shalt  }
0x4b: {  	_ =	shalt  }
0x4c: {  	_ =	shalt  }
0x4d: {  	_ =	shalt  }
0x4e: {  	_ =	shalt  }
0x4f: {  	_ =	shalt  }
0x50: {  	_ =	shalt  }
0x51: {  	_ =	shalt  }
0x52: {  	_ =	shalt  }
0x53: {  	_ =	shalt  }
0x54: {  	_ =	shalt  }
0x55: {  	_ =	shalt  }
0x56: {  	_ =	shalt  }
0x57: {  	_ =	shalt  }
0x58: {  	_ =	shalt  }
0x59: {  	_ =	shalt  }
0x5a: {  	_ =	shalt  }
0x5b: {  	_ =	shalt  }
0x5c: {  	_ =	shalt  }
0x5d: {  	_ =	shalt  }
0x5e: {  	_ =	shalt  }
0x5f: {  	_ =	shalt  }
0x60: {  	_ =	shalt  }
0x61: {  	_ =	shalt  }
0x62: {  	_ =	shalt  }
0x63: {  	_ =	shalt  }
0x64: {  	_ =	shalt  }
0x65: {  	_ =	shalt  }
0x66: {  	_ =	shalt  }
0x67: {  	_ =	shalt  }
0x68: {  	_ =	shalt  }
0x69: {  	_ =	shalt  }
0x6a: {  	_ =	shalt  }
0x6b: {  	_ =	shalt  }
0x6c: {  	_ =	shalt  }
0x6d: {  	_ =	shalt  }
0x6e: {  	_ =	shalt  }
0x6f: {  	_ =	shalt  }
0x70: {  	_ =	shalt  }
0x71: {  	_ =	shalt  }
0x72: {  	_ =	shalt  }
0x73: {  	_ =	shalt  }
0x74: {  	_ =	shalt  }
0x75: {  	_ =	shalt  }
0x76: {  	_ =	shalt  }
0x77: {  	_ =	shalt  }
0x78: {  	_ =	shalt  }
0x79: {  	_ =	shalt  }
0x7a: {  	_ =	shalt  }
0x7b: {  	_ =	shalt  }
0x7c: {  	_ =	shalt  }
0x7d: {  	_ =	shalt  }
0x7e: {  	_ =	shalt  }
0x7f: {  	_ =	shalt  }
0x80: {  	_ =	shalt  }
0x81: {  	_ =	shalt  }
0x82: {  	_ =	shalt  }
0x83: {  	_ =	shalt  }
0x84: {  	_ =	shalt  }
0x85: {  	_ =	shalt  }
0x86: {  	_ =	shalt  }
0x87: {  	_ =	shalt  }
.Lfunc_end0:
.L_simem_size_0:
called_computation.2_lowered:
.L_overlay_start_0:
0x88: {  	s2 =	sld [smem:$0x3FD9]  }
0x89: {  	s3 =	sld [smem:$0x3FFE];
	_ =	sdelay $0x1  }
0x8a: {  	s1 =	srdreg.scid  }
0x8b: {  	s0 =	sand.u32 $0x1, s1  }
0x8c: {  	s16 =	sshll.u32 s0, $0xA;
	s2 =	sadd.s32 s3, s2  }
0x8d: {  	s2 =	sadd.s32 s2, s16  }
0x8e: {  	[smem:$0x3FC0] =	sst s2  }
0x8f: {  	_ = 	snop  }
0x90: {  	(tm) =	ssettm $0x1  }
0x91: {  	s17 =	sld [smem:$0x3FFB];
	_ =	sdelay $0x3  }
0x92: {  	_ =	strace s17  }
0x93: {  	s2 =	sld [smem:$0x3FFC];
	_ =	sdelay $0x3  }
0x94: {  	_ =	strace s2  }
0x95: {  	s2 =	sld [smem:$0x3FFD];
	_ =	sdelay $0x3  }
0x96: {  	_ =	strace s2  }
0x97: {  	_ =	strace $0x8FFFFFFF  }
0x98: {  	s18 =	sld [smem:$0x3FDB];
	_ =	sdelay $0x1  }
0x99: {  	s19 =	simm.s32 $_scs_section_size  }
0x9a: {  	s4 =	simm.s32 $_size__tile_overlayer_lowered;
	s5 =	simm.s32 $_tile_overlayer_lowered  }
0x9b: {  	s22 =	simm.s32 $0x1BFF;
	s21 =	sshll.u32 s5, $0x1;
	s2 =	sadd.s32 s19, s18  }
0x9c: {  	s6 =	simm.s32 $0x0;
	s20 =	sshll.u32 s4, $0x1;
	s4 =	sadd.s32 s21, s2  }
0x9d: {  	[timem:s6], [sflag:s22] =	dma.local [hbm:s4], s20  }
0x9e: {  	_ =	swait.ge [sflag:s22], s20  }
0x9f: {  	s3 =	ssub.s32 $0x0, s20;
	[sflag:s22] =	ssyncset.done $0x0  }
0xa0: {  	[sflag:s22] =	ssyncadd.s32 s3;
	_ =	sdelay $0x1  }
0xa1: {  	s23 =	simm.s32 $0x1B8B  }
0xa2: {  	_ =	swait.ge [sflag:s23], $0x1  }
0xa3: {  	[sflag:s23] =	ssyncset.done $0x0  }
0xa4: {  	s25 =	simm.s32 $0x1B8E;
	s24 =	sld [smem:$0x3FFE];
	[sflag:s23] =	ssyncadd.s32 $0xFFFFFFFF  }
0xa5: {  	s26 =	simm.s32 $execute0_lowered;
	[smem:$0x3FD2] =	sst s25  }
0xa6: {  	s4 =	sshll.u32 s26, $0x1;
	_ =	strace $0x8000004C;
	[dreg:$0x1] =	wrdreg $0xFFFFFFFF  }
0xa7: {  	s28 =	simm.s32 $_size_execute0_lowered;
	s2 =	sadd.s32 s2, s4;
	[dreg:$0x0] =	wrdreg $0x0  }
0xa8: {  	s4 =	sshll.u32 s28, $0x1;
	[dreg:$0x2] =	wrdreg s2  }
0xa9: {  	[dreg:$0x3] =	wrdreg s4  }
0xaa: {  	[dreg:$0x4] =	wrdreg $0xC0  }
0xab: {  	_ =	task [dreg:s6], $0x5FFFF  }
0xac: {  	[dreg:$0x1] =	wrdreg $0xFFFFFFFF  }
0xad: {  	[dreg:$0x0] =	wrdreg $0x60  }
0xae: {  	[dreg:$0x2] =	wrdreg s24  }
0xaf: {  	[dreg:$0x3] =	wrdreg $0x90000  }
0xb0: {  	[dreg:$0x4] =	wrdreg $0x9  }
0xb1: {  	_ =	task.clear_ibuf [dreg:s6], $0x5FFFF;
	_ =	strace $0x9000004C  }
0xb2: {  	s29 =	simm.s32 $0x9;
	_ =	strace $0x8000004E  }
0xb3: {  	_ =	swait.ge [sflag:s29], $0x1  }
0xb4: {  	[sflag:s29] =	ssyncadd.s32 $0xFFFFFFFF  }
0xb5: {  	_ =	strace $0x9000004E  }
0xb6: {  	_ =	sfence  }
0xb7: {  	s30 =	sld [smem:$0x0];
	_ =	sdelay $0x2  }
0xb8: {  	s31 =	sshll.u32 s1, $0xD;
	s1 =	sshrl.u32 s1, $0x2  }
0xb9: {  	s3 =	sand.u32 $0x4000, s31;
	s1 =	sadd.s32 s1, s30  }
0xba: {  	s0 =	sor.u32 s3, s0;
	s1 =	sshll.u32 s1, $0x11  }
0xbb: {  	s0 =	sor.u32 s1, s0  }
0xbc: {  	s0 =	sadd.s32 $0x8F2B, s0  }
0xbd: {  	[sflag:s0] =	ssyncadd.remote.s32 $0x1  }
0xbe: {  	_ =	sfence.sel $0xFFFF  }
0xbf: {  	[dreg:$0x0] =	wrdreg $0xFFFFFFFF;
	(pc) =	sbr.abs _section_cstart, $3  }
0xc0: {  	[dreg:$0x1] =	wrdreg $0xFFFFFFFF  }
0xc1: {  	_ =	task.clear_ibuf [dreg:s6], $0x2FFFF;
	_ =	strace $0x9FFFFFFF  }
0xc2: {  	(tm) =	ssettm $0x7FFFFFFF  }
0xc3: {  	_ =	shalt  }
tec
execute0_lowered:
.L_overlay_start_1:
0x0: {  	(tag) =	ssettag $0x1  }
0x1: {  	s4 =	rddreg [dreg:$0x0]  }
0x2: {  	s0 =	srdreg.scid;
	s2 =	rddreg [dreg:$0x1];
	s3 =	simm.s32 $0x0  }
0x3: {  	s21 =	simm.s32 $0x1000;
	s22 =	simm.s32 $0x80;
	s7 =	sand.u32 $0x1, s0  }
0x4: {  	s23 =	simm.s32 $0x5000;
	s0 =	stileid.u32;
	s5 =	smul.u32 $0x500, s7  }
0x5: {  	s24 =	simm.s32 $0x1;
	s25 =	simm.s32 $0x2;
	s6 =	smul.u32 $0x50, s0  }
0x6: {  	[smem:$0x7FF] =	sst s3;
	s15 =	sadd.s32 $0x48C00, s4;
	s8 =	smul.u32 $0x50000, s0  }
0x7: {  	_ =	strace $0x8000004D;
	s26 =	ssub.s32 $0x2, s7;
	s10 =	smul.u32 $0x14000, s0  }
0x8: {  	s13 =	smul.u32 $0x140000, s7;
	s28 =	sshrl.u32 s26, $0x1;
	s5 =	sadd.s32 s6, s5  }
0x9: {  	s16 =	ssub.s32 s26, s28;
	s29 =	sshrl.u32 s8, $0x2;
	s11 =	sadd.s32 $0x4000, s10  }
0xa: {  	s14 =	sadd.s32 $0x8000, s10;
	s17 =	sadd.s32 $0xC000, s10;
	s12 =	sadd.s32 s10, s13  }
0xb: {  	s19 =	sadd.s32 $0x10000, s10;
	s26 =	simm.s32 $0x0;
	s5 =	sshll.u32 s5, $0x4  }
0xc: {  	s6 =	sadd.s32 s29, s2;
	s7 =	sadd.s32 s11, s2;
	s8 =	sadd.s32 s14, s2  }
0xd: {  	s9 =	sadd.s32 s17, s2;
	s12 =	sshrl.u32 s12, $0x3;
	s20 =	sadd.s32 s13, s11  }
0xe: {  	s10 =	sadd.s32 s19, s2;
	s14 =	sadd.s32 s13, s14;
	s17 =	sadd.s32 s13, s17  }
0xf: {  	s19 =	sadd.s32 s13, s19;
	s16 =	smax.u32 s16, $0x1;
	s18 =	sadd.s32 s5, s4  }
0x10: {  	s11 =	sadd.s32 s15, s12;
	s30 =	sshrl.u32 s20, $0x3;
	s14 =	sshrl.u32 s14, $0x3  }
0x11: {  	s17 =	sshrl.u32 s17, $0x3;
	s31 =	sshrl.u32 s19, $0x3;
	s19 =	simm.s32 $0x4  }
0x12: {  	s20 =	simm.s32 $0x800;
	s4 =	sadd.s32 $0x16C00, s18;
	s5 =	sadd.s32 $0xCC00, s18  }
0x13: {  	s12 =	sadd.s32 s15, s30;
	s13 =	sadd.s32 s15, s14;
	s14 =	sadd.s32 s15, s17  }
0x14: {  	v0 =	vimm.f32 $0.0e+00;
	s15 =	sadd.s32 s15, s31;
	s17 =	sadd.s32 $0xCC80, s18;
	s18 =	sadd.s32 $0x16C80, s18  }
.LBB2_1:
0x15: {  	[tilespmem:s3], [sflag:$0x4] =	stream.linear.gather [hbm4b:s4+s3], $0x400, $0x38;
	[tilespmem:$0x1D000] =	vst v63  }
0x16: {  	_ =	swait.ge [sflag:s19], $0x400  }
0x17: {  	[sflag:s19] =	ssyncset.done $0x0  }
0x18: {  	[sflag:s19] =	ssyncadd.s32 $0xFFFFFC00  }
0x19: {  	[tilespmem:s20], [sflag:$0x4] =	stream.linear.gather [hbm4b:s5+s3], $0x400, $0x38;
	[tilespmem:$0x1D000] =	vst v63  }
0x1a: {  	_ =	swait.ge [sflag:s19], $0x400  }
0x1b: {  	[sflag:s19] =	ssyncset.done $0x0  }
0x1c: {  	s28 =	simm.s32 $0x0;
	s29 =	simm.s32 $0x200;
	[sflag:s19] =	ssyncadd.s32 $0xFFFFFC00  }
.LBB2_2:
0x1d: {  	p0 =	sne.s32 s29, $0xFE00;
	[tilespmem:s28+$0x1070] =	vst v0  }
0x1e: {  	[tilespmem:s28+$0x1000] =	vst v0  }
0x1f: {  	[tilespmem:s28+$0x1010] =	vst v0  }
.Ltmp0:
0x20: {  	[tilespmem:s28+$0x1020] =	vst v0;
	(pc) =	sbr.rel @p0 .LBB2_2-.Ltmp0, $4  }
0x21: {  	[tilespmem:s28+$0x1030] =	vst v0  }
0x22: {  	[tilespmem:s28+$0x1040] =	vst v0  }
0x23: {  	[tilespmem:s28+$0x1050] =	vst v0  }
0x24: {  	[tilespmem:s28+$0x1060] =	vst v0;
	s28 =	sshra.s32 s29, $0x2;
	s29 =	sadd.s32 $0x200, s29  }
0x25: {  	[tilespmem:s28+$0x1070] =	vst v0  }
0x26: {  	[tilespmem:s28+$0x1000] =	vst v0  }
0x27: {  	[tilespmem:s28+$0x1010] =	vst v0  }
0x28: {  	[tilespmem:s28+$0x1020] =	vst v0  }
0x29: {  	[tilespmem:s28+$0x1030] =	vst v0  }
0x2a: {  	[tilespmem:s28+$0x1040] =	vst v0  }
0x2b: {  	[tilespmem:s28+$0x1050] =	vst v0  }
0x2c: {  	[tilespmem:s28+$0x1060] =	vst v0  }
0x2d: {  	[spmem:s6] =	stream.linear.scatter [tilespmem:s21], [sflag:$0x4], $0x4000, $0x38;
	[tilespmem:$0x1D000] =	vst v63  }
0x2e: {  	_ =	swait.ge [sflag:s19], $0x4000  }
0x2f: {  	[sflag:s19] =	ssyncset.done $0x0  }
0x30: {  	[sflag:s19] =	ssyncadd.s32 $0xFFFFC000  }
0x31: {  	[spmem:s7] =	stream.linear.scatter [tilespmem:s21], [sflag:$0x4], $0x4000, $0x38;
	[tilespmem:$0x1D000] =	vst v63  }
0x32: {  	_ =	swait.ge [sflag:s19], $0x4000  }
0x33: {  	[sflag:s19] =	ssyncset.done $0x0  }
0x34: {  	[sflag:s19] =	ssyncadd.s32 $0xFFFFC000  }
0x35: {  	[spmem:s8] =	stream.linear.scatter [tilespmem:s21], [sflag:$0x4], $0x4000, $0x38;
	[tilespmem:$0x1D000] =	vst v63  }
0x36: {  	_ =	swait.ge [sflag:s19], $0x4000  }
0x37: {  	[sflag:s19] =	ssyncset.done $0x0  }
0x38: {  	[sflag:s19] =	ssyncadd.s32 $0xFFFFC000  }
0x39: {  	[spmem:s9] =	stream.linear.scatter [tilespmem:s21], [sflag:$0x4], $0x4000, $0x38;
	[tilespmem:$0x1D000] =	vst v63  }
0x3a: {  	_ =	swait.ge [sflag:s19], $0x4000  }
0x3b: {  	[sflag:s19] =	ssyncset.done $0x0  }
0x3c: {  	[sflag:s19] =	ssyncadd.s32 $0xFFFFC000  }
0x3d: {  	[spmem:s10] =	stream.linear.scatter [tilespmem:s21], [sflag:$0x4], $0x4000, $0x38;
	[tilespmem:$0x1D000] =	vst v63  }
0x3e: {  	_ =	swait.ge [sflag:s19], $0x4000  }
0x3f: {  	[sflag:s19] =	ssyncset.done $0x0  }
0x40: {  	s28 =	simm.s32 $0x400;
	[sflag:s19] =	ssyncadd.s32 $0xFFFFC000  }
0x41: {  	s29 =	smov.u32 s18;
	s30 =	smov.u32 s17;
	[bflag:$0x0] =	sbarrier.arrive $0xFFFF  }
.LBB2_4:
0x42: {  	p0 =	seq.s32 s28, $0x2800  }
0x43: {  	s31 =	sand.u32 @!p0 $0x400, s28;
	s1 =	simm.s32 @!p0 $0x0  }
0x44: {  	[tilespmem:s31], [sflag:$0x3] =	stream.linear.gather @!p0 [hbm4b:s29+s1], $0x400, $0x38;
	[tilespmem:$0x1D000] =	vst v63  }
0x45: {  	s31 =	sor.u32 @!p0 $0x800, s31  }
0x46: {  	[tilespmem:s31], [sflag:$0x3] =	stream.linear.gather @!p0 [hbm4b:s30+s1], $0x400, $0x38;
	[tilespmem:$0x1D000] =	vst v63  }
0x47: {  	s31 =	sadd.s32 $0xFFFFFC00, s28  }
0x48: {  	s31 =	sand.u32 $0x400, s31  }
0x49: {  	[tilespmem:s21], [sflag:$0x1] =	stream.indirect.gather [spmem:s2], $0x80, s31, s22, $0xb8;
	[tilespmem:$0x1D000] =	vst v63  }
0x4a: {  	s1 =	sor.u32 $0x80, s31  }
0x4b: {  	[tilespmem:s23], [sflag:$0x2] =	stream.indirect.gather [spmem:s2], $0x80, s1, s22, $0xb8;
	[tilespmem:$0x1D000] =	vst v63  }
0x4c: {  	_ =	swait.ge [sflag:s24], $0x4000  }
0x4d: {  	[sflag:s24] =	ssyncset.done $0x0  }
0x4e: {  	s1 =	sor.u32 $0x800, s31;
	[sflag:s24] =	ssyncadd.s32 $0xFFFFC000  }
0x4f: {  	[spmem:s2] =	stream.indirect.scatter.add.f32 [tilespmem:s21], [sflag:$0x4], $0x80, s1, s22, $0xb8;
	[tilespmem:$0x1D000] =	vst v63  }
0x50: {  	_ =	swait.ge [sflag:s19], $0x4000  }
0x51: {  	[sflag:s19] =	ssyncset.done $0x0  }
0x52: {  	s1 =	sor.u32 $0x100, s31;
	[sflag:s19] =	ssyncadd.s32 $0xFFFFC000  }
0x53: {  	[tilespmem:s21], [sflag:$0x1] =	stream.indirect.gather [spmem:s2], $0x80, s1, s22, $0xb8;
	[tilespmem:$0x1D000] =	vst v63  }
0x54: {  	_ =	swait.ge [sflag:s25], $0x4000  }
0x55: {  	[sflag:s25] =	ssyncset.done $0x0  }
0x56: {  	s1 =	sor.u32 $0x880, s31;
	[sflag:s25] =	ssyncadd.s32 $0xFFFFC000  }
0x57: {  	[spmem:s2] =	stream.indirect.scatter.add.f32 [tilespmem:s23], [sflag:$0x4], $0x80, s1, s22, $0xb8;
	[tilespmem:$0x1D000] =	vst v63  }
0x58: {  	_ =	swait.ge [sflag:s19], $0x4000  }
0x59: {  	[sflag:s19] =	ssyncset.done $0x0  }
0x5a: {  	s1 =	sor.u32 $0x180, s31;
	[sflag:s19] =	ssyncadd.s32 $0xFFFFC000  }
0x5b: {  	[tilespmem:s23], [sflag:$0x2] =	stream.indirect.gather [spmem:s2], $0x80, s1, s22, $0xb8;
	[tilespmem:$0x1D000] =	vst v63  }
0x5c: {  	_ =	swait.ge [sflag:s24], $0x4000  }
0x5d: {  	[sflag:s24] =	ssyncset.done $0x0  }
0x5e: {  	s1 =	sor.u32 $0x900, s31;
	[sflag:s24] =	ssyncadd.s32 $0xFFFFC000  }
0x5f: {  	[spmem:s2] =	stream.indirect.scatter.add.f32 [tilespmem:s21], [sflag:$0x4], $0x80, s1, s22, $0xb8;
	[tilespmem:$0x1D000] =	vst v63  }
0x60: {  	_ =	swait.ge [sflag:s19], $0x4000  }
0x61: {  	[sflag:s19] =	ssyncset.done $0x0  }
0x62: {  	s1 =	sor.u32 $0x200, s31;
	[sflag:s19] =	ssyncadd.s32 $0xFFFFC000  }
0x63: {  	[tilespmem:s21], [sflag:$0x1] =	stream.indirect.gather [spmem:s2], $0x80, s1, s22, $0xb8;
	[tilespmem:$0x1D000] =	vst v63  }
0x64: {  	_ =	swait.ge [sflag:s25], $0x4000  }
0x65: {  	[sflag:s25] =	ssyncset.done $0x0  }
0x66: {  	s1 =	sor.u32 $0x980, s31;
	[sflag:s25] =	ssyncadd.s32 $0xFFFFC000  }
0x67: {  	[spmem:s2] =	stream.indirect.scatter.add.f32 [tilespmem:s23], [sflag:$0x4], $0x80, s1, s22, $0xb8;
	[tilespmem:$0x1D000] =	vst v63  }
0x68: {  	_ =	swait.ge [sflag:s19], $0x4000  }
0x69: {  	[sflag:s19] =	ssyncset.done $0x0  }
0x6a: {  	s1 =	sor.u32 $0x280, s31;
	[sflag:s19] =	ssyncadd.s32 $0xFFFFC000  }
0x6b: {  	[tilespmem:s23], [sflag:$0x2] =	stream.indirect.gather [spmem:s2], $0x80, s1, s22, $0xb8;
	[tilespmem:$0x1D000] =	vst v63  }
0x6c: {  	_ =	swait.ge [sflag:s24], $0x4000  }
0x6d: {  	[sflag:s24] =	ssyncset.done $0x0  }
0x6e: {  	s1 =	sor.u32 $0xA00, s31;
	[sflag:s24] =	ssyncadd.s32 $0xFFFFC000  }
0x6f: {  	[spmem:s2] =	stream.indirect.scatter.add.f32 [tilespmem:s21], [sflag:$0x4], $0x80, s1, s22, $0xb8;
	[tilespmem:$0x1D000] =	vst v63  }
0x70: {  	_ =	swait.ge [sflag:s19], $0x4000  }
0x71: {  	[sflag:s19] =	ssyncset.done $0x0  }
0x72: {  	s1 =	sor.u32 $0x300, s31;
	[sflag:s19] =	ssyncadd.s32 $0xFFFFC000  }
0x73: {  	[tilespmem:s21], [sflag:$0x1] =	stream.indirect.gather [spmem:s2], $0x80, s1, s22, $0xb8;
	[tilespmem:$0x1D000] =	vst v63  }
0x74: {  	_ =	swait.ge [sflag:s25], $0x4000  }
0x75: {  	[sflag:s25] =	ssyncset.done $0x0  }
0x76: {  	s1 =	sor.u32 $0xA80, s31;
	[sflag:s25] =	ssyncadd.s32 $0xFFFFC000  }
0x77: {  	[spmem:s2] =	stream.indirect.scatter.add.f32 [tilespmem:s23], [sflag:$0x4], $0x80, s1, s22, $0xb8;
	[tilespmem:$0x1D000] =	vst v63  }
0x78: {  	_ =	swait.ge [sflag:s19], $0x4000  }
0x79: {  	[sflag:s19] =	ssyncset.done $0x0  }
0x7a: {  	s1 =	sor.u32 $0x380, s31;
	[sflag:s19] =	ssyncadd.s32 $0xFFFFC000  }
0x7b: {  	[tilespmem:s23], [sflag:$0x2] =	stream.indirect.gather [spmem:s2], $0x80, s1, s22, $0xb8;
	[tilespmem:$0x1D000] =	vst v63  }
0x7c: {  	_ =	swait.ge [sflag:s24], $0x4000  }
0x7d: {  	[sflag:s24] =	ssyncset.done $0x0  }
0x7e: {  	s1 =	sor.u32 $0xB00, s31;
	[sflag:s24] =	ssyncadd.s32 $0xFFFFC000  }
0x7f: {  	[spmem:s2] =	stream.indirect.scatter.add.f32 [tilespmem:s21], [sflag:$0x4], $0x80, s1, s22, $0xb8;
	[tilespmem:$0x1D000] =	vst v63  }
0x80: {  	_ =	swait.ge [sflag:s19], $0x4000  }
0x81: {  	[sflag:s19] =	ssyncset.done $0x0  }
0x82: {  	[sflag:s19] =	ssyncadd.s32 $0xFFFFC000  }
0x83: {  	_ =	swait.ge [sflag:s25], $0x4000  }
0x84: {  	[sflag:s25] =	ssyncset.done $0x0  }
0x85: {  	s31 =	sor.u32 $0xB80, s31;
	[sflag:s25] =	ssyncadd.s32 $0xFFFFC000  }
0x86: {  	[spmem:s2] =	stream.indirect.scatter.add.f32 [tilespmem:s23], [sflag:$0x4], $0x80, s31, s22, $0xb8;
	[tilespmem:$0x1D000] =	vst v63  }
0x87: {  	_ =	swait.ge [sflag:s19], $0x4000  }
0x88: {  	s28 =	sadd.s32 @!p0 $0x400, s28;
	[sflag:s19] =	ssyncset.done $0x0  }
0x89: {  	p1 =	sne.s32 @!p0 s28, $0x2C00;
	s1 =	simm.s32 @!p0 $0x3;
	[sflag:s19] =	ssyncadd.s32 $0xFFFFC000  }
0x8a: {  	p1 =	por p0, !p1;
	_ =	swait.ge @!p0 [sflag:s1], $0x400  }
.Ltmp1:
0x8b: {  	[sflag:s1] =	ssyncset.done @!p0 $0x0;
	(pc) =	sbr.rel @!p1 .LBB2_4-.Ltmp1, $4  }
0x8c: {  	[sflag:s1] =	ssyncadd.s32 @!p0 $0xFFFFFC00  }
0x8d: {  	_ =	swait.ge @!p0 [sflag:s1], $0x400  }
0x8e: {  	[sflag:s1] =	ssyncset.done @!p0 $0x0  }
0x8f: {  	s29 =	sadd.s32 @!p0 $0x80, s29;
	s30 =	sadd.s32 @!p0 $0x80, s30;
	[sflag:s1] =	ssyncadd.s32 @!p0 $0xFFFFFC00  }
0x90: {  	s1 =	sshll.u32 s0, $0x6  }
0x91: {  	[bflag:$0x0] =	sbarrier.arrive $0xFFFF;
	s28 =	sshrl.u32 s6, $0x3;
	s1 =	sor.u32 $0x1C04, s1  }
0x92: {  	[hbm:s11], [sflag:s1] =	dma.local [spmem:s28], $0x800  }
0x93: {  	_ =	swait.ge [sflag:s19], $0x800  }
0x94: {  	[sflag:s19] =	ssyncset.done $0x0  }
0x95: {  	s31 =	sshrl.u32 s7, $0x3;
	[sflag:s19] =	ssyncadd.s32 $0xFFFFF800  }
0x96: {  	[hbm:s12], [sflag:s1] =	dma.local [spmem:s31], $0x800  }
0x97: {  	_ =	swait.ge [sflag:s19], $0x800  }
0x98: {  	[sflag:s19] =	ssyncset.done $0x0  }
0x99: {  	s29 =	sshrl.u32 s8, $0x3;
	[sflag:s19] =	ssyncadd.s32 $0xFFFFF800  }
0x9a: {  	[hbm:s13], [sflag:s1] =	dma.local [spmem:s29], $0x800  }
0x9b: {  	_ =	swait.ge [sflag:s19], $0x800  }
0x9c: {  	[sflag:s19] =	ssyncset.done $0x0  }
0x9d: {  	s30 =	sshrl.u32 s9, $0x3;
	[sflag:s19] =	ssyncadd.s32 $0xFFFFF800  }
0x9e: {  	[hbm:s14], [sflag:s1] =	dma.local [spmem:s30], $0x800  }
0x9f: {  	s26 =	sadd.s32 $0x1, s26;
	_ =	swait.ge [sflag:s19], $0x800  }
0xa0: {  	p0 =	sne.s32 s26, s16;
	[sflag:s19] =	ssyncset.done $0x0  }
.Ltmp2:
0xa1: {  	s31 =	sshrl.u32 s10, $0x3;
	[sflag:s19] =	ssyncadd.s32 $0xFFFFF800;
	(pc) =	sbr.rel @p0 .LBB2_1-.Ltmp2, $4  }
0xa2: {  	[hbm:s15], [sflag:s1] =	dma.local [spmem:s31], $0x800  }
0xa3: {  	_ =	swait.ge [sflag:s19], $0x800  }
0xa4: {  	[sflag:s19] =	ssyncset.done $0x0  }
0xa5: {  	[sflag:s19] =	ssyncadd.s32 $0xFFFFF800  }
0xa6: {  	_ =	sfence.sel $0x180000  }
0xa7: {  	[bflag:$0x0] =	sbarrier.arrive $0xFFFF  }
0xa8: {  	_ =	strace $0x9000004D  }
0xa9: {  	[bflag:$0x2] =	sbarrier.arrive $0xFFFF  }
0xaa: {  	p0 =	sne.s32 s0, $0x0;
	s0 =	rddreg [dreg:$0x2]  }
0xab: {  	s0 =	sadd.s32 @!p0 $0x100000, s0  }
0xac: {  	[sflag:s0] =	ssyncadd.tile.s32 @!p0 $0x1;
	_ =	shalt  }
.Lfunc_end2:
_tile_overlayer_lowered:
.L_overlay_start_2:
0xad: {  	(tag) =	ssettag $0x2  }
0xae: {  	s0 =	rddreg [dreg:$0x0];
	s2 =	stileid.u32  }
0xaf: {  	s1 =	rddreg [dreg:$0x1];
	p0 =	sne.s32 s2, $0x0  }
0xb0: {  	s3 =	rddreg [dreg:$0x2];
	[bflag:$0x3] =	sbarrier.arrive $0xFFFF;
	s2 =	simm.s32 @!p0 $0x1C04  }
0xb1: {  	[timem:s3], [sflag:s2] =	dma.local @!p0 [hbm:s0], s1  }
0xb2: {  	s0 =	simm.s32 @!p0 $0x4  }
0xb3: {  	_ =	swait.ge @!p0 [sflag:s0], s1  }
0xb4: {  	s1 =	ssub.s32 @!p0 $0x0, s1;
	[sflag:s0] =	ssyncset.done @!p0 $0x0  }
0xb5: {  	[sflag:s0] =	ssyncadd.s32 @!p0 s1  }
0xb6: {  	[bflag:$0x3] =	sbarrier.arrive $0xFFFF  }
0xb7: {  	_ =	shalt  }

// kernel: kernel.8.cloned.1.call-start
scs
__scs_entry_jumppad:
0x0: {  	(pc) =	sbr.rel $0x88, $3  }
0x1: {  	(tag) =	ssettag $0x0;
	lr =	simm.s32 $0x1  }
0x2: {  	[smem:$0x3F99] =	sst lr;
	_ =	strace $0xD0000000  }
0x3: {  	_ = 	snop  }
0x4: {  	_ = 	snop  }
0x5: {  	_ = 	snop  }
0x6: {  	_ = 	snop  }
0x7: {  	_ = 	snop  }
__scs_overlays_trampoline_lowered:
0x8: {  	[smem:$0x3FA8] =	sst s0  }
0x9: {  	[smem:$0x3FA9] =	sst s1  }
0xa: {  	[smem:$0x3FAA] =	sst s2  }
0xb: {  	[smem:$0x3FAB] =	sst s3  }
0xc: {  	[smem:$0x3FAC] =	sst s4  }
0xd: {  	[smem:$0x3FAD] =	sst s5  }
0xe: {  	[smem:$0x3FAE] =	sst s6  }
0xf: {  	[smem:$0x3FAF] =	sst s7  }
0x10: {  	[smem:$0x3FB0] =	sst s8  }
0x11: {  	[smem:$0x3FB1] =	sst s9;
	s0 =	simm.s32 @!p0 $0x0  }
0x12: {  	s1 =	sld [smem:$0x3F97];
	s0 =	simm.s32 @p0 $0x1  }
0x13: {  	[smem:$0x3FB2] =	sst s0;
	s0 =	simm.s32 @!p1 $0x0  }
0x14: {  	s2 =	sld [smem:$0x3F96];
	s0 =	simm.s32 @p1 $0x1  }
0x15: {  	[smem:$0x3FB3] =	sst s0;
	s0 =	simm.s32 @!p2 $0x0  }
0x16: {  	s3 =	sld [smem:$0x3FDB];
	s0 =	simm.s32 @p2 $0x1  }
0x17: {  	s4 =	simm.s32 $0x1BF5;
	[smem:$0x3FB5] =	sst s0  }
0x18: {  	s0 =	sld [smem:$0x3F98];
	_ =	swait.ge [sflag:s4], $0x0  }
0x19: {  	s7 =	sld [smem:$0x3F99]  }
0x1a: {  	s8 =	sadd.s32 $0xFFFFE003, lr  }
0x1b: {  	s9 =	sadd.s32 $0xFFFFFEF7, lr;
	s5 =	simm.s32 $0xFFFFFFFF;
	p2 =	slt.u32 s8, $0xFFFFF086  }
0x1c: {  	p1 =	slt.u32 s9, $0xF7A;
	s5 =	simm.s32 @!p2 $0x0  }
0x1d: {  	s5 =	simm.s32 @p1 $0x1;
	p0 =	seq.s32 s7, s2  }
0x1e: {  	s7 =	smul.u32 @!p0 $0xF7A, s2;
	p2 =	seq.s32 @!p0 s5, $0x0  }
0x1f: {  	s9 =	smul.u32 $0xF7A, s1;
	s8 =	simm.s32 @!p0 $0x1BF5;
	p2 =	por !p2, p0  }
0x20: {  	[sflag:s8] =	ssyncset.s32 @!p0 $0xFFFFF086;
	s6 =	sadd.s32 @!p0 s3, s7;
	s7 =	simm.s32 @!p0 $0x108  }
0x21: {  	s3 =	sadd.s32 s3, s9;
	s6 =	sadd.s32 @!p0 $0x88, s6;
	s7 =	simm.s32 @p2 $0x1082  }
0x22: {  	[simem:s7], [sflag:s8] =	dma.local @!p0 [hbm:s6], $0xF7A  }
0x23: {  	s9 =	sor.u32 $0xD0000000, s2;
	s6 =	simm.s32 $0x108;
	_ =	swait.ge @!p0 [sflag:s8], $0x0  }
0x24: {  	s3 =	sadd.s32 $0x88, s3;
	s6 =	simm.s32 @!p1 $0x1082;
	[sflag:s4] =	ssyncset.s32 $0xFFFFF086  }
0x25: {  	[simem:s6], [sflag:s4] =	dma.local [hbm:s3], $0xF7A  }
0x26: {  	[smem:$0x3F99] =	sst s1;
	(tag) =	ssettag s2;
	_ =	strace s9  }
0x27: {  	s1 =	sld [smem:$0x3FA9]  }
0x28: {  	s2 =	sld [smem:$0x3FAA]  }
0x29: {  	s4 =	sld [smem:$0x3FAC]  }
0x2a: {  	p0 =	seq.s32 s5, $0x0;
	s5 =	sld [smem:$0x3FAD]  }
0x2b: {  	s6 =	sld [smem:$0x3FAE]  }
0x2c: {  	s7 =	sld [smem:$0x3FAF]  }
0x2d: {  	s3 =	simm.s32 $0x108;
	s8 =	sld [smem:$0x3FB0]  }
0x2e: {  	s3 =	simm.s32 @!p0 $0x1082;
	s9 =	sld [smem:$0x3FB1]  }
0x2f: {  	lr =	sadd.s32 s0, s3;
	s0 =	sld [smem:$0x3FA8]  }
0x30: {  	s3 =	sld [smem:$0x3FAB]  }
0x31: {  	[smem:$0x3FB4] =	sst s10  }
0x32: {  	s10 =	sld [smem:$0x3FB2];
	_ =	sdelay $0x3  }
0x33: {  	p0 =	seq.s32 s10, $0x1;
	s10 =	sld [smem:$0x3FB4];
	_ =	sdelay $0x3  }
0x34: {  	[smem:$0x3FB4] =	sst s10  }
0x35: {  	s10 =	sld [smem:$0x3FB3];
	_ =	sdelay $0x3  }
0x36: {  	p1 =	seq.s32 s10, $0x1;
	s10 =	sld [smem:$0x3FB4];
	_ =	sdelay $0x3  }
0x37: {  	[smem:$0x3FB4] =	sst s10  }
0x38: {  	s10 =	sld [smem:$0x3FB5]  }
0x39: {  	_ = 	snop;
	(pc) =	sbr.ind lr, $3  }
0x3a: {  	_ = 	snop  }
0x3b: {  	_ = 	snop  }
0x3c: {  	p2 =	seq.s32 s10, $0x1;
	s10 =	sld [smem:$0x3FB4]  }
0x3d: {  	_ =	shalt  }
0x3e: {  	_ =	shalt  }
0x3f: {  	_ =	shalt  }
0x40: {  	_ =	shalt  }
0x41: {  	_ =	shalt  }
0x42: {  	_ =	shalt  }
0x43: {  	_ =	shalt  }
0x44: {  	_ =	shalt  }
0x45: {  	_ =	shalt  }
0x46: {  	_ =	shalt  }
0x47: {  	_ =	shalt  }
0x48: {  	_ =	shalt  }
0x49: {  	_ =	shalt  }
0x4a: {  	_ =	shalt  }
0x4b: {  	_ =	shalt  }
0x4c: {  	_ =	shalt  }
0x4d: {  	_ =	shalt  }
0x4e: {  	_ =	shalt  }
0x4f: {  	_ =	shalt  }
0x50: {  	_ =	shalt  }
0x51: {  	_ =	shalt  }
0x52: {  	_ =	shalt  }
0x53: {  	_ =	shalt  }
0x54: {  	_ =	shalt  }
0x55: {  	_ =	shalt  }
0x56: {  	_ =	shalt  }
0x57: {  	_ =	shalt  }
0x58: {  	_ =	shalt  }
0x59: {  	_ =	shalt  }
0x5a: {  	_ =	shalt  }
0x5b: {  	_ =	shalt  }
0x5c: {  	_ =	shalt  }
0x5d: {  	_ =	shalt  }
0x5e: {  	_ =	shalt  }
0x5f: {  	_ =	shalt  }
0x60: {  	_ =	shalt  }
0x61: {  	_ =	shalt  }
0x62: {  	_ =	shalt  }
0x63: {  	_ =	shalt  }
0x64: {  	_ =	shalt  }
0x65: {  	_ =	shalt  }
0x66: {  	_ =	shalt  }
0x67: {  	_ =	shalt  }
0x68: {  	_ =	shalt  }
0x69: {  	_ =	shalt  }
0x6a: {  	_ =	shalt  }
0x6b: {  	_ =	shalt  }
0x6c: {  	_ =	shalt  }
0x6d: {  	_ =	shalt  }
0x6e: {  	_ =	shalt  }
0x6f: {  	_ =	shalt  }
0x70: {  	_ =	shalt  }
0x71: {  	_ =	shalt  }
0x72: {  	_ =	shalt  }
0x73: {  	_ =	shalt  }
0x74: {  	_ =	shalt  }
0x75: {  	_ =	shalt  }
0x76: {  	_ =	shalt  }
0x77: {  	_ =	shalt  }
0x78: {  	_ =	shalt  }
0x79: {  	_ =	shalt  }
0x7a: {  	_ =	shalt  }
0x7b: {  	_ =	shalt  }
0x7c: {  	_ =	shalt  }
0x7d: {  	_ =	shalt  }
0x7e: {  	_ =	shalt  }
0x7f: {  	_ =	shalt  }
0x80: {  	_ =	shalt  }
0x81: {  	_ =	shalt  }
0x82: {  	_ =	shalt  }
0x83: {  	_ =	shalt  }
0x84: {  	_ =	shalt  }
0x85: {  	_ =	shalt  }
0x86: {  	_ =	shalt  }
0x87: {  	_ =	shalt  }
.Lfunc_end0:
.L_simem_size_0:
called_computation_lowered:
.L_overlay_start_0:
0x88: {  	s2 =	sld [smem:$0x3FD9]  }
0x89: {  	s3 =	sld [smem:$0x3FFE];
	_ =	sdelay $0x1  }
0x8a: {  	s1 =	srdreg.scid  }
0x8b: {  	s0 =	sand.u32 $0x1, s1  }
0x8c: {  	s17 =	sshll.u32 s0, $0xA;
	s2 =	sadd.s32 s3, s2  }
0x8d: {  	s2 =	sadd.s32 s2, s17  }
0x8e: {  	[smem:$0x3FC0] =	sst s2  }
0x8f: {  	_ = 	snop  }
0x90: {  	s2 =	sld [smem:$0x3FD0];
	(tm) =	ssettm $0x1  }
0x91: {  	s18 =	sld [smem:$0x3FFB];
	_ =	sdelay $0x3  }
0x92: {  	_ =	strace s18  }
0x93: {  	s3 =	sld [smem:$0x3FFC];
	_ =	sdelay $0x3  }
0x94: {  	_ =	strace s3  }
0x95: {  	s3 =	sld [smem:$0x3FFD];
	_ =	sdelay $0x3  }
0x96: {  	_ =	strace s3  }
0x97: {  	_ =	strace $0x8FFFFFFF  }
0x98: {  	s19 =	sld [smem:$0x3FDB];
	_ =	sdelay $0x1  }
0x99: {  	s4 =	simm.s32 $_scs_section_size  }
0x9a: {  	s5 =	simm.s32 $_size__tile_overlayer_lowered;
	s6 =	simm.s32 $_tile_overlayer_lowered  }
0x9b: {  	s22 =	simm.s32 $0x1BFF;
	s21 =	sshll.u32 s6, $0x1;
	s3 =	sadd.s32 s4, s19  }
0x9c: {  	s7 =	simm.s32 $0x0;
	s20 =	sshll.u32 s5, $0x1;
	s5 =	sadd.s32 s21, s3  }
0x9d: {  	[timem:s7], [sflag:s22] =	dma.local [hbm:s5], s20  }
0x9e: {  	_ =	swait.ge [sflag:s22], s20  }
0x9f: {  	s4 =	ssub.s32 $0x0, s20;
	[sflag:s22] =	ssyncset.done $0x0  }
0xa0: {  	[sflag:s22] =	ssyncadd.s32 s4;
	_ =	sdelay $0x1  }
0xa1: {  	s23 =	simm.s32 $0x1B8B  }
0xa2: {  	_ =	swait.ge [sflag:s23], $0x1  }
0xa3: {  	[sflag:s23] =	ssyncset.done $0x0  }
0xa4: {  	s25 =	simm.s32 $0x1B8E;
	s24 =	sld [smem:$0x3FFE];
	[sflag:s23] =	ssyncadd.s32 $0xFFFFFFFF  }
0xa5: {  	s26 =	simm.s32 $execute0_lowered;
	[smem:$0x3FD2] =	sst s25  }
0xa6: {  	s5 =	sshll.u32 s26, $0x1;
	_ =	strace $0x80000046;
	[dreg:$0x1] =	wrdreg $0xFFFFFFFF  }
0xa7: {  	s28 =	simm.s32 $_size_execute0_lowered;
	s3 =	sadd.s32 s3, s5;
	[dreg:$0x0] =	wrdreg $0x0  }
0xa8: {  	s5 =	sshll.u32 s28, $0x1;
	[dreg:$0x2] =	wrdreg s3  }
0xa9: {  	[dreg:$0x3] =	wrdreg s5  }
0xaa: {  	[dreg:$0x4] =	wrdreg $0xC0  }
0xab: {  	_ =	task [dreg:s7], $0x5FFFF  }
0xac: {  	[dreg:$0x1] =	wrdreg $0xFFFFFFFF  }
0xad: {  	[dreg:$0x0] =	wrdreg $0x60  }
0xae: {  	[dreg:$0x2] =	wrdreg s24  }
0xaf: {  	[dreg:$0x3] =	wrdreg s2  }
0xb0: {  	[dreg:$0x4] =	wrdreg $0x2B000  }
0xb1: {  	[dreg:$0x5] =	wrdreg $0x9  }
0xb2: {  	_ =	task.clear_ibuf [dreg:s7], $0x6FFFF;
	_ =	strace $0x90000046  }
0xb3: {  	s29 =	simm.s32 $0x9;
	_ =	strace $0x80000048  }
0xb4: {  	_ =	swait.ge [sflag:s29], $0x1  }
0xb5: {  	[sflag:s29] =	ssyncadd.s32 $0xFFFFFFFF  }
0xb6: {  	_ =	strace $0x90000048  }
0xb7: {  	_ =	sfence  }
0xb8: {  	s30 =	sld [smem:$0x0];
	_ =	sdelay $0x2  }
0xb9: {  	s31 =	sshll.u32 s1, $0xD;
	s1 =	sshrl.u32 s1, $0x2  }
0xba: {  	s3 =	sand.u32 $0x4000, s31;
	s1 =	sadd.s32 s1, s30  }
0xbb: {  	s0 =	sor.u32 s3, s0;
	s1 =	sshll.u32 s1, $0x11  }
0xbc: {  	s0 =	sor.u32 s1, s0  }
0xbd: {  	s0 =	sadd.s32 $0x8F2B, s0  }
0xbe: {  	[sflag:s0] =	ssyncadd.remote.s32 $0x1  }
0xbf: {  	_ =	sfence.sel $0xFFFF  }
0xc0: {  	[dreg:$0x0] =	wrdreg $0xFFFFFFFF;
	(pc) =	sbr.abs _section_cstart, $3  }
0xc1: {  	[dreg:$0x1] =	wrdreg $0xFFFFFFFF  }
0xc2: {  	_ =	task.clear_ibuf [dreg:s7], $0x2FFFF;
	_ =	strace $0x9FFFFFFF  }
0xc3: {  	(tm) =	ssettm $0x7FFFFFFF  }
tec
execute0_lowered:
.L_overlay_start_1:
0x0: {  	(tag) =	ssettag $0x1  }
0x1: {  	s4 =	rddreg [dreg:$0x0]  }
0x2: {  	s0 =	srdreg.scid;
	s6 =	rddreg [dreg:$0x1]  }
0x3: {  	s2 =	rddreg [dreg:$0x2];
	s1 =	stileid.u32  }
0x4: {  	s3 =	simm.s32 $0x0;
	s11 =	simm.s32 $0x2800;
	s12 =	simm.s32 $0x1  }
0x5: {  	s15 =	simm.s32 $0x20;
	s16 =	simm.s32 $0x10;
	s17 =	simm.s32 $0x0  }
0x6: {  	s5 =	sand.u32 $0x1, s0;
	s0 =	rddreg [dreg:$0x3];
	s8 =	smul.u32 $0x500, s1  }
0x7: {  	[smem:$0x7FF] =	sst s3;
	s10 =	smul.u32 $0xA00, s1;
	s13 =	sshll.u32 s1, $0x6  }
0x8: {  	s7 =	sshll.u32 s5, $0x4;
	_ =	strace $0x80000047;
	s9 =	ssub.s32 $0x2, s5  }
0x9: {  	s5 =	sshll.u32 s5, $0x7;
	s13 =	sor.u32 $0x1C02, s13;
	s7 =	sor.u32 s1, s7  }
0xa: {  	s28 =	sshrl.u32 s9, $0x1;
	s5 =	sor.u32 s5, s8;
	s30 =	sshrl.u32 s10, $0x2  }
0xb: {  	s8 =	simm.s32 $0x2880;
	s10 =	simm.s32 $0x80;
	s7 =	smul.u32 $0x500, s7  }
0xc: {  	s29 =	ssub.s32 s9, s28;
	s31 =	sshrl.u32 s5, $0x3;
	s9 =	simm.s32 $0x2  }
0xd: {  	s6 =	sadd.s32 s6, s31;
	s7 =	sadd.s32 s7, s4;
	s4 =	sadd.s32 s30, s2  }
0xe: {  	v0 =	vimm.f32 $1.000000000e+00;
	v1 =	vimm.f32 $0.0e+00;
	s5 =	sadd.s32 $0x2C00, s7;
	s7 =	smax.u32 s29, $0x1;
	s14 =	sshrl.u32 s4, $0x3  }
.LBB2_1:
0xf: {  	[tilespmem:$0x2800] =	vst v0  }
0x10: {  	[tilespmem:$0x2810] =	vst v0  }
0x11: {  	[tilespmem:$0x2820] =	vst v0  }
0x12: {  	[tilespmem:$0x2830] =	vst v0  }
0x13: {  	[tilespmem:$0x2840] =	vst v0  }
0x14: {  	[tilespmem:$0x2850] =	vst v0  }
0x15: {  	[tilespmem:$0x2860] =	vst v0  }
0x16: {  	[tilespmem:$0x2870] =	vst v0  }
0x17: {  	[tilespmem:$0x2880] =	vst v1  }
0x18: {  	[tilespmem:$0x2890] =	vst v1  }
0x19: {  	[tilespmem:$0x28A0] =	vst v1  }
0x1a: {  	[tilespmem:$0x28B0] =	vst v1  }
0x1b: {  	[tilespmem:$0x28C0] =	vst v1  }
0x1c: {  	[tilespmem:$0x28D0] =	vst v1  }
0x1d: {  	[tilespmem:$0x28E0] =	vst v1  }
0x1e: {  	[tilespmem:$0x28F0] =	vst v1  }
0x1f: {  	[tilespmem:$0x2900] =	vst v1  }
0x20: {  	[tilespmem:$0x2910] =	vst v1  }
0x21: {  	[tilespmem:$0x2920] =	vst v1  }
0x22: {  	[tilespmem:$0x2930] =	vst v1  }
0x23: {  	[tilespmem:$0x2940] =	vst v1  }
0x24: {  	[tilespmem:$0x2950] =	vst v1  }
0x25: {  	[tilespmem:$0x2960] =	vst v1  }
0x26: {  	[tilespmem:$0x2970] =	vst v1  }
0x27: {  	[tilespmem:$0x2980] =	vst v1  }
0x28: {  	[tilespmem:$0x2990] =	vst v1  }
0x29: {  	[tilespmem:$0x29A0] =	vst v1  }
0x2a: {  	[tilespmem:$0x29B0] =	vst v1  }
0x2b: {  	[tilespmem:$0x29C0] =	vst v1  }
0x2c: {  	[tilespmem:$0x29D0] =	vst v1  }
0x2d: {  	[tilespmem:$0x29E0] =	vst v1  }
0x2e: {  	[tilespmem:$0x29F0] =	vst v1  }
0x2f: {  	[tilespmem:$0x2A00] =	vst v1  }
0x30: {  	[tilespmem:$0x2A10] =	vst v1  }
0x31: {  	[tilespmem:$0x2A20] =	vst v1  }
0x32: {  	[tilespmem:$0x2A30] =	vst v1  }
0x33: {  	[tilespmem:$0x2A40] =	vst v1  }
0x34: {  	[tilespmem:$0x2A50] =	vst v1  }
0x35: {  	[tilespmem:$0x2A60] =	vst v1  }
0x36: {  	[tilespmem:$0x2A70] =	vst v1  }
0x37: {  	[tilespmem:$0x2A80] =	vst v1  }
0x38: {  	[tilespmem:$0x2A90] =	vst v1  }
0x39: {  	[tilespmem:$0x2AA0] =	vst v1  }
0x3a: {  	[tilespmem:$0x2AB0] =	vst v1  }
0x3b: {  	[tilespmem:$0x2AC0] =	vst v1  }
0x3c: {  	[tilespmem:$0x2AD0] =	vst v1  }
0x3d: {  	[tilespmem:$0x2AE0] =	vst v1  }
0x3e: {  	[tilespmem:$0x2AF0] =	vst v1  }
0x3f: {  	[spmem:s4] =	stream.linear.scatter [tilespmem:s8], [sflag:$0x2], $0x280, $0x38;
	[tilespmem:$0x2D80] =	vst v63  }
0x40: {  	_ =	swait.ge [sflag:s9], $0x280  }
0x41: {  	[sflag:s9] =	ssyncset.done $0x0  }
0x42: {  	[sflag:s9] =	ssyncadd.s32 $0xFFFFFD80  }
0x43: {  	[tilespmem:s3], [sflag:$0x2] =	stream.linear.gather [hbm4b:s5+s3], $0x2800, $0x38;
	[tilespmem:$0x2D80] =	vst v63  }
0x44: {  	_ =	swait.ge [sflag:s9], $0x2800  }
0x45: {  	[sflag:s9] =	ssyncset.done $0x0  }
0x46: {  	[sflag:s9] =	ssyncadd.s32 $0xFFFFD800  }
0x47: {  	s18 =	simm.s32 $0x0;
	[bflag:$0x0] =	sbarrier.arrive $0xFFFF  }
0x48: {  	[spmem:s2] =	stream.indirect.scatter.add.f32 [tilespmem:s11], [sflag:$0x1], $0x1, s18, s10, $0xb8;
	[tilespmem:$0x2D80] =	vst v63  }
0x49: {  	_ =	swait.ge [sflag:s12], $0x80  }
0x4a: {  	s18 =	simm.s32 $0x200;
	[sflag:s12] =	ssyncset.done $0x0  }
.LBB2_2:
0x4b: {  	s19 =	sshra.s32 s18, $0x2;
	[sflag:s12] =	ssyncadd.s32 $0xFFFFFF80;
	p0 =	sne.s32 s18, $0x9E00  }
0x4c: {  	[spmem:s2] =	stream.indirect.scatter.add.f32 [tilespmem:s11], [sflag:$0x1], $0x1, s19, s10, $0xb8;
	[tilespmem:$0x2D80] =	vst v63  }
.Ltmp0:
0x4d: {  	_ = 	snop;
	(pc) =	sbr.rel @p0 .LBB2_2-.Ltmp0, $4  }
0x4e: {  	_ = 	snop  }
0x4f: {  	s18 =	sadd.s32 $0x200, s18  }
0x50: {  	_ =	swait.ge [sflag:s12], $0x80  }
0x51: {  	[sflag:s12] =	ssyncset.done $0x0  }
0x52: {  	s17 =	sadd.s32 $0x1, s17  }
0x53: {  	[sflag:s12] =	ssyncadd.s32 $0xFFFFFF80;
	p0 =	sne.s32 s17, s7  }
.Ltmp1:
0x54: {  	[bflag:$0x0] =	sbarrier.arrive $0xFFFF;
	(pc) =	sbr.rel @p0 .LBB2_1-.Ltmp1, $4  }
0x55: {  	[hbm:s6@s15], [sflag:s13] =	dma.strided [spmem:s14@s16], $0x50, s12, $0x10   }
0x56: {  	_ =	swait.ge [sflag:s9], $0x50  }
0x57: {  	[sflag:s9] =	ssyncset.done $0x0  }
0x58: {  	[sflag:s9] =	ssyncadd.s32 $0xFFFFFFB0  }
0x59: {  	_ =	sfence.sel $0x180000  }
0x5a: {  	[bflag:$0x0] =	sbarrier.arrive $0xFFFF  }
0x5b: {  	p0 =	sne.s32 s1, $0x0;
	_ =	strace $0x90000047  }
0x5c: {  	s0 =	sadd.s32 @!p0 $0x100000, s0;
	[bflag:$0x2] =	sbarrier.arrive $0xFFFF  }
0x5d: {  	[sflag:s0] =	ssyncadd.tile.s32 @!p0 $0x1;
	_ =	shalt  }
.Lfunc_end2:
_tile_overlayer_lowered:
.L_overlay_start_2:
0x5e: {  	(tag) =	ssettag $0x2  }
0x5f: {  	s0 =	rddreg [dreg:$0x0];
	s2 =	stileid.u32  }
0x60: {  	s1 =	rddreg [dreg:$0x1];
	p0 =	sne.s32 s2, $0x0  }
0x61: {  	s3 =	rddreg [dreg:$0x2];
	[bflag:$0x3] =	sbarrier.arrive $0xFFFF;
	s2 =	simm.s32 @!p0 $0x1C02  }
0x62: {  	[timem:s3], [sflag:s2] =	dma.local @!p0 [hbm:s0], s1  }
0x63: {  	s0 =	simm.s32 @!p0 $0x2  }
0x64: {  	_ =	swait.ge @!p0 [sflag:s0], s1  }
0x65: {  	s1 =	ssub.s32 @!p0 $0x0, s1;
	[sflag:s0] =	ssyncset.done @!p0 $0x0  }
0x66: {  	[sflag:s0] =	ssyncadd.s32 @!p0 s1  }
0x67: {  	[bflag:$0x3] =	sbarrier.arrive $0xFFFF  }
0x68: {  	_ =	shalt  }

</sc_bundles>
